<compile_context>
chip_gen: v7x
topology: tpu7x:2x2x1
jax: 0.10.2.dev20260603
libtpu: 0.0.44.dev20260713+nightly
codegen_flags: <defaults>
</compile_context>

<pallas_src>
import functools

import jax
import jax.numpy as jnp
from jax import lax
from jax.experimental import pallas as pl
from jax.experimental.pallas import tpu as pltpu
from jax.experimental.pallas import tpu_sc as plsc

F32 = jnp.float32



def _pre_body(x_ref, wa_ref, wb_ref, p_ref, q_ref):
    xb = x_ref[...]
    p_ref[...] = jnp.dot(xb, wa_ref[...], preferred_element_type=F32)
    q_ref[...] = jnp.dot(xb, wb_ref[...], preferred_element_type=F32)


def _edge_body(gp_ref, gq_ref, rad_ref, ea_ref, w1r_ref, wea_ref, b1_ref,
               w2_ref, b2_ref, ef_ref):
    pre = (gp_ref[...] + gq_ref[...]
           + rad_ref[...] * w1r_ref[...]
           + jnp.dot(ea_ref[...], wea_ref[...], preferred_element_type=F32)
           + b1_ref[...])
    h = jnp.maximum(pre, 0.0)
    ef_ref[...] = jnp.maximum(
        jnp.dot(h, w2_ref[...], preferred_element_type=F32) + b2_ref[...], 0.0)


def _node_body(x_ref, agg2_ref, w1x_ref, w1a_ref, b1_ref, w2_ref,
               b2_ref, o_ref):
    agg = agg2_ref[0] + agg2_ref[1]
    h = jnp.maximum(
        jnp.dot(x_ref[...], w1x_ref[...], preferred_element_type=F32)
        + jnp.dot(agg, w1a_ref[...], preferred_element_type=F32)
        + b1_ref[...], 0.0)
    o_ref[...] = jnp.dot(h, w2_ref[...], preferred_element_type=F32) + b2_ref[...]



def _pick_group(epw):
    for g in range(128, 0, -8):
        if epw % g == 0 and (epw // g) % 2 == 1 and (epw // g - 1) % 4 == 0:
            return g
    raise ValueError(epw)


def _sc_gather_fn(N, E, D, NW, nc):
    EPW = E // NW
    G = _pick_group(EPW)
    NG = EPW // G
    NPAIR = (NG - 1) // 2
    mesh = plsc.VectorSubcoreMesh(core_axis_name="c", subcore_axis_name="s")

    def body(p_h, q_h, row_h, col_h, cx_h, cy_h, cz_h, gp_h, gq_h, rad_h,
             dump_h, dumpr_h,
             cxv, cyv, czv, radv0, radv1,
             rowv0, rowv1, colv0, colv1, bufP0, bufP1, bufQ0, bufQ1,
             semI0, semI1, semG0, semG1, semW0, semW1):
        rowv = (rowv0, rowv1)
        colv = (colv0, colv1)
        bufP = (bufP0, bufP1)
        bufQ = (bufQ0, bufQ1)
        radv = (radv0, radv1)
        semI = (semI0, semI1)
        semG = (semG0, semG1)
        semW = (semW0, semW1)
        cid = lax.axis_index("c")
        sid = lax.axis_index("s")
        wid = sid * nc + cid
        base = wid * EPW
        pltpu.sync_copy(cx_h, cxv)
        pltpu.sync_copy(cy_h, cyv)
        pltpu.sync_copy(cz_h, czv)

        def start_idx(s, g):
            off = base + g * G
            pltpu.async_copy(row_h.at[pl.ds(off, G)], rowv[s], semI[s])
            pltpu.async_copy(col_h.at[pl.ds(off, G)], colv[s], semI[s])

        def wait_idx(s):
            pltpu.make_async_copy(row_h.at[pl.ds(base, G)], rowv[s],
                                  semI[s]).wait()
            pltpu.make_async_copy(col_h.at[pl.ds(base, G)], colv[s],
                                  semI[s]).wait()

        def start_gather(s):
            pltpu.async_copy(p_h.at[rowv[s]], bufP[s], semG[s])
            pltpu.async_copy(q_h.at[colv[s]], bufQ[s], semG[s])

        def wait_gather(s):
            pltpu.make_async_copy(p_h.at[rowv[s]], bufP[s], semG[s]).wait()
            pltpu.make_async_copy(q_h.at[colv[s]], bufQ[s], semG[s]).wait()

        def start_wb(s, g):
            off = base + g * G
            pltpu.async_copy(bufP[s], gp_h.at[pl.ds(off, G)], semW[s])
            pltpu.async_copy(bufQ[s], gq_h.at[pl.ds(off, G)], semW[s])
            pltpu.async_copy(radv[s], rad_h.at[pl.ds(off, G)], semW[s])

        def wait_wb(s):
            pltpu.make_async_copy(bufP[s], gp_h.at[pl.ds(base, G)],
                                  semW[s]).wait()
            pltpu.make_async_copy(bufQ[s], gq_h.at[pl.ds(base, G)],
                                  semW[s]).wait()
            pltpu.make_async_copy(radv[s], rad_h.at[pl.ds(base, G)],
                                  semW[s]).wait()

        def compute(s):
            for k in range(G // 16):
                sl = pl.ds(k * 16, 16)
                r16 = rowv[s][sl]
                c16 = colv[s][sl]
                dx = (plsc.load_gather(cxv, [r16])
                      - plsc.load_gather(cxv, [c16]))
                dy = (plsc.load_gather(cyv, [r16])
                      - plsc.load_gather(cyv, [c16]))
                dz = (plsc.load_gather(czv, [r16])
                      - plsc.load_gather(czv, [c16]))
                radv[s][sl] = dx * dx + dy * dy + dz * dz

        start_idx(0, 0)
        start_idx(1, 1)
        for s in (0, 1):
            pltpu.async_copy(bufP[s], dump_h, semW[s])
            pltpu.async_copy(bufQ[s], dump_h, semW[s])
            pltpu.async_copy(radv[s], dumpr_h, semW[s])
        wait_idx(0)
        wait_wb(0)
        start_gather(0)

        def pair(i, carry):
            g0 = 2 * i
            wait_idx(1)
            wait_wb(1)
            start_gather(1)
            wait_gather(0)
            compute(0)
            start_wb(0, g0)
            start_idx(0, g0 + 2)
            wait_gather(1)
            compute(1)
            start_wb(1, g0 + 1)
            start_idx(1, jnp.minimum(g0 + 3, NG - 1))
            wait_idx(0)
            wait_wb(0)
            start_gather(0)
            return carry

        lax.fori_loop(0, NPAIR, pair, 0)
        wait_gather(0)
        compute(0)
        start_wb(0, NG - 1)
        wait_idx(1)
        wait_wb(0)
        wait_wb(1)

    return pl.kernel(
        body,
        out_type=[jax.ShapeDtypeStruct((E, D), F32),
                  jax.ShapeDtypeStruct((E, D), F32),
                  jax.ShapeDtypeStruct((E,), F32),
                  jax.ShapeDtypeStruct((G, D), F32),
                  jax.ShapeDtypeStruct((G,), F32)],
        mesh=mesh,
        compiler_params=pltpu.CompilerParams(needs_layout_passes=False),
        scratch_types=[
            pltpu.VMEM((N,), F32),
            pltpu.VMEM((N,), F32),
            pltpu.VMEM((N,), F32),
            pltpu.VMEM((G,), F32),
            pltpu.VMEM((G,), F32),
            pltpu.VMEM((G,), jnp.int32),
            pltpu.VMEM((G,), jnp.int32),
            pltpu.VMEM((G,), jnp.int32),
            pltpu.VMEM((G,), jnp.int32),
            pltpu.VMEM((G, D), F32),
            pltpu.VMEM((G, D), F32),
            pltpu.VMEM((G, D), F32),
            pltpu.VMEM((G, D), F32),
            pltpu.SemaphoreType.DMA,
            pltpu.SemaphoreType.DMA,
            pltpu.SemaphoreType.DMA,
            pltpu.SemaphoreType.DMA,
            pltpu.SemaphoreType.DMA,
            pltpu.SemaphoreType.DMA,
        ],
    )


def _sc_scatter_fn(N, E, D, NW, nc, ns):
    EPW = E // NW
    G = _pick_group(EPW)
    NG = EPW // G
    NPT = (N + ns * 8 - 1) // (ns * 8) * 8
    NP = NPT * ns
    mesh = plsc.VectorSubcoreMesh(core_axis_name="c", subcore_axis_name="s")

    NS = 4

    def body(ef_h, row_h, out_h, dump_h, aggs,
             efb0, efb1, efb2, efb3, rowv0, rowv1, rowv2, rowv3, zb,
             semI0, semI1, semI2, semI3, semS0, semS1, semS2, semS3):
        efb = (efb0, efb1, efb2, efb3)
        rowv = (rowv0, rowv1, rowv2, rowv3)
        semI = (semI0, semI1, semI2, semI3)
        semS = (semS0, semS1, semS2, semS3)
        cid = lax.axis_index("c")
        sid = lax.axis_index("s")
        wid = sid * nc + cid
        base = wid * EPW

        def zrow(r, carry):
            for j in range(D // 16):
                zb[r, pl.ds(j * 16, 16)] = jnp.zeros((16,), F32)
            return carry

        lax.fori_loop(0, 8, zrow, 0)

        def zcopy(k, carry):
            pltpu.sync_copy(zb, aggs.at[pl.ds(sid * NPT + k * 8, 8)])
            return carry

        lax.fori_loop(0, NPT // 8, zcopy, 0)
        plsc.subcore_barrier()

        def start_load(s, g):
            off = base + g * G
            pltpu.async_copy(row_h.at[pl.ds(off, G)], rowv[s], semI[s])
            pltpu.async_copy(ef_h.at[pl.ds(off, G)], efb[s], semI[s])

        def wait_load(s):
            pltpu.make_async_copy(row_h.at[pl.ds(base, G)], rowv[s],
                                  semI[s]).wait()
            pltpu.make_async_copy(ef_h.at[pl.ds(base, G)], efb[s],
                                  semI[s]).wait()

        def start_scat(s):
            pltpu.async_copy(efb[s], aggs.at[rowv[s]], semS[s], add=True)

        def wait_scat(s):
            pltpu.make_async_copy(efb[s], aggs.at[rowv[s]], semS[s]).wait()

        start_load(0, 0)
        start_load(1, 1)
        pltpu.async_copy(efb2, dump_h, semS2)
        pltpu.async_copy(efb3, dump_h, semS3)

        def block(b, carry):
            g0 = 4 * b
            for u in range(NS):
                g = g0 + u
                wait_load(u)
                start_scat(u)
                s2 = (u + 2) % NS
                wait_scat(s2)
                start_load(s2, jnp.minimum(g + 2, NG - 1))
            return carry

        lax.fori_loop(0, (NG - 1) // NS, block, 0)
        wait_load(0)
        start_scat(0)
        wait_load(1)
        wait_scat(2)
        wait_scat(3)
        wait_scat(0)
        plsc.subcore_barrier()
        pltpu.sync_copy(aggs.at[pl.ds(sid * NPT, NPT)],
                        out_h.at[cid, pl.ds(sid * NPT, NPT)])

    return pl.kernel(
        body,
        out_type=[jax.ShapeDtypeStruct((nc, NP, D), F32),
                  jax.ShapeDtypeStruct((G, D), F32)],
        mesh=mesh,
        compiler_params=pltpu.CompilerParams(needs_layout_passes=False),
        scratch_types=[
            pltpu.VMEM_SHARED((NP, D), F32),
            pltpu.VMEM((G, D), F32),
            pltpu.VMEM((G, D), F32),
            pltpu.VMEM((G, D), F32),
            pltpu.VMEM((G, D), F32),
            pltpu.VMEM((G,), jnp.int32),
            pltpu.VMEM((G,), jnp.int32),
            pltpu.VMEM((G,), jnp.int32),
            pltpu.VMEM((G,), jnp.int32),
            pltpu.VMEM((8, D), F32),
            pltpu.SemaphoreType.DMA,
            pltpu.SemaphoreType.DMA,
            pltpu.SemaphoreType.DMA,
            pltpu.SemaphoreType.DMA,
            pltpu.SemaphoreType.DMA,
            pltpu.SemaphoreType.DMA,
            pltpu.SemaphoreType.DMA,
            pltpu.SemaphoreType.DMA,
        ],
    )



def kernel(x, coord, edge_index, edge_attr, W1e, b1e, W2e, b2e,
           W1n, b1n, W2n, b2n):
    N, D = x.shape
    E = edge_index.shape[1]
    H = W2e.shape[0]
    info = plsc.get_sparse_core_info()
    nc, ns = info.num_cores, info.num_subcores
    NW = nc * ns

    row = edge_index[0].astype(jnp.int32)
    col = edge_index[1].astype(jnp.int32)
    cx = coord[:, 0].astype(F32)
    cy = coord[:, 1].astype(F32)
    cz = coord[:, 2].astype(F32)
    Wa = W1e[:D]
    Wb = W1e[D:2 * D]
    w1r = W1e[2 * D]
    Wea = W1e[2 * D + 1:]

    NB = 2000
    P, Q = pl.pallas_call(
        _pre_body,
        grid=(N // NB,),
        in_specs=[
            pl.BlockSpec((NB, D), lambda i: (i, 0)),
            pl.BlockSpec((D, H), lambda i: (0, 0)),
            pl.BlockSpec((D, H), lambda i: (0, 0)),
        ],
        out_specs=[
            pl.BlockSpec((NB, H), lambda i: (i, 0)),
            pl.BlockSpec((NB, H), lambda i: (i, 0)),
        ],
        out_shape=[
            jax.ShapeDtypeStruct((N, H), F32),
            jax.ShapeDtypeStruct((N, H), F32),
        ],
    )(x, Wa, Wb)

    gp, gq, rad, _, _ = _sc_gather_fn(N, E, D, NW, nc)(
        P, Q, row, col, cx, cy, cz)

    EB = 4000
    EA = edge_attr.shape[1]
    ef = pl.pallas_call(
        _edge_body,
        grid=(E // EB,),
        in_specs=[
            pl.BlockSpec((EB, H), lambda i: (i, 0)),
            pl.BlockSpec((EB, H), lambda i: (i, 0)),
            pl.BlockSpec((EB, 1), lambda i: (i, 0)),
            pl.BlockSpec((EB, EA), lambda i: (i, 0)),
            pl.BlockSpec((1, H), lambda i: (0, 0)),
            pl.BlockSpec((EA, H), lambda i: (0, 0)),
            pl.BlockSpec((1, H), lambda i: (0, 0)),
            pl.BlockSpec((H, H), lambda i: (0, 0)),
            pl.BlockSpec((1, H), lambda i: (0, 0)),
        ],
        out_specs=pl.BlockSpec((EB, H), lambda i: (i, 0)),
        out_shape=jax.ShapeDtypeStruct((E, H), F32),
    )(gp, gq, rad.reshape(E, 1), edge_attr, w1r.reshape(1, H), Wea,
      b1e.reshape(1, H), W2e, b2e.reshape(1, H))

    agg2, _ = _sc_scatter_fn(N, E, H, NW, nc, ns)(ef, row)

    out = pl.pallas_call(
        _node_body,
        grid=(N // NB,),
        in_specs=[
            pl.BlockSpec((NB, D), lambda i: (i, 0)),
            pl.BlockSpec((nc, NB, H), lambda i: (0, i, 0)),
            pl.BlockSpec((D, H), lambda i: (0, 0)),
            pl.BlockSpec((H, H), lambda i: (0, 0)),
            pl.BlockSpec((1, H), lambda i: (0, 0)),
            pl.BlockSpec((H, D), lambda i: (0, 0)),
            pl.BlockSpec((1, D), lambda i: (0, 0)),
        ],
        out_specs=pl.BlockSpec((NB, D), lambda i: (i, 0)),
        out_shape=jax.ShapeDtypeStruct((N, D), F32),
    )(x, agg2, W1n[:D], W1n[D:], b1n.reshape(1, H), W2n, b2n.reshape(1, D))

    return out

# --- scband reference (transcript-rebuilt; emitter-appended) ---
"""Pipeline reference for scband-e-gcl-2774548873773 (READ-ONLY COPY).

The authoritative reference and input builder live on the scoring server;
editing this copy changes nothing except your own understanding.
"""

import jax, jax.numpy as jnp
import numpy as np

N = 10000
E = 320000
D = 128
H = 128
EA = 16


def setup_inputs(seed: int = 0) -> dict:
    key = jax.random.key(seed)
    ks = jax.random.split(key, 14)
    x = jax.random.normal(ks[0], (N, D), dtype=jnp.float32)
    coord = jax.random.normal(ks[1], (N, 3), dtype=jnp.float32)
    edge_index = jax.random.randint(ks[2], (2, E), 0, N)
    edge_attr = jax.random.normal(ks[3], (E, EA), dtype=jnp.float32)
    in_edge = 2 * D + 1 + EA  # 273
    in_node = H + D  # 256
    W1e = jax.random.normal(ks[4], (in_edge, H), dtype=jnp.float32) / np.sqrt(in_edge)
    b1e = jnp.zeros((H,), dtype=jnp.float32)
    W2e = jax.random.normal(ks[5], (H, H), dtype=jnp.float32) / np.sqrt(H)
    b2e = jnp.zeros((H,), dtype=jnp.float32)
    W1n = jax.random.normal(ks[6], (in_node, H), dtype=jnp.float32) / np.sqrt(in_node)
    b1n = jnp.zeros((H,), dtype=jnp.float32)
    W2n = jax.random.normal(ks[7], (H, D), dtype=jnp.float32) / np.sqrt(H)
    b2n = jnp.zeros((D,), dtype=jnp.float32)
    return {"x": x, "coord": coord, "edge_index": edge_index, "edge_attr": edge_attr,
            "W1e": W1e, "b1e": b1e, "W2e": W2e, "b2e": b2e,
            "W1n": W1n, "b1n": b1n, "W2n": W2n, "b2n": b2n}


def reference(x, coord, edge_index, edge_attr, W1e, b1e, W2e, b2e, W1n, b1n, W2n, b2n):
    row = edge_index[0]
    col = edge_index[1]
    # coord2radial
    coord_diff = coord[row] - coord[col]
    radial = jnp.sum(coord_diff ** 2, axis=1, keepdims=True)
    # norm_diff=True normalization (coord_diff unused downstream since equivariant=False)
    norm = jnp.sqrt(radial) + 1.0
    coord_diff = coord_diff / norm
    # edge_model
    feat = jnp.concatenate([x[row], x[col], radial, edge_attr], axis=1)
    h = jax.nn.relu(feat @ W1e + b1e)
    edge_feat = jax.nn.relu(h @ W2e + b2e)
    # node_model: unsorted_segment_sum over row (dst) indices
    agg = jax.ops.segment_sum(edge_feat, row, num_segments=N)
    n_in = jnp.concatenate([x, agg], axis=1)
    out = jax.nn.relu(n_in @ W1n + b1n) @ W2n + b2n
    return out

if __name__ == "__main__":
    import jax
    _d = setup_inputs()
    print(jax.jit(kernel)(*tuple(_d.values())))

</pallas_src>

<mosaic_0001>
#map = affine_map<(d0, d1) -> (0, 0)>
#map1 = affine_map<(d0, d1) -> (0)>
#map2 = affine_map<(d0, d1) -> (0, 0, 0)>
module attributes {stable_mosaic.version = 14 : i64} {
  func.func @body(%arg0: i32, %arg1: i32, %arg2: memref<320000x128xf32, #tpu.memory_space<hbm>>, %arg3: memref<320000xi32, #tpu.memory_space<hbm>>, %arg4: memref<2x10112x128xf32, #tpu.memory_space<hbm>>, %arg5: memref<80x128xf32, #tpu.memory_space<hbm>>, %arg6: memref<10112x128xf32, #tpu.memory_space<vmem_shared>>, %arg7: memref<80x128xf32, #tpu.memory_space<vmem>>, %arg8: memref<80x128xf32, #tpu.memory_space<vmem>>, %arg9: memref<80x128xf32, #tpu.memory_space<vmem>>, %arg10: memref<80x128xf32, #tpu.memory_space<vmem>>, %arg11: memref<80xi32, #tpu.memory_space<vmem>>, %arg12: memref<80xi32, #tpu.memory_space<vmem>>, %arg13: memref<80xi32, #tpu.memory_space<vmem>>, %arg14: memref<80xi32, #tpu.memory_space<vmem>>, %arg15: memref<8x128xf32, #tpu.memory_space<vmem>>, %arg16: memref<!tpu.dma_semaphore, #tpu.memory_space<semaphore_mem>>, %arg17: memref<!tpu.dma_semaphore, #tpu.memory_space<semaphore_mem>>, %arg18: memref<!tpu.dma_semaphore, #tpu.memory_space<semaphore_mem>>, %arg19: memref<!tpu.dma_semaphore, #tpu.memory_space<semaphore_mem>>, %arg20: memref<!tpu.dma_semaphore, #tpu.memory_space<semaphore_mem>>, %arg21: memref<!tpu.dma_semaphore, #tpu.memory_space<semaphore_mem>>, %arg22: memref<!tpu.dma_semaphore, #tpu.memory_space<semaphore_mem>>, %arg23: memref<!tpu.dma_semaphore, #tpu.memory_space<semaphore_mem>>) attributes {dimension_semantics = [#tpu.dimension_semantics<core_parallel>, #tpu.dimension_semantics<subcore_parallel>], iteration_bounds = array<i64: 2, 16>, scalar_prefetch = 0 : i64, scratch_operands = 18 : i64, tpu.core_type = #tpu.core_type<sc_vector_subcore>, window_params = [{transform_indices = #map}, {transform_indices = #map1}, {transform_indices = #map2}, {transform_indices = #map}]} {
    %mul3A = arith.constant 2 : i32
    %mul3A_0 = arith.muli %arg1, %mul3A : i32
    %add3A = arith.addi %mul3A_0, %arg0 : i32
    %mul3A_1 = arith.constant 10000 : i32
    %mul3A_2 = arith.muli %add3A, %mul3A_1 : i32
    %scan3A = arith.constant 0 : i32
    %scan3A_3 = arith.constant 0 : i32
    %scan3A_4 = arith.constant 8 : i32
    %scan3A_5 = arith.addi %scan3A_3, %scan3A_4 : i32
    %scan3A_6 = arith.constant 1 : i32
    scf.for %scan3A_63 = %scan3A_3 to %scan3A_5 step %scan3A_6  : i32 {
      %broadcast_in_dim3A = arith.constant 0.000000e+00 : f32
      %broadcast_in_dim3A_64 = vector.broadcast %broadcast_in_dim3A : f32 to vector<16xf32>
      %swap3A = arith.index_cast %scan3A_63 : i32 to index
      %swap3A_65 = arith.constant 0 : index
      %swap3A_66 = tpu.vector_load %arg15[%swap3A, %swap3A_65] {strides = array<i32>} : memref<8x128xf32, #tpu.memory_space<vmem>>, vector<16xf32>,
      tpu.vector_store %arg15[%swap3A, %swap3A_65], %broadcast_in_dim3A_64 {strides = array<i32>} : memref<8x128xf32, #tpu.memory_space<vmem>>, vector<16xf32>,
      %broadcast_in_dim3A_67 = arith.constant 0.000000e+00 : f32
      %broadcast_in_dim3A_68 = vector.broadcast %broadcast_in_dim3A_67 : f32 to vector<16xf32>
      %swap3A_69 = arith.index_cast %scan3A_63 : i32 to index
      %swap3A_70 = arith.constant 16 : index
      %swap3A_71 = tpu.vector_load %arg15[%swap3A_69, %swap3A_70] {strides = array<i32>} : memref<8x128xf32, #tpu.memory_space<vmem>>, vector<16xf32>,
      tpu.vector_store %arg15[%swap3A_69, %swap3A_70], %broadcast_in_dim3A_68 {strides = array<i32>} : memref<8x128xf32, #tpu.memory_space<vmem>>, vector<16xf32>,
      %broadcast_in_dim3A_72 = arith.constant 0.000000e+00 : f32
      %broadcast_in_dim3A_73 = vector.broadcast %broadcast_in_dim3A_72 : f32 to vector<16xf32>
      %swap3A_74 = arith.index_cast %scan3A_63 : i32 to index
      %swap3A_75 = arith.constant 32 : index
      %swap3A_76 = tpu.vector_load %arg15[%swap3A_74, %swap3A_75] {strides = array<i32>} : memref<8x128xf32, #tpu.memory_space<vmem>>, vector<16xf32>,
      tpu.vector_store %arg15[%swap3A_74, %swap3A_75], %broadcast_in_dim3A_73 {strides = array<i32>} : memref<8x128xf32, #tpu.memory_space<vmem>>, vector<16xf32>,
      %broadcast_in_dim3A_77 = arith.constant 0.000000e+00 : f32
      %broadcast_in_dim3A_78 = vector.broadcast %broadcast_in_dim3A_77 : f32 to vector<16xf32>
      %swap3A_79 = arith.index_cast %scan3A_63 : i32 to index
      %swap3A_80 = arith.constant 48 : index
      %swap3A_81 = tpu.vector_load %arg15[%swap3A_79, %swap3A_80] {strides = array<i32>} : memref<8x128xf32, #tpu.memory_space<vmem>>, vector<16xf32>,
      tpu.vector_store %arg15[%swap3A_79, %swap3A_80], %broadcast_in_dim3A_78 {strides = array<i32>} : memref<8x128xf32, #tpu.memory_space<vmem>>, vector<16xf32>,
      %broadcast_in_dim3A_82 = arith.constant 0.000000e+00 : f32
      %broadcast_in_dim3A_83 = vector.broadcast %broadcast_in_dim3A_82 : f32 to vector<16xf32>
      %swap3A_84 = arith.index_cast %scan3A_63 : i32 to index
      %swap3A_85 = arith.constant 64 : index
      %swap3A_86 = tpu.vector_load %arg15[%swap3A_84, %swap3A_85] {strides = array<i32>} : memref<8x128xf32, #tpu.memory_space<vmem>>, vector<16xf32>,
      tpu.vector_store %arg15[%swap3A_84, %swap3A_85], %broadcast_in_dim3A_83 {strides = array<i32>} : memref<8x128xf32, #tpu.memory_space<vmem>>, vector<16xf32>,
      %broadcast_in_dim3A_87 = arith.constant 0.000000e+00 : f32
      %broadcast_in_dim3A_88 = vector.broadcast %broadcast_in_dim3A_87 : f32 to vector<16xf32>
      %swap3A_89 = arith.index_cast %scan3A_63 : i32 to index
      %swap3A_90 = arith.constant 80 : index
      %swap3A_91 = tpu.vector_load %arg15[%swap3A_89, %swap3A_90] {strides = array<i32>} : memref<8x128xf32, #tpu.memory_space<vmem>>, vector<16xf32>,
      tpu.vector_store %arg15[%swap3A_89, %swap3A_90], %broadcast_in_dim3A_88 {strides = array<i32>} : memref<8x128xf32, #tpu.memory_space<vmem>>, vector<16xf32>,
      %broadcast_in_dim3A_92 = arith.constant 0.000000e+00 : f32
      %broadcast_in_dim3A_93 = vector.broadcast %broadcast_in_dim3A_92 : f32 to vector<16xf32>
      %swap3A_94 = arith.index_cast %scan3A_63 : i32 to index
      %swap3A_95 = arith.constant 96 : index
      %swap3A_96 = tpu.vector_load %arg15[%swap3A_94, %swap3A_95] {strides = array<i32>} : memref<8x128xf32, #tpu.memory_space<vmem>>, vector<16xf32>,
      tpu.vector_store %arg15[%swap3A_94, %swap3A_95], %broadcast_in_dim3A_93 {strides = array<i32>} : memref<8x128xf32, #tpu.memory_space<vmem>>, vector<16xf32>,
      %broadcast_in_dim3A_97 = arith.constant 0.000000e+00 : f32
      %broadcast_in_dim3A_98 = vector.broadcast %broadcast_in_dim3A_97 : f32 to vector<16xf32>
      %swap3A_99 = arith.index_cast %scan3A_63 : i32 to index
      %swap3A_100 = arith.constant 112 : index
      %swap3A_101 = tpu.vector_load %arg15[%swap3A_99, %swap3A_100] {strides = array<i32>} : memref<8x128xf32, #tpu.memory_space<vmem>>, vector<16xf32>,
      tpu.vector_store %arg15[%swap3A_99, %swap3A_100], %broadcast_in_dim3A_98 {strides = array<i32>} : memref<8x128xf32, #tpu.memory_space<vmem>>, vector<16xf32>,
    }
    %scan3A_7 = arith.constant 8 : i32
    %scan3A_8 = arith.constant 0 : i32
    %scan3A_9 = arith.constant 0 : i32
    %scan3A_10 = arith.constant 79 : i32
    %scan3A_11 = arith.addi %scan3A_9, %scan3A_10 : i32
    %scan3A_12 = arith.constant 1 : i32
    scf.for %scan3A_63 = %scan3A_9 to %scan3A_11 step %scan3A_12  : i32 {
      %mul3A_64 = arith.constant 632 : i32
      %mul3A_65 = arith.muli %arg1, %mul3A_64 : i32
      %mul3A_66 = arith.constant 8 : i32
      %mul3A_67 = arith.muli %scan3A_63, %mul3A_66 : i32
      %add3A_68 = arith.addi %mul3A_65, %mul3A_67 : i32
      "tpu.region"() ({
        %run_scoped3A = tpu.sem_alloc : memref<!tpu.dma_semaphore, #tpu.memory_space<semaphore_mem>>
        %dma_start3A_69 = arith.constant 0 : i32
        %dma_start3A_70 = tpu.memref_slice %arg6[%add3A_68, %dma_start3A_69] : memref<10112x128xf32, #tpu.memory_space<vmem_shared>> -> memref<8x128xf32, #tpu.memory_space<vmem_shared>>
        %dma_start3A_71 = arith.constant 0 : i32
        %dma_start3A_72 = tpu.memref_slice %arg6[%add3A_68, %dma_start3A_71] : memref<10112x128xf32, #tpu.memory_space<vmem_shared>> -> memref<8x128xf32, #tpu.memory_space<vmem_shared>>
        tpu.enqueue_dma source(%arg15 : memref<8x128xf32, #tpu.memory_space<vmem>>) target(%dma_start3A_72 : memref<8x128xf32, #tpu.memory_space<vmem_shared>>) target_semaphore(%run_scoped3A : memref<!tpu.dma_semaphore, #tpu.memory_space<semaphore_mem>>)
        %dma_wait3A_73 = arith.constant 0 : i32
        %dma_wait3A_74 = tpu.memref_slice %arg6[%add3A_68, %dma_wait3A_73] : memref<10112x128xf32, #tpu.memory_space<vmem_shared>> -> memref<8x128xf32, #tpu.memory_space<vmem_shared>>
        %dma_wait3A_75 = arith.constant 0 : i32
        %dma_wait3A_76 = tpu.memref_slice %arg6[%add3A_68, %dma_wait3A_75] : memref<10112x128xf32, #tpu.memory_space<vmem_shared>> -> memref<8x128xf32, #tpu.memory_space<vmem_shared>>
        tpu.wait_dma2 semaphore(%run_scoped3A : memref<!tpu.dma_semaphore, #tpu.memory_space<semaphore_mem>>) src(%arg15 : memref<8x128xf32, #tpu.memory_space<vmem>>) dst(%dma_wait3A_76 : memref<8x128xf32, #tpu.memory_space<vmem_shared>>)
        tpu.yield
      }) : () -> ()
    }
    %scan3A_13 = arith.constant 79 : i32
    %barrier3A = arith.constant 0 : index
    tpu.barrier barrier_id(%barrier3A)
    %add3A_14 = arith.constant 0 : i32
    %add3A_15 = arith.addi %mul3A_2, %add3A_14 : i32
    %dma_start3A = tpu.memref_slice %arg3[%add3A_15] : memref<320000xi32, #tpu.memory_space<hbm>> -> memref<80xi32, #tpu.memory_space<hbm>>
    %dma_start3A_16 = tpu.memref_slice %arg3[%add3A_15] : memref<320000xi32, #tpu.memory_space<hbm>> -> memref<80xi32, #tpu.memory_space<hbm>>
    tpu.enqueue_dma source(%dma_start3A_16 : memref<80xi32, #tpu.memory_space<hbm>>) target(%arg11 : memref<80xi32, #tpu.memory_space<vmem>>) target_semaphore(%arg16 : memref<!tpu.dma_semaphore, #tpu.memory_space<semaphore_mem>>)
    %dma_start3A_17 = arith.constant 0 : i32
    %dma_start3A_18 = tpu.memref_slice %arg2[%add3A_15, %dma_start3A_17] : memref<320000x128xf32, #tpu.memory_space<hbm>> -> memref<80x128xf32, #tpu.memory_space<hbm>>
    %dma_start3A_19 = arith.constant 0 : i32
    %dma_start3A_20 = tpu.memref_slice %arg2[%add3A_15, %dma_start3A_19] : memref<320000x128xf32, #tpu.memory_space<hbm>> -> memref<80x128xf32, #tpu.memory_space<hbm>>
    tpu.enqueue_dma source(%dma_start3A_20 : memref<80x128xf32, #tpu.memory_space<hbm>>) target(%arg7 : memref<80x128xf32, #tpu.memory_space<vmem>>) target_semaphore(%arg16 : memref<!tpu.dma_semaphore, #tpu.memory_space<semaphore_mem>>)
    %add3A_21 = arith.constant 80 : i32
    %add3A_22 = arith.addi %mul3A_2, %add3A_21 : i32
    %dma_start3A_23 = tpu.memref_slice %arg3[%add3A_22] : memref<320000xi32, #tpu.memory_space<hbm>> -> memref<80xi32, #tpu.memory_space<hbm>>
    %dma_start3A_24 = tpu.memref_slice %arg3[%add3A_22] : memref<320000xi32, #tpu.memory_space<hbm>> -> memref<80xi32, #tpu.memory_space<hbm>>
    tpu.enqueue_dma source(%dma_start3A_24 : memref<80xi32, #tpu.memory_space<hbm>>) target(%arg12 : memref<80xi32, #tpu.memory_space<vmem>>) target_semaphore(%arg17 : memref<!tpu.dma_semaphore, #tpu.memory_space<semaphore_mem>>)
    %dma_start3A_25 = arith.constant 0 : i32
    %dma_start3A_26 = tpu.memref_slice %arg2[%add3A_22, %dma_start3A_25] : memref<320000x128xf32, #tpu.memory_space<hbm>> -> memref<80x128xf32, #tpu.memory_space<hbm>>
    %dma_start3A_27 = arith.constant 0 : i32
    %dma_start3A_28 = tpu.memref_slice %arg2[%add3A_22, %dma_start3A_27] : memref<320000x128xf32, #tpu.memory_space<hbm>> -> memref<80x128xf32, #tpu.memory_space<hbm>>
    tpu.enqueue_dma source(%dma_start3A_28 : memref<80x128xf32, #tpu.memory_space<hbm>>) target(%arg8 : memref<80x128xf32, #tpu.memory_space<vmem>>) target_semaphore(%arg17 : memref<!tpu.dma_semaphore, #tpu.memory_space<semaphore_mem>>)
    tpu.enqueue_dma source(%arg9 : memref<80x128xf32, #tpu.memory_space<vmem>>) target(%arg5 : memref<80x128xf32, #tpu.memory_space<hbm>>) target_semaphore(%arg22 : memref<!tpu.dma_semaphore, #tpu.memory_space<semaphore_mem>>)
    tpu.enqueue_dma source(%arg10 : memref<80x128xf32, #tpu.memory_space<vmem>>) target(%arg5 : memref<80x128xf32, #tpu.memory_space<hbm>>) target_semaphore(%arg23 : memref<!tpu.dma_semaphore, #tpu.memory_space<semaphore_mem>>)
    %scan3A_29 = arith.constant 0 : i32
    %scan3A_30 = arith.constant 0 : i32
    %scan3A_31 = arith.constant 31 : i32
    %scan3A_32 = arith.addi %scan3A_30, %scan3A_31 : i32
    %scan3A_33 = arith.constant 1 : i32
    scf.for %scan3A_63 = %scan3A_30 to %scan3A_32 step %scan3A_33  : i32 {
      %mul3A_64 = arith.constant 4 : i32
      %mul3A_65 = arith.muli %mul3A_64, %scan3A_63 : i32
      %add3A_66 = arith.constant 0 : i32
      %add3A_67 = arith.addi %mul3A_65, %add3A_66 : i32
      %dma_wait3A_68 = tpu.memref_slice %arg3[%mul3A_2] : memref<320000xi32, #tpu.memory_space<hbm>> -> memref<80xi32, #tpu.memory_space<hbm>>
      %dma_wait3A_69 = tpu.memref_slice %arg3[%mul3A_2] : memref<320000xi32, #tpu.memory_space<hbm>> -> memref<80xi32, #tpu.memory_space<hbm>>
      tpu.wait_dma2 semaphore(%arg16 : memref<!tpu.dma_semaphore, #tpu.memory_space<semaphore_mem>>) src(%dma_wait3A_69 : memref<80xi32, #tpu.memory_space<hbm>>) dst(%arg11 : memref<80xi32, #tpu.memory_space<vmem>>)
      %dma_wait3A_70 = arith.constant 0 : i32
      %dma_wait3A_71 = tpu.memref_slice %arg2[%mul3A_2, %dma_wait3A_70] : memref<320000x128xf32, #tpu.memory_space<hbm>> -> memref<80x128xf32, #tpu.memory_space<hbm>>
      %dma_wait3A_72 = arith.constant 0 : i32
      %dma_wait3A_73 = tpu.memref_slice %arg2[%mul3A_2, %dma_wait3A_72] : memref<320000x128xf32, #tpu.memory_space<hbm>> -> memref<80x128xf32, #tpu.memory_space<hbm>>
      tpu.wait_dma2 semaphore(%arg16 : memref<!tpu.dma_semaphore, #tpu.memory_space<semaphore_mem>>) src(%dma_wait3A_73 : memref<80x128xf32, #tpu.memory_space<hbm>>) dst(%arg7 : memref<80x128xf32, #tpu.memory_space<vmem>>)
      %dma_start3A_74 = arith.constant 0 : i32
      %dma_start3A_75 = arith.constant 0 : i32
      %dma_start3A_76 = tpu.memref_slice %arg6[%dma_start3A_74, %dma_start3A_75] : memref<10112x128xf32, #tpu.memory_space<vmem_shared>> -> memref<10112x128xf32, #tpu.memory_space<vmem_shared>>
      tpu.enqueue_indirect_dma source(%arg7 : memref<80x128xf32, #tpu.memory_space<vmem>>) target(%dma_start3A_76 : memref<10112x128xf32, #tpu.memory_space<vmem_shared>>) offsets(%arg11 : memref<80xi32, #tpu.memory_space<vmem>>) semaphore(%arg20 : memref<!tpu.dma_semaphore, #tpu.memory_space<semaphore_mem>>) {add = true}
      %dma_wait3A_77 = arith.constant 0 : i32
      %dma_wait3A_78 = arith.constant 0 : i32
      %dma_wait3A_79 = tpu.memref_slice %arg6[%dma_wait3A_77, %dma_wait3A_78] : memref<10112x128xf32, #tpu.memory_space<vmem_shared>> -> memref<10112x128xf32, #tpu.memory_space<vmem_shared>>
      tpu.wait_indirect_dma semaphore(%arg22 : memref<!tpu.dma_semaphore, #tpu.memory_space<semaphore_mem>>) src(%arg9 : memref<80x128xf32, #tpu.memory_space<vmem>>) dst(%dma_wait3A_79 : memref<10112x128xf32, #tpu.memory_space<vmem_shared>>)
      %add3A_80 = arith.constant 2 : i32
      %add3A_81 = arith.addi %add3A_67, %add3A_80 : i32
      %min3A = arith.constant 124 : i32
      %min3A_82 = arith.minsi %add3A_81, %min3A : i32
      %mul3A_83 = arith.constant 80 : i32
      %mul3A_84 = arith.muli %min3A_82, %mul3A_83 : i32
      %add3A_85 = arith.addi %mul3A_2, %mul3A_84 : i32
      %dma_start3A_86 = tpu.memref_slice %arg3[%add3A_85] : memref<320000xi32, #tpu.memory_space<hbm>> -> memref<80xi32, #tpu.memory_space<hbm>>
      %dma_start3A_87 = tpu.memref_slice %arg3[%add3A_85] : memref<320000xi32, #tpu.memory_space<hbm>> -> memref<80xi32, #tpu.memory_space<hbm>>
      tpu.enqueue_dma source(%dma_start3A_87 : memref<80xi32, #tpu.memory_space<hbm>>) target(%arg13 : memref<80xi32, #tpu.memory_space<vmem>>) target_semaphore(%arg18 : memref<!tpu.dma_semaphore, #tpu.memory_space<semaphore_mem>>)
      %dma_start3A_88 = arith.constant 0 : i32
      %dma_start3A_89 = tpu.memref_slice %arg2[%add3A_85, %dma_start3A_88] : memref<320000x128xf32, #tpu.memory_space<hbm>> -> memref<80x128xf32, #tpu.memory_space<hbm>>
      %dma_start3A_90 = arith.constant 0 : i32
      %dma_start3A_91 = tpu.memref_slice %arg2[%add3A_85, %dma_start3A_90] : memref<320000x128xf32, #tpu.memory_space<hbm>> -> memref<80x128xf32, #tpu.memory_space<hbm>>
      tpu.enqueue_dma source(%dma_start3A_91 : memref<80x128xf32, #tpu.memory_space<hbm>>) target(%arg9 : memref<80x128xf32, #tpu.memory_space<vmem>>) target_semaphore(%arg18 : memref<!tpu.dma_semaphore, #tpu.memory_space<semaphore_mem>>)
      %add3A_92 = arith.constant 1 : i32
      %add3A_93 = arith.addi %mul3A_65, %add3A_92 : i32
      %dma_wait3A_94 = tpu.memref_slice %arg3[%mul3A_2] : memref<320000xi32, #tpu.memory_space<hbm>> -> memref<80xi32, #tpu.memory_space<hbm>>
      %dma_wait3A_95 = tpu.memref_slice %arg3[%mul3A_2] : memref<320000xi32, #tpu.memory_space<hbm>> -> memref<80xi32, #tpu.memory_space<hbm>>
      tpu.wait_dma2 semaphore(%arg17 : memref<!tpu.dma_semaphore, #tpu.memory_space<semaphore_mem>>) src(%dma_wait3A_95 : memref<80xi32, #tpu.memory_space<hbm>>) dst(%arg12 : memref<80xi32, #tpu.memory_space<vmem>>)
      %dma_wait3A_96 = arith.constant 0 : i32
      %dma_wait3A_97 = tpu.memref_slice %arg2[%mul3A_2, %dma_wait3A_96] : memref<320000x128xf32, #tpu.memory_space<hbm>> -> memref<80x128xf32, #tpu.memory_space<hbm>>
      %dma_wait3A_98 = arith.constant 0 : i32
      %dma_wait3A_99 = tpu.memref_slice %arg2[%mul3A_2, %dma_wait3A_98] : memref<320000x128xf32, #tpu.memory_space<hbm>> -> memref<80x128xf32, #tpu.memory_space<hbm>>
      tpu.wait_dma2 semaphore(%arg17 : memref<!tpu.dma_semaphore, #tpu.memory_space<semaphore_mem>>) src(%dma_wait3A_99 : memref<80x128xf32, #tpu.memory_space<hbm>>) dst(%arg8 : memref<80x128xf32, #tpu.memory_space<vmem>>)
      %dma_start3A_100 = arith.constant 0 : i32
      %dma_start3A_101 = arith.constant 0 : i32
      %dma_start3A_102 = tpu.memref_slice %arg6[%dma_start3A_100, %dma_start3A_101] : memref<10112x128xf32, #tpu.memory_space<vmem_shared>> -> memref<10112x128xf32, #tpu.memory_space<vmem_shared>>
      tpu.enqueue_indirect_dma source(%arg8 : memref<80x128xf32, #tpu.memory_space<vmem>>) target(%dma_start3A_102 : memref<10112x128xf32, #tpu.memory_space<vmem_shared>>) offsets(%arg12 : memref<80xi32, #tpu.memory_space<vmem>>) semaphore(%arg21 : memref<!tpu.dma_semaphore, #tpu.memory_space<semaphore_mem>>) {add = true}
      %dma_wait3A_103 = arith.constant 0 : i32
      %dma_wait3A_104 = arith.constant 0 : i32
      %dma_wait3A_105 = tpu.memref_slice %arg6[%dma_wait3A_103, %dma_wait3A_104] : memref<10112x128xf32, #tpu.memory_space<vmem_shared>> -> memref<10112x128xf32, #tpu.memory_space<vmem_shared>>
      tpu.wait_indirect_dma semaphore(%arg23 : memref<!tpu.dma_semaphore, #tpu.memory_space<semaphore_mem>>) src(%arg10 : memref<80x128xf32, #tpu.memory_space<vmem>>) dst(%dma_wait3A_105 : memref<10112x128xf32, #tpu.memory_space<vmem_shared>>)
      %add3A_106 = arith.constant 2 : i32
      %add3A_107 = arith.addi %add3A_93, %add3A_106 : i32
      %min3A_108 = arith.constant 124 : i32
      %min3A_109 = arith.minsi %add3A_107, %min3A_108 : i32
      %mul3A_110 = arith.constant 80 : i32
      %mul3A_111 = arith.muli %min3A_109, %mul3A_110 : i32
      %add3A_112 = arith.addi %mul3A_2, %mul3A_111 : i32
      %dma_start3A_113 = tpu.memref_slice %arg3[%add3A_112] : memref<320000xi32, #tpu.memory_space<hbm>> -> memref<80xi32, #tpu.memory_space<hbm>>
      %dma_start3A_114 = tpu.memref_slice %arg3[%add3A_112] : memref<320000xi32, #tpu.memory_space<hbm>> -> memref<80xi32, #tpu.memory_space<hbm>>
      tpu.enqueue_dma source(%dma_start3A_114 : memref<80xi32, #tpu.memory_space<hbm>>) target(%arg14 : memref<80xi32, #tpu.memory_space<vmem>>) target_semaphore(%arg19 : memref<!tpu.dma_semaphore, #tpu.memory_space<semaphore_mem>>)
      %dma_start3A_115 = arith.constant 0 : i32
      %dma_start3A_116 = tpu.memref_slice %arg2[%add3A_112, %dma_start3A_115] : memref<320000x128xf32, #tpu.memory_space<hbm>> -> memref<80x128xf32, #tpu.memory_space<hbm>>
      %dma_start3A_117 = arith.constant 0 : i32
      %dma_start3A_118 = tpu.memref_slice %arg2[%add3A_112, %dma_start3A_117] : memref<320000x128xf32, #tpu.memory_space<hbm>> -> memref<80x128xf32, #tpu.memory_space<hbm>>
      tpu.enqueue_dma source(%dma_start3A_118 : memref<80x128xf32, #tpu.memory_space<hbm>>) target(%arg10 : memref<80x128xf32, #tpu.memory_space<vmem>>) target_semaphore(%arg19 : memref<!tpu.dma_semaphore, #tpu.memory_space<semaphore_mem>>)
      %add3A_119 = arith.constant 2 : i32
      %add3A_120 = arith.addi %mul3A_65, %add3A_119 : i32
      %dma_wait3A_121 = tpu.memref_slice %arg3[%mul3A_2] : memref<320000xi32, #tpu.memory_space<hbm>> -> memref<80xi32, #tpu.memory_space<hbm>>
      %dma_wait3A_122 = tpu.memref_slice %arg3[%mul3A_2] : memref<320000xi32, #tpu.memory_space<hbm>> -> memref<80xi32, #tpu.memory_space<hbm>>
      tpu.wait_dma2 semaphore(%arg18 : memref<!tpu.dma_semaphore, #tpu.memory_space<semaphore_mem>>) src(%dma_wait3A_122 : memref<80xi32, #tpu.memory_space<hbm>>) dst(%arg13 : memref<80xi32, #tpu.memory_space<vmem>>)
      %dma_wait3A_123 = arith.constant 0 : i32
      %dma_wait3A_124 = tpu.memref_slice %arg2[%mul3A_2, %dma_wait3A_123] : memref<320000x128xf32, #tpu.memory_space<hbm>> -> memref<80x128xf32, #tpu.memory_space<hbm>>
      %dma_wait3A_125 = arith.constant 0 : i32
      %dma_wait3A_126 = tpu.memref_slice %arg2[%mul3A_2, %dma_wait3A_125] : memref<320000x128xf32, #tpu.memory_space<hbm>> -> memref<80x128xf32, #tpu.memory_space<hbm>>
      tpu.wait_dma2 semaphore(%arg18 : memref<!tpu.dma_semaphore, #tpu.memory_space<semaphore_mem>>) src(%dma_wait3A_126 : memref<80x128xf32, #tpu.memory_space<hbm>>) dst(%arg9 : memref<80x128xf32, #tpu.memory_space<vmem>>)
      %dma_start3A_127 = arith.constant 0 : i32
      %dma_start3A_128 = arith.constant 0 : i32
      %dma_start3A_129 = tpu.memref_slice %arg6[%dma_start3A_127, %dma_start3A_128] : memref<10112x128xf32, #tpu.memory_space<vmem_shared>> -> memref<10112x128xf32, #tpu.memory_space<vmem_shared>>
      tpu.enqueue_indirect_dma source(%arg9 : memref<80x128xf32, #tpu.memory_space<vmem>>) target(%dma_start3A_129 : memref<10112x128xf32, #tpu.memory_space<vmem_shared>>) offsets(%arg13 : memref<80xi32, #tpu.memory_space<vmem>>) semaphore(%arg22 : memref<!tpu.dma_semaphore, #tpu.memory_space<semaphore_mem>>) {add = true}
      %dma_wait3A_130 = arith.constant 0 : i32
      %dma_wait3A_131 = arith.constant 0 : i32
      %dma_wait3A_132 = tpu.memref_slice %arg6[%dma_wait3A_130, %dma_wait3A_131] : memref<10112x128xf32, #tpu.memory_space<vmem_shared>> -> memref<10112x128xf32, #tpu.memory_space<vmem_shared>>
      tpu.wait_indirect_dma semaphore(%arg20 : memref<!tpu.dma_semaphore, #tpu.memory_space<semaphore_mem>>) src(%arg7 : memref<80x128xf32, #tpu.memory_space<vmem>>) dst(%dma_wait3A_132 : memref<10112x128xf32, #tpu.memory_space<vmem_shared>>)
      %add3A_133 = arith.constant 2 : i32
      %add3A_134 = arith.addi %add3A_120, %add3A_133 : i32
      %min3A_135 = arith.constant 124 : i32
      %min3A_136 = arith.minsi %add3A_134, %min3A_135 : i32
      %mul3A_137 = arith.constant 80 : i32
      %mul3A_138 = arith.muli %min3A_136, %mul3A_137 : i32
      %add3A_139 = arith.addi %mul3A_2, %mul3A_138 : i32
      %dma_start3A_140 = tpu.memref_slice %arg3[%add3A_139] : memref<320000xi32, #tpu.memory_space<hbm>> -> memref<80xi32, #tpu.memory_space<hbm>>
      %dma_start3A_141 = tpu.memref_slice %arg3[%add3A_139] : memref<320000xi32, #tpu.memory_space<hbm>> -> memref<80xi32, #tpu.memory_space<hbm>>
      tpu.enqueue_dma source(%dma_start3A_141 : memref<80xi32, #tpu.memory_space<hbm>>) target(%arg11 : memref<80xi32, #tpu.memory_space<vmem>>) target_semaphore(%arg16 : memref<!tpu.dma_semaphore, #tpu.memory_space<semaphore_mem>>)
      %dma_start3A_142 = arith.constant 0 : i32
      %dma_start3A_143 = tpu.memref_slice %arg2[%add3A_139, %dma_start3A_142] : memref<320000x128xf32, #tpu.memory_space<hbm>> -> memref<80x128xf32, #tpu.memory_space<hbm>>
      %dma_start3A_144 = arith.constant 0 : i32
      %dma_start3A_145 = tpu.memref_slice %arg2[%add3A_139, %dma_start3A_144] : memref<320000x128xf32, #tpu.memory_space<hbm>> -> memref<80x128xf32, #tpu.memory_space<hbm>>
      tpu.enqueue_dma source(%dma_start3A_145 : memref<80x128xf32, #tpu.memory_space<hbm>>) target(%arg7 : memref<80x128xf32, #tpu.memory_space<vmem>>) target_semaphore(%arg16 : memref<!tpu.dma_semaphore, #tpu.memory_space<semaphore_mem>>)
      %add3A_146 = arith.constant 3 : i32
      %add3A_147 = arith.addi %mul3A_65, %add3A_146 : i32
      %dma_wait3A_148 = tpu.memref_slice %arg3[%mul3A_2] : memref<320000xi32, #tpu.memory_space<hbm>> -> memref<80xi32, #tpu.memory_space<hbm>>
      %dma_wait3A_149 = tpu.memref_slice %arg3[%mul3A_2] : memref<320000xi32, #tpu.memory_space<hbm>> -> memref<80xi32, #tpu.memory_space<hbm>>
      tpu.wait_dma2 semaphore(%arg19 : memref<!tpu.dma_semaphore, #tpu.memory_space<semaphore_mem>>) src(%dma_wait3A_149 : memref<80xi32, #tpu.memory_space<hbm>>) dst(%arg14 : memref<80xi32, #tpu.memory_space<vmem>>)
      %dma_wait3A_150 = arith.constant 0 : i32
      %dma_wait3A_151 = tpu.memref_slice %arg2[%mul3A_2, %dma_wait3A_150] : memref<320000x128xf32, #tpu.memory_space<hbm>> -> memref<80x128xf32, #tpu.memory_space<hbm>>
      %dma_wait3A_152 = arith.constant 0 : i32
      %dma_wait3A_153 = tpu.memref_slice %arg2[%mul3A_2, %dma_wait3A_152] : memref<320000x128xf32, #tpu.memory_space<hbm>> -> memref<80x128xf32, #tpu.memory_space<hbm>>
      tpu.wait_dma2 semaphore(%arg19 : memref<!tpu.dma_semaphore, #tpu.memory_space<semaphore_mem>>) src(%dma_wait3A_153 : memref<80x128xf32, #tpu.memory_space<hbm>>) dst(%arg10 : memref<80x128xf32, #tpu.memory_space<vmem>>)
      %dma_start3A_154 = arith.constant 0 : i32
      %dma_start3A_155 = arith.constant 0 : i32
      %dma_start3A_156 = tpu.memref_slice %arg6[%dma_start3A_154, %dma_start3A_155] : memref<10112x128xf32, #tpu.memory_space<vmem_shared>> -> memref<10112x128xf32, #tpu.memory_space<vmem_shared>>
      tpu.enqueue_indirect_dma source(%arg10 : memref<80x128xf32, #tpu.memory_space<vmem>>) target(%dma_start3A_156 : memref<10112x128xf32, #tpu.memory_space<vmem_shared>>) offsets(%arg14 : memref<80xi32, #tpu.memory_space<vmem>>) semaphore(%arg23 : memref<!tpu.dma_semaphore, #tpu.memory_space<semaphore_mem>>) {add = true}
      %dma_wait3A_157 = arith.constant 0 : i32
      %dma_wait3A_158 = arith.constant 0 : i32
      %dma_wait3A_159 = tpu.memref_slice %arg6[%dma_wait3A_157, %dma_wait3A_158] : memref<10112x128xf32, #tpu.memory_space<vmem_shared>> -> memref<10112x128xf32, #tpu.memory_space<vmem_shared>>
      tpu.wait_indirect_dma semaphore(%arg21 : memref<!tpu.dma_semaphore, #tpu.memory_space<semaphore_mem>>) src(%arg8 : memref<80x128xf32, #tpu.memory_space<vmem>>) dst(%dma_wait3A_159 : memref<10112x128xf32, #tpu.memory_space<vmem_shared>>)
      %add3A_160 = arith.constant 2 : i32
      %add3A_161 = arith.addi %add3A_147, %add3A_160 : i32
      %min3A_162 = arith.constant 124 : i32
      %min3A_163 = arith.minsi %add3A_161, %min3A_162 : i32
      %mul3A_164 = arith.constant 80 : i32
      %mul3A_165 = arith.muli %min3A_163, %mul3A_164 : i32
      %add3A_166 = arith.addi %mul3A_2, %mul3A_165 : i32
      %dma_start3A_167 = tpu.memref_slice %arg3[%add3A_166] : memref<320000xi32, #tpu.memory_space<hbm>> -> memref<80xi32, #tpu.memory_space<hbm>>
      %dma_start3A_168 = tpu.memref_slice %arg3[%add3A_166] : memref<320000xi32, #tpu.memory_space<hbm>> -> memref<80xi32, #tpu.memory_space<hbm>>
      tpu.enqueue_dma source(%dma_start3A_168 : memref<80xi32, #tpu.memory_space<hbm>>) target(%arg12 : memref<80xi32, #tpu.memory_space<vmem>>) target_semaphore(%arg17 : memref<!tpu.dma_semaphore, #tpu.memory_space<semaphore_mem>>)
      %dma_start3A_169 = arith.constant 0 : i32
      %dma_start3A_170 = tpu.memref_slice %arg2[%add3A_166, %dma_start3A_169] : memref<320000x128xf32, #tpu.memory_space<hbm>> -> memref<80x128xf32, #tpu.memory_space<hbm>>
      %dma_start3A_171 = arith.constant 0 : i32
      %dma_start3A_172 = tpu.memref_slice %arg2[%add3A_166, %dma_start3A_171] : memref<320000x128xf32, #tpu.memory_space<hbm>> -> memref<80x128xf32, #tpu.memory_space<hbm>>
      tpu.enqueue_dma source(%dma_start3A_172 : memref<80x128xf32, #tpu.memory_space<hbm>>) target(%arg8 : memref<80x128xf32, #tpu.memory_space<vmem>>) target_semaphore(%arg17 : memref<!tpu.dma_semaphore, #tpu.memory_space<semaphore_mem>>)
    }
    %scan3A_34 = arith.constant 31 : i32
    %dma_wait3A = tpu.memref_slice %arg3[%mul3A_2] : memref<320000xi32, #tpu.memory_space<hbm>> -> memref<80xi32, #tpu.memory_space<hbm>>
    %dma_wait3A_35 = tpu.memref_slice %arg3[%mul3A_2] : memref<320000xi32, #tpu.memory_space<hbm>> -> memref<80xi32, #tpu.memory_space<hbm>>
    tpu.wait_dma2 semaphore(%arg16 : memref<!tpu.dma_semaphore, #tpu.memory_space<semaphore_mem>>) src(%dma_wait3A_35 : memref<80xi32, #tpu.memory_space<hbm>>) dst(%arg11 : memref<80xi32, #tpu.memory_space<vmem>>)
    %dma_wait3A_36 = arith.constant 0 : i32
    %dma_wait3A_37 = tpu.memref_slice %arg2[%mul3A_2, %dma_wait3A_36] : memref<320000x128xf32, #tpu.memory_space<hbm>> -> memref<80x128xf32, #tpu.memory_space<hbm>>
    %dma_wait3A_38 = arith.constant 0 : i32
    %dma_wait3A_39 = tpu.memref_slice %arg2[%mul3A_2, %dma_wait3A_38] : memref<320000x128xf32, #tpu.memory_space<hbm>> -> memref<80x128xf32, #tpu.memory_space<hbm>>
    tpu.wait_dma2 semaphore(%arg16 : memref<!tpu.dma_semaphore, #tpu.memory_space<semaphore_mem>>) src(%dma_wait3A_39 : memref<80x128xf32, #tpu.memory_space<hbm>>) dst(%arg7 : memref<80x128xf32, #tpu.memory_space<vmem>>)
    %dma_start3A_40 = arith.constant 0 : i32
    %dma_start3A_41 = arith.constant 0 : i32
    %dma_start3A_42 = tpu.memref_slice %arg6[%dma_start3A_40, %dma_start3A_41] : memref<10112x128xf32, #tpu.memory_space<vmem_shared>> -> memref<10112x128xf32, #tpu.memory_space<vmem_shared>>
    tpu.enqueue_indirect_dma source(%arg7 : memref<80x128xf32, #tpu.memory_space<vmem>>) target(%dma_start3A_42 : memref<10112x128xf32, #tpu.memory_space<vmem_shared>>) offsets(%arg11 : memref<80xi32, #tpu.memory_space<vmem>>) semaphore(%arg20 : memref<!tpu.dma_semaphore, #tpu.memory_space<semaphore_mem>>) {add = true}
    %dma_wait3A_43 = tpu.memref_slice %arg3[%mul3A_2] : memref<320000xi32, #tpu.memory_space<hbm>> -> memref<80xi32, #tpu.memory_space<hbm>>
    %dma_wait3A_44 = tpu.memref_slice %arg3[%mul3A_2] : memref<320000xi32, #tpu.memory_space<hbm>> -> memref<80xi32, #tpu.memory_space<hbm>>
    tpu.wait_dma2 semaphore(%arg17 : memref<!tpu.dma_semaphore, #tpu.memory_space<semaphore_mem>>) src(%dma_wait3A_44 : memref<80xi32, #tpu.memory_space<hbm>>) dst(%arg12 : memref<80xi32, #tpu.memory_space<vmem>>)
    %dma_wait3A_45 = arith.constant 0 : i32
    %dma_wait3A_46 = tpu.memref_slice %arg2[%mul3A_2, %dma_wait3A_45] : memref<320000x128xf32, #tpu.memory_space<hbm>> -> memref<80x128xf32, #tpu.memory_space<hbm>>
    %dma_wait3A_47 = arith.constant 0 : i32
    %dma_wait3A_48 = tpu.memref_slice %arg2[%mul3A_2, %dma_wait3A_47] : memref<320000x128xf32, #tpu.memory_space<hbm>> -> memref<80x128xf32, #tpu.memory_space<hbm>>
    tpu.wait_dma2 semaphore(%arg17 : memref<!tpu.dma_semaphore, #tpu.memory_space<semaphore_mem>>) src(%dma_wait3A_48 : memref<80x128xf32, #tpu.memory_space<hbm>>) dst(%arg8 : memref<80x128xf32, #tpu.memory_space<vmem>>)
    %dma_wait3A_49 = arith.constant 0 : i32
    %dma_wait3A_50 = arith.constant 0 : i32
    %dma_wait3A_51 = tpu.memref_slice %arg6[%dma_wait3A_49, %dma_wait3A_50] : memref<10112x128xf32, #tpu.memory_space<vmem_shared>> -> memref<10112x128xf32, #tpu.memory_space<vmem_shared>>
    tpu.wait_indirect_dma semaphore(%arg22 : memref<!tpu.dma_semaphore, #tpu.memory_space<semaphore_mem>>) src(%arg9 : memref<80x128xf32, #tpu.memory_space<vmem>>) dst(%dma_wait3A_51 : memref<10112x128xf32, #tpu.memory_space<vmem_shared>>)
    %dma_wait3A_52 = arith.constant 0 : i32
    %dma_wait3A_53 = arith.constant 0 : i32
    %dma_wait3A_54 = tpu.memref_slice %arg6[%dma_wait3A_52, %dma_wait3A_53] : memref<10112x128xf32, #tpu.memory_space<vmem_shared>> -> memref<10112x128xf32, #tpu.memory_space<vmem_shared>>
    tpu.wait_indirect_dma semaphore(%arg23 : memref<!tpu.dma_semaphore, #tpu.memory_space<semaphore_mem>>) src(%arg10 : memref<80x128xf32, #tpu.memory_space<vmem>>) dst(%dma_wait3A_54 : memref<10112x128xf32, #tpu.memory_space<vmem_shared>>)
    %dma_wait3A_55 = arith.constant 0 : i32
    %dma_wait3A_56 = arith.constant 0 : i32
    %dma_wait3A_57 = tpu.memref_slice %arg6[%dma_wait3A_55, %dma_wait3A_56] : memref<10112x128xf32, #tpu.memory_space<vmem_shared>> -> memref<10112x128xf32, #tpu.memory_space<vmem_shared>>
    tpu.wait_indirect_dma semaphore(%arg20 : memref<!tpu.dma_semaphore, #tpu.memory_space<semaphore_mem>>) src(%arg7 : memref<80x128xf32, #tpu.memory_space<vmem>>) dst(%dma_wait3A_57 : memref<10112x128xf32, #tpu.memory_space<vmem_shared>>)
    %barrier3A_58 = arith.constant 0 : index
    tpu.barrier barrier_id(%barrier3A_58)
    %mul3A_59 = arith.constant 632 : i32
    %mul3A_60 = arith.muli %arg1, %mul3A_59 : i32
    %mul3A_61 = arith.constant 632 : i32
    %mul3A_62 = arith.muli %arg1, %mul3A_61 : i32
    "tpu.region"() ({
      %run_scoped3A = tpu.sem_alloc : memref<!tpu.dma_semaphore, #tpu.memory_space<semaphore_mem>>
      %dma_start3A_63 = arith.constant 0 : i32
      %dma_start3A_64 = tpu.memref_slice %arg4[%arg0, %mul3A_62, %dma_start3A_63] : memref<2x10112x128xf32, #tpu.memory_space<hbm>> -> memref<1x632x128xf32, #tpu.memory_space<hbm>>
      %dma_start3A_65 = tpu.memref_squeeze %dma_start3A_64 : memref<1x632x128xf32, #tpu.memory_space<hbm>> -> memref<632x128xf32, #tpu.memory_space<hbm>>
      %dma_start3A_66 = arith.constant 0 : i32
      %dma_start3A_67 = tpu.memref_slice %arg6[%mul3A_60, %dma_start3A_66] : memref<10112x128xf32, #tpu.memory_space<vmem_shared>> -> memref<632x128xf32, #tpu.memory_space<vmem_shared>>
      tpu.enqueue_dma source(%dma_start3A_67 : memref<632x128xf32, #tpu.memory_space<vmem_shared>>) target(%dma_start3A_65 : memref<632x128xf32, #tpu.memory_space<hbm>>) target_semaphore(%run_scoped3A : memref<!tpu.dma_semaphore, #tpu.memory_space<semaphore_mem>>)
      %dma_wait3A_68 = arith.constant 0 : i32
      %dma_wait3A_69 = tpu.memref_slice %arg4[%arg0, %mul3A_62, %dma_wait3A_68] : memref<2x10112x128xf32, #tpu.memory_space<hbm>> -> memref<1x632x128xf32, #tpu.memory_space<hbm>>
      %dma_wait3A_70 = tpu.memref_squeeze %dma_wait3A_69 : memref<1x632x128xf32, #tpu.memory_space<hbm>> -> memref<632x128xf32, #tpu.memory_space<hbm>>
      %dma_wait3A_71 = arith.constant 0 : i32
      %dma_wait3A_72 = tpu.memref_slice %arg6[%mul3A_60, %dma_wait3A_71] : memref<10112x128xf32, #tpu.memory_space<vmem_shared>> -> memref<632x128xf32, #tpu.memory_space<vmem_shared>>
      tpu.wait_dma2 semaphore(%run_scoped3A : memref<!tpu.dma_semaphore, #tpu.memory_space<semaphore_mem>>) src(%dma_wait3A_72 : memref<632x128xf32, #tpu.memory_space<vmem_shared>>) dst(%dma_wait3A_70 : memref<632x128xf32, #tpu.memory_space<hbm>>)
      tpu.yield
    }) : () -> ()
    return
  }
}

#map = affine_map<(d0, d1) -> (0, 0)>
#map1 = affine_map<(d0, d1) -> (0)>
module attributes {stable_mosaic.version = 14 : i64} {
  func.func @body(%arg0: i32, %arg1: i32, %arg2: memref<10000x128xf32, #tpu.memory_space<hbm>>, %arg3: memref<10000x128xf32, #tpu.memory_space<hbm>>, %arg4: memref<320000xi32, #tpu.memory_space<hbm>>, %arg5: memref<320000xi32, #tpu.memory_space<hbm>>, %arg6: memref<10000xf32, #tpu.memory_space<hbm>>, %arg7: memref<10000xf32, #tpu.memory_space<hbm>>, %arg8: memref<10000xf32, #tpu.memory_space<hbm>>, %arg9: memref<320000x128xf32, #tpu.memory_space<hbm>>, %arg10: memref<320000x128xf32, #tpu.memory_space<hbm>>, %arg11: memref<320000xf32, #tpu.memory_space<hbm>>, %arg12: memref<80x128xf32, #tpu.memory_space<hbm>>, %arg13: memref<80xf32, #tpu.memory_space<hbm>>, %arg14: memref<10000xf32, #tpu.memory_space<vmem>>, %arg15: memref<10000xf32, #tpu.memory_space<vmem>>, %arg16: memref<10000xf32, #tpu.memory_space<vmem>>, %arg17: memref<80xf32, #tpu.memory_space<vmem>>, %arg18: memref<80xf32, #tpu.memory_space<vmem>>, %arg19: memref<80xi32, #tpu.memory_space<vmem>>, %arg20: memref<80xi32, #tpu.memory_space<vmem>>, %arg21: memref<80xi32, #tpu.memory_space<vmem>>, %arg22: memref<80xi32, #tpu.memory_space<vmem>>, %arg23: memref<80x128xf32, #tpu.memory_space<vmem>>, %arg24: memref<80x128xf32, #tpu.memory_space<vmem>>, %arg25: memref<80x128xf32, #tpu.memory_space<vmem>>, %arg26: memref<80x128xf32, #tpu.memory_space<vmem>>, %arg27: memref<!tpu.dma_semaphore, #tpu.memory_space<semaphore_mem>>, %arg28: memref<!tpu.dma_semaphore, #tpu.memory_space<semaphore_mem>>, %arg29: memref<!tpu.dma_semaphore, #tpu.memory_space<semaphore_mem>>, %arg30: memref<!tpu.dma_semaphore, #tpu.memory_space<semaphore_mem>>, %arg31: memref<!tpu.dma_semaphore, #tpu.memory_space<semaphore_mem>>, %arg32: memref<!tpu.dma_semaphore, #tpu.memory_space<semaphore_mem>>) attributes {dimension_semantics = [#tpu.dimension_semantics<core_parallel>, #tpu.dimension_semantics<subcore_parallel>], iteration_bounds = array<i64: 2, 16>, scalar_prefetch = 0 : i64, scratch_operands = 19 : i64, tpu.core_type = #tpu.core_type<sc_vector_subcore>, window_params = [{transform_indices = #map}, {transform_indices = #map}, {transform_indices = #map1}, {transform_indices = #map1}, {transform_indices = #map1}, {transform_indices = #map1}, {transform_indices = #map1}, {transform_indices = #map}, {transform_indices = #map}, {transform_indices = #map1}, {transform_indices = #map}, {transform_indices = #map1}]} {
    %mul3A = arith.constant 2 : i32
    %mul3A_0 = arith.muli %arg1, %mul3A : i32
    %add3A = arith.addi %mul3A_0, %arg0 : i32
    %mul3A_1 = arith.constant 10000 : i32
    %mul3A_2 = arith.muli %add3A, %mul3A_1 : i32
    "tpu.region"() ({
      %run_scoped3A = tpu.sem_alloc : memref<!tpu.dma_semaphore, #tpu.memory_space<semaphore_mem>>
      tpu.enqueue_dma source(%arg6 : memref<10000xf32, #tpu.memory_space<hbm>>) target(%arg14 : memref<10000xf32, #tpu.memory_space<vmem>>) target_semaphore(%run_scoped3A : memref<!tpu.dma_semaphore, #tpu.memory_space<semaphore_mem>>)
      tpu.wait_dma2 semaphore(%run_scoped3A : memref<!tpu.dma_semaphore, #tpu.memory_space<semaphore_mem>>) src(%arg6 : memref<10000xf32, #tpu.memory_space<hbm>>) dst(%arg14 : memref<10000xf32, #tpu.memory_space<vmem>>)
      tpu.yield
    }) : () -> ()
    "tpu.region"() ({
      %run_scoped3A = tpu.sem_alloc : memref<!tpu.dma_semaphore, #tpu.memory_space<semaphore_mem>>
      tpu.enqueue_dma source(%arg7 : memref<10000xf32, #tpu.memory_space<hbm>>) target(%arg15 : memref<10000xf32, #tpu.memory_space<vmem>>) target_semaphore(%run_scoped3A : memref<!tpu.dma_semaphore, #tpu.memory_space<semaphore_mem>>)
      tpu.wait_dma2 semaphore(%run_scoped3A : memref<!tpu.dma_semaphore, #tpu.memory_space<semaphore_mem>>) src(%arg7 : memref<10000xf32, #tpu.memory_space<hbm>>) dst(%arg15 : memref<10000xf32, #tpu.memory_space<vmem>>)
      tpu.yield
    }) : () -> ()
    "tpu.region"() ({
      %run_scoped3A = tpu.sem_alloc : memref<!tpu.dma_semaphore, #tpu.memory_space<semaphore_mem>>
      tpu.enqueue_dma source(%arg8 : memref<10000xf32, #tpu.memory_space<hbm>>) target(%arg16 : memref<10000xf32, #tpu.memory_space<vmem>>) target_semaphore(%run_scoped3A : memref<!tpu.dma_semaphore, #tpu.memory_space<semaphore_mem>>)
      tpu.wait_dma2 semaphore(%run_scoped3A : memref<!tpu.dma_semaphore, #tpu.memory_space<semaphore_mem>>) src(%arg8 : memref<10000xf32, #tpu.memory_space<hbm>>) dst(%arg16 : memref<10000xf32, #tpu.memory_space<vmem>>)
      tpu.yield
    }) : () -> ()
    %add3A_3 = arith.constant 0 : i32
    %add3A_4 = arith.addi %mul3A_2, %add3A_3 : i32
    %dma_start3A = tpu.memref_slice %arg4[%add3A_4] : memref<320000xi32, #tpu.memory_space<hbm>> -> memref<80xi32, #tpu.memory_space<hbm>>
    %dma_start3A_5 = tpu.memref_slice %arg4[%add3A_4] : memref<320000xi32, #tpu.memory_space<hbm>> -> memref<80xi32, #tpu.memory_space<hbm>>
    tpu.enqueue_dma source(%dma_start3A_5 : memref<80xi32, #tpu.memory_space<hbm>>) target(%arg19 : memref<80xi32, #tpu.memory_space<vmem>>) target_semaphore(%arg27 : memref<!tpu.dma_semaphore, #tpu.memory_space<semaphore_mem>>)
    %dma_start3A_6 = tpu.memref_slice %arg5[%add3A_4] : memref<320000xi32, #tpu.memory_space<hbm>> -> memref<80xi32, #tpu.memory_space<hbm>>
    %dma_start3A_7 = tpu.memref_slice %arg5[%add3A_4] : memref<320000xi32, #tpu.memory_space<hbm>> -> memref<80xi32, #tpu.memory_space<hbm>>
    tpu.enqueue_dma source(%dma_start3A_7 : memref<80xi32, #tpu.memory_space<hbm>>) target(%arg21 : memref<80xi32, #tpu.memory_space<vmem>>) target_semaphore(%arg27 : memref<!tpu.dma_semaphore, #tpu.memory_space<semaphore_mem>>)
    %add3A_8 = arith.constant 80 : i32
    %add3A_9 = arith.addi %mul3A_2, %add3A_8 : i32
    %dma_start3A_10 = tpu.memref_slice %arg4[%add3A_9] : memref<320000xi32, #tpu.memory_space<hbm>> -> memref<80xi32, #tpu.memory_space<hbm>>
    %dma_start3A_11 = tpu.memref_slice %arg4[%add3A_9] : memref<320000xi32, #tpu.memory_space<hbm>> -> memref<80xi32, #tpu.memory_space<hbm>>
    tpu.enqueue_dma source(%dma_start3A_11 : memref<80xi32, #tpu.memory_space<hbm>>) target(%arg20 : memref<80xi32, #tpu.memory_space<vmem>>) target_semaphore(%arg28 : memref<!tpu.dma_semaphore, #tpu.memory_space<semaphore_mem>>)
    %dma_start3A_12 = tpu.memref_slice %arg5[%add3A_9] : memref<320000xi32, #tpu.memory_space<hbm>> -> memref<80xi32, #tpu.memory_space<hbm>>
    %dma_start3A_13 = tpu.memref_slice %arg5[%add3A_9] : memref<320000xi32, #tpu.memory_space<hbm>> -> memref<80xi32, #tpu.memory_space<hbm>>
    tpu.enqueue_dma source(%dma_start3A_13 : memref<80xi32, #tpu.memory_space<hbm>>) target(%arg22 : memref<80xi32, #tpu.memory_space<vmem>>) target_semaphore(%arg28 : memref<!tpu.dma_semaphore, #tpu.memory_space<semaphore_mem>>)
    tpu.enqueue_dma source(%arg23 : memref<80x128xf32, #tpu.memory_space<vmem>>) target(%arg12 : memref<80x128xf32, #tpu.memory_space<hbm>>) target_semaphore(%arg31 : memref<!tpu.dma_semaphore, #tpu.memory_space<semaphore_mem>>)
    tpu.enqueue_dma source(%arg25 : memref<80x128xf32, #tpu.memory_space<vmem>>) target(%arg12 : memref<80x128xf32, #tpu.memory_space<hbm>>) target_semaphore(%arg31 : memref<!tpu.dma_semaphore, #tpu.memory_space<semaphore_mem>>)
    tpu.enqueue_dma source(%arg17 : memref<80xf32, #tpu.memory_space<vmem>>) target(%arg13 : memref<80xf32, #tpu.memory_space<hbm>>) target_semaphore(%arg31 : memref<!tpu.dma_semaphore, #tpu.memory_space<semaphore_mem>>)
    tpu.enqueue_dma source(%arg24 : memref<80x128xf32, #tpu.memory_space<vmem>>) target(%arg12 : memref<80x128xf32, #tpu.memory_space<hbm>>) target_semaphore(%arg32 : memref<!tpu.dma_semaphore, #tpu.memory_space<semaphore_mem>>)
    tpu.enqueue_dma source(%arg26 : memref<80x128xf32, #tpu.memory_space<vmem>>) target(%arg12 : memref<80x128xf32, #tpu.memory_space<hbm>>) target_semaphore(%arg32 : memref<!tpu.dma_semaphore, #tpu.memory_space<semaphore_mem>>)
    tpu.enqueue_dma source(%arg18 : memref<80xf32, #tpu.memory_space<vmem>>) target(%arg13 : memref<80xf32, #tpu.memory_space<hbm>>) target_semaphore(%arg32 : memref<!tpu.dma_semaphore, #tpu.memory_space<semaphore_mem>>)
    %dma_wait3A = tpu.memref_slice %arg4[%mul3A_2] : memref<320000xi32, #tpu.memory_space<hbm>> -> memref<80xi32, #tpu.memory_space<hbm>>
    %dma_wait3A_14 = tpu.memref_slice %arg4[%mul3A_2] : memref<320000xi32, #tpu.memory_space<hbm>> -> memref<80xi32, #tpu.memory_space<hbm>>
    tpu.wait_dma2 semaphore(%arg27 : memref<!tpu.dma_semaphore, #tpu.memory_space<semaphore_mem>>) src(%dma_wait3A_14 : memref<80xi32, #tpu.memory_space<hbm>>) dst(%arg19 : memref<80xi32, #tpu.memory_space<vmem>>)
    %dma_wait3A_15 = tpu.memref_slice %arg5[%mul3A_2] : memref<320000xi32, #tpu.memory_space<hbm>> -> memref<80xi32, #tpu.memory_space<hbm>>
    %dma_wait3A_16 = tpu.memref_slice %arg5[%mul3A_2] : memref<320000xi32, #tpu.memory_space<hbm>> -> memref<80xi32, #tpu.memory_space<hbm>>
    tpu.wait_dma2 semaphore(%arg27 : memref<!tpu.dma_semaphore, #tpu.memory_space<semaphore_mem>>) src(%dma_wait3A_16 : memref<80xi32, #tpu.memory_space<hbm>>) dst(%arg21 : memref<80xi32, #tpu.memory_space<vmem>>)
    %dma_wait3A_17 = arith.constant 0 : i32
    %dma_wait3A_18 = tpu.memref_slice %arg9[%mul3A_2, %dma_wait3A_17] : memref<320000x128xf32, #tpu.memory_space<hbm>> -> memref<80x128xf32, #tpu.memory_space<hbm>>
    %dma_wait3A_19 = arith.constant 0 : i32
    %dma_wait3A_20 = tpu.memref_slice %arg9[%mul3A_2, %dma_wait3A_19] : memref<320000x128xf32, #tpu.memory_space<hbm>> -> memref<80x128xf32, #tpu.memory_space<hbm>>
    tpu.wait_dma2 semaphore(%arg31 : memref<!tpu.dma_semaphore, #tpu.memory_space<semaphore_mem>>) src(%arg23 : memref<80x128xf32, #tpu.memory_space<vmem>>) dst(%dma_wait3A_20 : memref<80x128xf32, #tpu.memory_space<hbm>>)
    %dma_wait3A_21 = arith.constant 0 : i32
    %dma_wait3A_22 = tpu.memref_slice %arg10[%mul3A_2, %dma_wait3A_21] : memref<320000x128xf32, #tpu.memory_space<hbm>> -> memref<80x128xf32, #tpu.memory_space<hbm>>
    %dma_wait3A_23 = arith.constant 0 : i32
    %dma_wait3A_24 = tpu.memref_slice %arg10[%mul3A_2, %dma_wait3A_23] : memref<320000x128xf32, #tpu.memory_space<hbm>> -> memref<80x128xf32, #tpu.memory_space<hbm>>
    tpu.wait_dma2 semaphore(%arg31 : memref<!tpu.dma_semaphore, #tpu.memory_space<semaphore_mem>>) src(%arg25 : memref<80x128xf32, #tpu.memory_space<vmem>>) dst(%dma_wait3A_24 : memref<80x128xf32, #tpu.memory_space<hbm>>)
    %dma_wait3A_25 = tpu.memref_slice %arg11[%mul3A_2] : memref<320000xf32, #tpu.memory_space<hbm>> -> memref<80xf32, #tpu.memory_space<hbm>>
    %dma_wait3A_26 = tpu.memref_slice %arg11[%mul3A_2] : memref<320000xf32, #tpu.memory_space<hbm>> -> memref<80xf32, #tpu.memory_space<hbm>>
    tpu.wait_dma2 semaphore(%arg31 : memref<!tpu.dma_semaphore, #tpu.memory_space<semaphore_mem>>) src(%arg17 : memref<80xf32, #tpu.memory_space<vmem>>) dst(%dma_wait3A_26 : memref<80xf32, #tpu.memory_space<hbm>>)
    %dma_start3A_27 = arith.constant 0 : i32
    %dma_start3A_28 = arith.constant 0 : i32
    %dma_start3A_29 = tpu.memref_slice %arg2[%dma_start3A_27, %dma_start3A_28] : memref<10000x128xf32, #tpu.memory_space<hbm>> -> memref<10000x128xf32, #tpu.memory_space<hbm>>
    tpu.enqueue_indirect_dma source(%dma_start3A_29 : memref<10000x128xf32, #tpu.memory_space<hbm>>) target(%arg23 : memref<80x128xf32, #tpu.memory_space<vmem>>) offsets(%arg19 : memref<80xi32, #tpu.memory_space<vmem>>) semaphore(%arg29 : memref<!tpu.dma_semaphore, #tpu.memory_space<semaphore_mem>>)
    %dma_start3A_30 = arith.constant 0 : i32
    %dma_start3A_31 = arith.constant 0 : i32
    %dma_start3A_32 = tpu.memref_slice %arg3[%dma_start3A_30, %dma_start3A_31] : memref<10000x128xf32, #tpu.memory_space<hbm>> -> memref<10000x128xf32, #tpu.memory_space<hbm>>
    tpu.enqueue_indirect_dma source(%dma_start3A_32 : memref<10000x128xf32, #tpu.memory_space<hbm>>) target(%arg25 : memref<80x128xf32, #tpu.memory_space<vmem>>) offsets(%arg21 : memref<80xi32, #tpu.memory_space<vmem>>) semaphore(%arg29 : memref<!tpu.dma_semaphore, #tpu.memory_space<semaphore_mem>>)
    %scan3A = arith.constant 0 : i32
    %scan3A_33 = arith.constant 0 : i32
    %scan3A_34 = arith.constant 62 : i32
    %scan3A_35 = arith.addi %scan3A_33, %scan3A_34 : i32
    %scan3A_36 = arith.constant 1 : i32
    scf.for %scan3A_176 = %scan3A_33 to %scan3A_35 step %scan3A_36  : i32 {
      %mul3A_177 = arith.constant 2 : i32
      %mul3A_178 = arith.muli %mul3A_177, %scan3A_176 : i32
      %dma_wait3A_179 = tpu.memref_slice %arg4[%mul3A_2] : memref<320000xi32, #tpu.memory_space<hbm>> -> memref<80xi32, #tpu.memory_space<hbm>>
      %dma_wait3A_180 = tpu.memref_slice %arg4[%mul3A_2] : memref<320000xi32, #tpu.memory_space<hbm>> -> memref<80xi32, #tpu.memory_space<hbm>>
      tpu.wait_dma2 semaphore(%arg28 : memref<!tpu.dma_semaphore, #tpu.memory_space<semaphore_mem>>) src(%dma_wait3A_180 : memref<80xi32, #tpu.memory_space<hbm>>) dst(%arg20 : memref<80xi32, #tpu.memory_space<vmem>>)
      %dma_wait3A_181 = tpu.memref_slice %arg5[%mul3A_2] : memref<320000xi32, #tpu.memory_space<hbm>> -> memref<80xi32, #tpu.memory_space<hbm>>
      %dma_wait3A_182 = tpu.memref_slice %arg5[%mul3A_2] : memref<320000xi32, #tpu.memory_space<hbm>> -> memref<80xi32, #tpu.memory_space<hbm>>
      tpu.wait_dma2 semaphore(%arg28 : memref<!tpu.dma_semaphore, #tpu.memory_space<semaphore_mem>>) src(%dma_wait3A_182 : memref<80xi32, #tpu.memory_space<hbm>>) dst(%arg22 : memref<80xi32, #tpu.memory_space<vmem>>)
      %dma_wait3A_183 = arith.constant 0 : i32
      %dma_wait3A_184 = tpu.memref_slice %arg9[%mul3A_2, %dma_wait3A_183] : memref<320000x128xf32, #tpu.memory_space<hbm>> -> memref<80x128xf32, #tpu.memory_space<hbm>>
      %dma_wait3A_185 = arith.constant 0 : i32
      %dma_wait3A_186 = tpu.memref_slice %arg9[%mul3A_2, %dma_wait3A_185] : memref<320000x128xf32, #tpu.memory_space<hbm>> -> memref<80x128xf32, #tpu.memory_space<hbm>>
      tpu.wait_dma2 semaphore(%arg32 : memref<!tpu.dma_semaphore, #tpu.memory_space<semaphore_mem>>) src(%arg24 : memref<80x128xf32, #tpu.memory_space<vmem>>) dst(%dma_wait3A_186 : memref<80x128xf32, #tpu.memory_space<hbm>>)
      %dma_wait3A_187 = arith.constant 0 : i32
      %dma_wait3A_188 = tpu.memref_slice %arg10[%mul3A_2, %dma_wait3A_187] : memref<320000x128xf32, #tpu.memory_space<hbm>> -> memref<80x128xf32, #tpu.memory_space<hbm>>
      %dma_wait3A_189 = arith.constant 0 : i32
      %dma_wait3A_190 = tpu.memref_slice %arg10[%mul3A_2, %dma_wait3A_189] : memref<320000x128xf32, #tpu.memory_space<hbm>> -> memref<80x128xf32, #tpu.memory_space<hbm>>
      tpu.wait_dma2 semaphore(%arg32 : memref<!tpu.dma_semaphore, #tpu.memory_space<semaphore_mem>>) src(%arg26 : memref<80x128xf32, #tpu.memory_space<vmem>>) dst(%dma_wait3A_190 : memref<80x128xf32, #tpu.memory_space<hbm>>)
      %dma_wait3A_191 = tpu.memref_slice %arg11[%mul3A_2] : memref<320000xf32, #tpu.memory_space<hbm>> -> memref<80xf32, #tpu.memory_space<hbm>>
      %dma_wait3A_192 = tpu.memref_slice %arg11[%mul3A_2] : memref<320000xf32, #tpu.memory_space<hbm>> -> memref<80xf32, #tpu.memory_space<hbm>>
      tpu.wait_dma2 semaphore(%arg32 : memref<!tpu.dma_semaphore, #tpu.memory_space<semaphore_mem>>) src(%arg18 : memref<80xf32, #tpu.memory_space<vmem>>) dst(%dma_wait3A_192 : memref<80xf32, #tpu.memory_space<hbm>>)
      %dma_start3A_193 = arith.constant 0 : i32
      %dma_start3A_194 = arith.constant 0 : i32
      %dma_start3A_195 = tpu.memref_slice %arg2[%dma_start3A_193, %dma_start3A_194] : memref<10000x128xf32, #tpu.memory_space<hbm>> -> memref<10000x128xf32, #tpu.memory_space<hbm>>
      tpu.enqueue_indirect_dma source(%dma_start3A_195 : memref<10000x128xf32, #tpu.memory_space<hbm>>) target(%arg24 : memref<80x128xf32, #tpu.memory_space<vmem>>) offsets(%arg20 : memref<80xi32, #tpu.memory_space<vmem>>) semaphore(%arg30 : memref<!tpu.dma_semaphore, #tpu.memory_space<semaphore_mem>>)
      %dma_start3A_196 = arith.constant 0 : i32
      %dma_start3A_197 = arith.constant 0 : i32
      %dma_start3A_198 = tpu.memref_slice %arg3[%dma_start3A_196, %dma_start3A_197] : memref<10000x128xf32, #tpu.memory_space<hbm>> -> memref<10000x128xf32, #tpu.memory_space<hbm>>
      tpu.enqueue_indirect_dma source(%dma_start3A_198 : memref<10000x128xf32, #tpu.memory_space<hbm>>) target(%arg26 : memref<80x128xf32, #tpu.memory_space<vmem>>) offsets(%arg22 : memref<80xi32, #tpu.memory_space<vmem>>) semaphore(%arg30 : memref<!tpu.dma_semaphore, #tpu.memory_space<semaphore_mem>>)
      %dma_wait3A_199 = arith.constant 0 : i32
      %dma_wait3A_200 = arith.constant 0 : i32
      %dma_wait3A_201 = tpu.memref_slice %arg2[%dma_wait3A_199, %dma_wait3A_200] : memref<10000x128xf32, #tpu.memory_space<hbm>> -> memref<10000x128xf32, #tpu.memory_space<hbm>>
      tpu.wait_indirect_dma semaphore(%arg29 : memref<!tpu.dma_semaphore, #tpu.memory_space<semaphore_mem>>) src(%dma_wait3A_201 : memref<10000x128xf32, #tpu.memory_space<hbm>>) dst(%arg23 : memref<80x128xf32, #tpu.memory_space<vmem>>)
      %dma_wait3A_202 = arith.constant 0 : i32
      %dma_wait3A_203 = arith.constant 0 : i32
      %dma_wait3A_204 = tpu.memref_slice %arg3[%dma_wait3A_202, %dma_wait3A_203] : memref<10000x128xf32, #tpu.memory_space<hbm>> -> memref<10000x128xf32, #tpu.memory_space<hbm>>
      tpu.wait_indirect_dma semaphore(%arg29 : memref<!tpu.dma_semaphore, #tpu.memory_space<semaphore_mem>>) src(%dma_wait3A_204 : memref<10000x128xf32, #tpu.memory_space<hbm>>) dst(%arg25 : memref<80x128xf32, #tpu.memory_space<vmem>>)
      %get3A_205 = arith.constant 0 : index
      %get3A_206 = tpu.vector_load %arg19[%get3A_205] {strides = array<i32>} : memref<80xi32, #tpu.memory_space<vmem>>, vector<16xi32>,
      %get3A_207 = arith.constant 0 : index
      %get3A_208 = tpu.vector_load %arg21[%get3A_207] {strides = array<i32>} : memref<80xi32, #tpu.memory_space<vmem>>, vector<16xi32>,
      %gather3A_209 = tpu.vector_load_idx %arg14[%get3A_206] : memref<10000xf32, #tpu.memory_space<vmem>>[vector<16xi32>], vector<16xf32>,
      %gather3A_210 = tpu.vector_load_idx %arg14[%get3A_208] : memref<10000xf32, #tpu.memory_space<vmem>>[vector<16xi32>], vector<16xf32>,
      %sub3A_211 = arith.subf %gather3A_209, %gather3A_210 : vector<16xf32>
      %gather3A_212 = tpu.vector_load_idx %arg15[%get3A_206] : memref<10000xf32, #tpu.memory_space<vmem>>[vector<16xi32>], vector<16xf32>,
      %gather3A_213 = tpu.vector_load_idx %arg15[%get3A_208] : memref<10000xf32, #tpu.memory_space<vmem>>[vector<16xi32>], vector<16xf32>,
      %sub3A_214 = arith.subf %gather3A_212, %gather3A_213 : vector<16xf32>
      %gather3A_215 = tpu.vector_load_idx %arg16[%get3A_206] : memref<10000xf32, #tpu.memory_space<vmem>>[vector<16xi32>], vector<16xf32>,
      %gather3A_216 = tpu.vector_load_idx %arg16[%get3A_208] : memref<10000xf32, #tpu.memory_space<vmem>>[vector<16xi32>], vector<16xf32>,
      %sub3A_217 = arith.subf %gather3A_215, %gather3A_216 : vector<16xf32>
      %mul3A_218 = arith.mulf %sub3A_211, %sub3A_211 : vector<16xf32>
      %mul3A_219 = arith.mulf %sub3A_214, %sub3A_214 : vector<16xf32>
      %add3A_220 = arith.addf %mul3A_218, %mul3A_219 : vector<16xf32>
      %mul3A_221 = arith.mulf %sub3A_217, %sub3A_217 : vector<16xf32>
      %add3A_222 = arith.addf %add3A_220, %mul3A_221 : vector<16xf32>
      %swap3A_223 = arith.constant 0 : index
      %swap3A_224 = tpu.vector_load %arg17[%swap3A_223] {strides = array<i32>} : memref<80xf32, #tpu.memory_space<vmem>>, vector<16xf32>,
      tpu.vector_store %arg17[%swap3A_223], %add3A_222 {strides = array<i32>} : memref<80xf32, #tpu.memory_space<vmem>>, vector<16xf32>,
      %get3A_225 = arith.constant 16 : index
      %get3A_226 = tpu.vector_load %arg19[%get3A_225] {strides = array<i32>} : memref<80xi32, #tpu.memory_space<vmem>>, vector<16xi32>,
      %get3A_227 = arith.constant 16 : index
      %get3A_228 = tpu.vector_load %arg21[%get3A_227] {strides = array<i32>} : memref<80xi32, #tpu.memory_space<vmem>>, vector<16xi32>,
      %gather3A_229 = tpu.vector_load_idx %arg14[%get3A_226] : memref<10000xf32, #tpu.memory_space<vmem>>[vector<16xi32>], vector<16xf32>,
      %gather3A_230 = tpu.vector_load_idx %arg14[%get3A_228] : memref<10000xf32, #tpu.memory_space<vmem>>[vector<16xi32>], vector<16xf32>,
      %sub3A_231 = arith.subf %gather3A_229, %gather3A_230 : vector<16xf32>
      %gather3A_232 = tpu.vector_load_idx %arg15[%get3A_226] : memref<10000xf32, #tpu.memory_space<vmem>>[vector<16xi32>], vector<16xf32>,
      %gather3A_233 = tpu.vector_load_idx %arg15[%get3A_228] : memref<10000xf32, #tpu.memory_space<vmem>>[vector<16xi32>], vector<16xf32>,
      %sub3A_234 = arith.subf %gather3A_232, %gather3A_233 : vector<16xf32>
      %gather3A_235 = tpu.vector_load_idx %arg16[%get3A_226] : memref<10000xf32, #tpu.memory_space<vmem>>[vector<16xi32>], vector<16xf32>,
      %gather3A_236 = tpu.vector_load_idx %arg16[%get3A_228] : memref<10000xf32, #tpu.memory_space<vmem>>[vector<16xi32>], vector<16xf32>,
      %sub3A_237 = arith.subf %gather3A_235, %gather3A_236 : vector<16xf32>
      %mul3A_238 = arith.mulf %sub3A_231, %sub3A_231 : vector<16xf32>
      %mul3A_239 = arith.mulf %sub3A_234, %sub3A_234 : vector<16xf32>
      %add3A_240 = arith.addf %mul3A_238, %mul3A_239 : vector<16xf32>
      %mul3A_241 = arith.mulf %sub3A_237, %sub3A_237 : vector<16xf32>
      %add3A_242 = arith.addf %add3A_240, %mul3A_241 : vector<16xf32>
      %swap3A_243 = arith.constant 16 : index
      %swap3A_244 = tpu.vector_load %arg17[%swap3A_243] {strides = array<i32>} : memref<80xf32, #tpu.memory_space<vmem>>, vector<16xf32>,
      tpu.vector_store %arg17[%swap3A_243], %add3A_242 {strides = array<i32>} : memref<80xf32, #tpu.memory_space<vmem>>, vector<16xf32>,
      %get3A_245 = arith.constant 32 : index
      %get3A_246 = tpu.vector_load %arg19[%get3A_245] {strides = array<i32>} : memref<80xi32, #tpu.memory_space<vmem>>, vector<16xi32>,
      %get3A_247 = arith.constant 32 : index
      %get3A_248 = tpu.vector_load %arg21[%get3A_247] {strides = array<i32>} : memref<80xi32, #tpu.memory_space<vmem>>, vector<16xi32>,
      %gather3A_249 = tpu.vector_load_idx %arg14[%get3A_246] : memref<10000xf32, #tpu.memory_space<vmem>>[vector<16xi32>], vector<16xf32>,
      %gather3A_250 = tpu.vector_load_idx %arg14[%get3A_248] : memref<10000xf32, #tpu.memory_space<vmem>>[vector<16xi32>], vector<16xf32>,
      %sub3A_251 = arith.subf %gather3A_249, %gather3A_250 : vector<16xf32>
      %gather3A_252 = tpu.vector_load_idx %arg15[%get3A_246] : memref<10000xf32, #tpu.memory_space<vmem>>[vector<16xi32>], vector<16xf32>,
      %gather3A_253 = tpu.vector_load_idx %arg15[%get3A_248] : memref<10000xf32, #tpu.memory_space<vmem>>[vector<16xi32>], vector<16xf32>,
      %sub3A_254 = arith.subf %gather3A_252, %gather3A_253 : vector<16xf32>
      %gather3A_255 = tpu.vector_load_idx %arg16[%get3A_246] : memref<10000xf32, #tpu.memory_space<vmem>>[vector<16xi32>], vector<16xf32>,
      %gather3A_256 = tpu.vector_load_idx %arg16[%get3A_248] : memref<10000xf32, #tpu.memory_space<vmem>>[vector<16xi32>], vector<16xf32>,
      %sub3A_257 = arith.subf %gather3A_255, %gather3A_256 : vector<16xf32>
      %mul3A_258 = arith.mulf %sub3A_251, %sub3A_251 : vector<16xf32>
      %mul3A_259 = arith.mulf %sub3A_254, %sub3A_254 : vector<16xf32>
      %add3A_260 = arith.addf %mul3A_258, %mul3A_259 : vector<16xf32>
      %mul3A_261 = arith.mulf %sub3A_257, %sub3A_257 : vector<16xf32>
      %add3A_262 = arith.addf %add3A_260, %mul3A_261 : vector<16xf32>
      %swap3A_263 = arith.constant 32 : index
      %swap3A_264 = tpu.vector_load %arg17[%swap3A_263] {strides = array<i32>} : memref<80xf32, #tpu.memory_space<vmem>>, vector<16xf32>,
      tpu.vector_store %arg17[%swap3A_263], %add3A_262 {strides = array<i32>} : memref<80xf32, #tpu.memory_space<vmem>>, vector<16xf32>,
      %get3A_265 = arith.constant 48 : index
      %get3A_266 = tpu.vector_load %arg19[%get3A_265] {strides = array<i32>} : memref<80xi32, #tpu.memory_space<vmem>>, vector<16xi32>,
      %get3A_267 = arith.constant 48 : index
      %get3A_268 = tpu.vector_load %arg21[%get3A_267] {strides = array<i32>} : memref<80xi32, #tpu.memory_space<vmem>>, vector<16xi32>,
      %gather3A_269 = tpu.vector_load_idx %arg14[%get3A_266] : memref<10000xf32, #tpu.memory_space<vmem>>[vector<16xi32>], vector<16xf32>,
      %gather3A_270 = tpu.vector_load_idx %arg14[%get3A_268] : memref<10000xf32, #tpu.memory_space<vmem>>[vector<16xi32>], vector<16xf32>,
      %sub3A_271 = arith.subf %gather3A_269, %gather3A_270 : vector<16xf32>
      %gather3A_272 = tpu.vector_load_idx %arg15[%get3A_266] : memref<10000xf32, #tpu.memory_space<vmem>>[vector<16xi32>], vector<16xf32>,
      %gather3A_273 = tpu.vector_load_idx %arg15[%get3A_268] : memref<10000xf32, #tpu.memory_space<vmem>>[vector<16xi32>], vector<16xf32>,
      %sub3A_274 = arith.subf %gather3A_272, %gather3A_273 : vector<16xf32>
      %gather3A_275 = tpu.vector_load_idx %arg16[%get3A_266] : memref<10000xf32, #tpu.memory_space<vmem>>[vector<16xi32>], vector<16xf32>,
      %gather3A_276 = tpu.vector_load_idx %arg16[%get3A_268] : memref<10000xf32, #tpu.memory_space<vmem>>[vector<16xi32>], vector<16xf32>,
      %sub3A_277 = arith.subf %gather3A_275, %gather3A_276 : vector<16xf32>
      %mul3A_278 = arith.mulf %sub3A_271, %sub3A_271 : vector<16xf32>
      %mul3A_279 = arith.mulf %sub3A_274, %sub3A_274 : vector<16xf32>
      %add3A_280 = arith.addf %mul3A_278, %mul3A_279 : vector<16xf32>
      %mul3A_281 = arith.mulf %sub3A_277, %sub3A_277 : vector<16xf32>
      %add3A_282 = arith.addf %add3A_280, %mul3A_281 : vector<16xf32>
      %swap3A_283 = arith.constant 48 : index
      %swap3A_284 = tpu.vector_load %arg17[%swap3A_283] {strides = array<i32>} : memref<80xf32, #tpu.memory_space<vmem>>, vector<16xf32>,
      tpu.vector_store %arg17[%swap3A_283], %add3A_282 {strides = array<i32>} : memref<80xf32, #tpu.memory_space<vmem>>, vector<16xf32>,
      %get3A_285 = arith.constant 64 : index
      %get3A_286 = tpu.vector_load %arg19[%get3A_285] {strides = array<i32>} : memref<80xi32, #tpu.memory_space<vmem>>, vector<16xi32>,
      %get3A_287 = arith.constant 64 : index
      %get3A_288 = tpu.vector_load %arg21[%get3A_287] {strides = array<i32>} : memref<80xi32, #tpu.memory_space<vmem>>, vector<16xi32>,
      %gather3A_289 = tpu.vector_load_idx %arg14[%get3A_286] : memref<10000xf32, #tpu.memory_space<vmem>>[vector<16xi32>], vector<16xf32>,
      %gather3A_290 = tpu.vector_load_idx %arg14[%get3A_288] : memref<10000xf32, #tpu.memory_space<vmem>>[vector<16xi32>], vector<16xf32>,
      %sub3A_291 = arith.subf %gather3A_289, %gather3A_290 : vector<16xf32>
      %gather3A_292 = tpu.vector_load_idx %arg15[%get3A_286] : memref<10000xf32, #tpu.memory_space<vmem>>[vector<16xi32>], vector<16xf32>,
      %gather3A_293 = tpu.vector_load_idx %arg15[%get3A_288] : memref<10000xf32, #tpu.memory_space<vmem>>[vector<16xi32>], vector<16xf32>,
      %sub3A_294 = arith.subf %gather3A_292, %gather3A_293 : vector<16xf32>
      %gather3A_295 = tpu.vector_load_idx %arg16[%get3A_286] : memref<10000xf32, #tpu.memory_space<vmem>>[vector<16xi32>], vector<16xf32>,
      %gather3A_296 = tpu.vector_load_idx %arg16[%get3A_288] : memref<10000xf32, #tpu.memory_space<vmem>>[vector<16xi32>], vector<16xf32>,
      %sub3A_297 = arith.subf %gather3A_295, %gather3A_296 : vector<16xf32>
      %mul3A_298 = arith.mulf %sub3A_291, %sub3A_291 : vector<16xf32>
      %mul3A_299 = arith.mulf %sub3A_294, %sub3A_294 : vector<16xf32>
      %add3A_300 = arith.addf %mul3A_298, %mul3A_299 : vector<16xf32>
      %mul3A_301 = arith.mulf %sub3A_297, %sub3A_297 : vector<16xf32>
      %add3A_302 = arith.addf %add3A_300, %mul3A_301 : vector<16xf32>
      %swap3A_303 = arith.constant 64 : index
      %swap3A_304 = tpu.vector_load %arg17[%swap3A_303] {strides = array<i32>} : memref<80xf32, #tpu.memory_space<vmem>>, vector<16xf32>,
      tpu.vector_store %arg17[%swap3A_303], %add3A_302 {strides = array<i32>} : memref<80xf32, #tpu.memory_space<vmem>>, vector<16xf32>,
      %mul3A_305 = arith.constant 80 : i32
      %mul3A_306 = arith.muli %mul3A_178, %mul3A_305 : i32
      %add3A_307 = arith.addi %mul3A_2, %mul3A_306 : i32
      %dma_start3A_308 = arith.constant 0 : i32
      %dma_start3A_309 = tpu.memref_slice %arg9[%add3A_307, %dma_start3A_308] : memref<320000x128xf32, #tpu.memory_space<hbm>> -> memref<80x128xf32, #tpu.memory_space<hbm>>
      %dma_start3A_310 = arith.constant 0 : i32
      %dma_start3A_311 = tpu.memref_slice %arg9[%add3A_307, %dma_start3A_310] : memref<320000x128xf32, #tpu.memory_space<hbm>> -> memref<80x128xf32, #tpu.memory_space<hbm>>
      tpu.enqueue_dma source(%arg23 : memref<80x128xf32, #tpu.memory_space<vmem>>) target(%dma_start3A_311 : memref<80x128xf32, #tpu.memory_space<hbm>>) target_semaphore(%arg31 : memref<!tpu.dma_semaphore, #tpu.memory_space<semaphore_mem>>)
      %dma_start3A_312 = arith.constant 0 : i32
      %dma_start3A_313 = tpu.memref_slice %arg10[%add3A_307, %dma_start3A_312] : memref<320000x128xf32, #tpu.memory_space<hbm>> -> memref<80x128xf32, #tpu.memory_space<hbm>>
      %dma_start3A_314 = arith.constant 0 : i32
      %dma_start3A_315 = tpu.memref_slice %arg10[%add3A_307, %dma_start3A_314] : memref<320000x128xf32, #tpu.memory_space<hbm>> -> memref<80x128xf32, #tpu.memory_space<hbm>>
      tpu.enqueue_dma source(%arg25 : memref<80x128xf32, #tpu.memory_space<vmem>>) target(%dma_start3A_315 : memref<80x128xf32, #tpu.memory_space<hbm>>) target_semaphore(%arg31 : memref<!tpu.dma_semaphore, #tpu.memory_space<semaphore_mem>>)
      %dma_start3A_316 = tpu.memref_slice %arg11[%add3A_307] : memref<320000xf32, #tpu.memory_space<hbm>> -> memref<80xf32, #tpu.memory_space<hbm>>
      %dma_start3A_317 = tpu.memref_slice %arg11[%add3A_307] : memref<320000xf32, #tpu.memory_space<hbm>> -> memref<80xf32, #tpu.memory_space<hbm>>
      tpu.enqueue_dma source(%arg17 : memref<80xf32, #tpu.memory_space<vmem>>) target(%dma_start3A_317 : memref<80xf32, #tpu.memory_space<hbm>>) target_semaphore(%arg31 : memref<!tpu.dma_semaphore, #tpu.memory_space<semaphore_mem>>)
      %add3A_318 = arith.constant 2 : i32
      %add3A_319 = arith.addi %mul3A_178, %add3A_318 : i32
      %mul3A_320 = arith.constant 80 : i32
      %mul3A_321 = arith.muli %add3A_319, %mul3A_320 : i32
      %add3A_322 = arith.addi %mul3A_2, %mul3A_321 : i32
      %dma_start3A_323 = tpu.memref_slice %arg4[%add3A_322] : memref<320000xi32, #tpu.memory_space<hbm>> -> memref<80xi32, #tpu.memory_space<hbm>>
      %dma_start3A_324 = tpu.memref_slice %arg4[%add3A_322] : memref<320000xi32, #tpu.memory_space<hbm>> -> memref<80xi32, #tpu.memory_space<hbm>>
      tpu.enqueue_dma source(%dma_start3A_324 : memref<80xi32, #tpu.memory_space<hbm>>) target(%arg19 : memref<80xi32, #tpu.memory_space<vmem>>) target_semaphore(%arg27 : memref<!tpu.dma_semaphore, #tpu.memory_space<semaphore_mem>>)
      %dma_start3A_325 = tpu.memref_slice %arg5[%add3A_322] : memref<320000xi32, #tpu.memory_space<hbm>> -> memref<80xi32, #tpu.memory_space<hbm>>
      %dma_start3A_326 = tpu.memref_slice %arg5[%add3A_322] : memref<320000xi32, #tpu.memory_space<hbm>> -> memref<80xi32, #tpu.memory_space<hbm>>
      tpu.enqueue_dma source(%dma_start3A_326 : memref<80xi32, #tpu.memory_space<hbm>>) target(%arg21 : memref<80xi32, #tpu.memory_space<vmem>>) target_semaphore(%arg27 : memref<!tpu.dma_semaphore, #tpu.memory_space<semaphore_mem>>)
      %dma_wait3A_327 = arith.constant 0 : i32
      %dma_wait3A_328 = arith.constant 0 : i32
      %dma_wait3A_329 = tpu.memref_slice %arg2[%dma_wait3A_327, %dma_wait3A_328] : memref<10000x128xf32, #tpu.memory_space<hbm>> -> memref<10000x128xf32, #tpu.memory_space<hbm>>
      tpu.wait_indirect_dma semaphore(%arg30 : memref<!tpu.dma_semaphore, #tpu.memory_space<semaphore_mem>>) src(%dma_wait3A_329 : memref<10000x128xf32, #tpu.memory_space<hbm>>) dst(%arg24 : memref<80x128xf32, #tpu.memory_space<vmem>>)
      %dma_wait3A_330 = arith.constant 0 : i32
      %dma_wait3A_331 = arith.constant 0 : i32
      %dma_wait3A_332 = tpu.memref_slice %arg3[%dma_wait3A_330, %dma_wait3A_331] : memref<10000x128xf32, #tpu.memory_space<hbm>> -> memref<10000x128xf32, #tpu.memory_space<hbm>>
      tpu.wait_indirect_dma semaphore(%arg30 : memref<!tpu.dma_semaphore, #tpu.memory_space<semaphore_mem>>) src(%dma_wait3A_332 : memref<10000x128xf32, #tpu.memory_space<hbm>>) dst(%arg26 : memref<80x128xf32, #tpu.memory_space<vmem>>)
      %get3A_333 = arith.constant 0 : index
      %get3A_334 = tpu.vector_load %arg20[%get3A_333] {strides = array<i32>} : memref<80xi32, #tpu.memory_space<vmem>>, vector<16xi32>,
      %get3A_335 = arith.constant 0 : index
      %get3A_336 = tpu.vector_load %arg22[%get3A_335] {strides = array<i32>} : memref<80xi32, #tpu.memory_space<vmem>>, vector<16xi32>,
      %gather3A_337 = tpu.vector_load_idx %arg14[%get3A_334] : memref<10000xf32, #tpu.memory_space<vmem>>[vector<16xi32>], vector<16xf32>,
      %gather3A_338 = tpu.vector_load_idx %arg14[%get3A_336] : memref<10000xf32, #tpu.memory_space<vmem>>[vector<16xi32>], vector<16xf32>,
      %sub3A_339 = arith.subf %gather3A_337, %gather3A_338 : vector<16xf32>
      %gather3A_340 = tpu.vector_load_idx %arg15[%get3A_334] : memref<10000xf32, #tpu.memory_space<vmem>>[vector<16xi32>], vector<16xf32>,
      %gather3A_341 = tpu.vector_load_idx %arg15[%get3A_336] : memref<10000xf32, #tpu.memory_space<vmem>>[vector<16xi32>], vector<16xf32>,
      %sub3A_342 = arith.subf %gather3A_340, %gather3A_341 : vector<16xf32>
      %gather3A_343 = tpu.vector_load_idx %arg16[%get3A_334] : memref<10000xf32, #tpu.memory_space<vmem>>[vector<16xi32>], vector<16xf32>,
      %gather3A_344 = tpu.vector_load_idx %arg16[%get3A_336] : memref<10000xf32, #tpu.memory_space<vmem>>[vector<16xi32>], vector<16xf32>,
      %sub3A_345 = arith.subf %gather3A_343, %gather3A_344 : vector<16xf32>
      %mul3A_346 = arith.mulf %sub3A_339, %sub3A_339 : vector<16xf32>
      %mul3A_347 = arith.mulf %sub3A_342, %sub3A_342 : vector<16xf32>
      %add3A_348 = arith.addf %mul3A_346, %mul3A_347 : vector<16xf32>
      %mul3A_349 = arith.mulf %sub3A_345, %sub3A_345 : vector<16xf32>
      %add3A_350 = arith.addf %add3A_348, %mul3A_349 : vector<16xf32>
      %swap3A_351 = arith.constant 0 : index
      %swap3A_352 = tpu.vector_load %arg18[%swap3A_351] {strides = array<i32>} : memref<80xf32, #tpu.memory_space<vmem>>, vector<16xf32>,
      tpu.vector_store %arg18[%swap3A_351], %add3A_350 {strides = array<i32>} : memref<80xf32, #tpu.memory_space<vmem>>, vector<16xf32>,
      %get3A_353 = arith.constant 16 : index
      %get3A_354 = tpu.vector_load %arg20[%get3A_353] {strides = array<i32>} : memref<80xi32, #tpu.memory_space<vmem>>, vector<16xi32>,
      %get3A_355 = arith.constant 16 : index
      %get3A_356 = tpu.vector_load %arg22[%get3A_355] {strides = array<i32>} : memref<80xi32, #tpu.memory_space<vmem>>, vector<16xi32>,
      %gather3A_357 = tpu.vector_load_idx %arg14[%get3A_354] : memref<10000xf32, #tpu.memory_space<vmem>>[vector<16xi32>], vector<16xf32>,
      %gather3A_358 = tpu.vector_load_idx %arg14[%get3A_356] : memref<10000xf32, #tpu.memory_space<vmem>>[vector<16xi32>], vector<16xf32>,
      %sub3A_359 = arith.subf %gather3A_357, %gather3A_358 : vector<16xf32>
      %gather3A_360 = tpu.vector_load_idx %arg15[%get3A_354] : memref<10000xf32, #tpu.memory_space<vmem>>[vector<16xi32>], vector<16xf32>,
      %gather3A_361 = tpu.vector_load_idx %arg15[%get3A_356] : memref<10000xf32, #tpu.memory_space<vmem>>[vector<16xi32>], vector<16xf32>,
      %sub3A_362 = arith.subf %gather3A_360, %gather3A_361 : vector<16xf32>
      %gather3A_363 = tpu.vector_load_idx %arg16[%get3A_354] : memref<10000xf32, #tpu.memory_space<vmem>>[vector<16xi32>], vector<16xf32>,
      %gather3A_364 = tpu.vector_load_idx %arg16[%get3A_356] : memref<10000xf32, #tpu.memory_space<vmem>>[vector<16xi32>], vector<16xf32>,
      %sub3A_365 = arith.subf %gather3A_363, %gather3A_364 : vector<16xf32>
      %mul3A_366 = arith.mulf %sub3A_359, %sub3A_359 : vector<16xf32>
      %mul3A_367 = arith.mulf %sub3A_362, %sub3A_362 : vector<16xf32>
      %add3A_368 = arith.addf %mul3A_366, %mul3A_367 : vector<16xf32>
      %mul3A_369 = arith.mulf %sub3A_365, %sub3A_365 : vector<16xf32>
      %add3A_370 = arith.addf %add3A_368, %mul3A_369 : vector<16xf32>
      %swap3A_371 = arith.constant 16 : index
      %swap3A_372 = tpu.vector_load %arg18[%swap3A_371] {strides = array<i32>} : memref<80xf32, #tpu.memory_space<vmem>>, vector<16xf32>,
      tpu.vector_store %arg18[%swap3A_371], %add3A_370 {strides = array<i32>} : memref<80xf32, #tpu.memory_space<vmem>>, vector<16xf32>,
      %get3A_373 = arith.constant 32 : index
      %get3A_374 = tpu.vector_load %arg20[%get3A_373] {strides = array<i32>} : memref<80xi32, #tpu.memory_space<vmem>>, vector<16xi32>,
      %get3A_375 = arith.constant 32 : index
      %get3A_376 = tpu.vector_load %arg22[%get3A_375] {strides = array<i32>} : memref<80xi32, #tpu.memory_space<vmem>>, vector<16xi32>,
      %gather3A_377 = tpu.vector_load_idx %arg14[%get3A_374] : memref<10000xf32, #tpu.memory_space<vmem>>[vector<16xi32>], vector<16xf32>,
      %gather3A_378 = tpu.vector_load_idx %arg14[%get3A_376] : memref<10000xf32, #tpu.memory_space<vmem>>[vector<16xi32>], vector<16xf32>,
      %sub3A_379 = arith.subf %gather3A_377, %gather3A_378 : vector<16xf32>
      %gather3A_380 = tpu.vector_load_idx %arg15[%get3A_374] : memref<10000xf32, #tpu.memory_space<vmem>>[vector<16xi32>], vector<16xf32>,
      %gather3A_381 = tpu.vector_load_idx %arg15[%get3A_376] : memref<10000xf32, #tpu.memory_space<vmem>>[vector<16xi32>], vector<16xf32>,
      %sub3A_382 = arith.subf %gather3A_380, %gather3A_381 : vector<16xf32>
      %gather3A_383 = tpu.vector_load_idx %arg16[%get3A_374] : memref<10000xf32, #tpu.memory_space<vmem>>[vector<16xi32>], vector<16xf32>,
      %gather3A_384 = tpu.vector_load_idx %arg16[%get3A_376] : memref<10000xf32, #tpu.memory_space<vmem>>[vector<16xi32>], vector<16xf32>,
      %sub3A_385 = arith.subf %gather3A_383, %gather3A_384 : vector<16xf32>
      %mul3A_386 = arith.mulf %sub3A_379, %sub3A_379 : vector<16xf32>
      %mul3A_387 = arith.mulf %sub3A_382, %sub3A_382 : vector<16xf32>
      %add3A_388 = arith.addf %mul3A_386, %mul3A_387 : vector<16xf32>
      %mul3A_389 = arith.mulf %sub3A_385, %sub3A_385 : vector<16xf32>
      %add3A_390 = arith.addf %add3A_388, %mul3A_389 : vector<16xf32>
      %swap3A_391 = arith.constant 32 : index
      %swap3A_392 = tpu.vector_load %arg18[%swap3A_391] {strides = array<i32>} : memref<80xf32, #tpu.memory_space<vmem>>, vector<16xf32>,
      tpu.vector_store %arg18[%swap3A_391], %add3A_390 {strides = array<i32>} : memref<80xf32, #tpu.memory_space<vmem>>, vector<16xf32>,
      %get3A_393 = arith.constant 48 : index
      %get3A_394 = tpu.vector_load %arg20[%get3A_393] {strides = array<i32>} : memref<80xi32, #tpu.memory_space<vmem>>, vector<16xi32>,
      %get3A_395 = arith.constant 48 : index
      %get3A_396 = tpu.vector_load %arg22[%get3A_395] {strides = array<i32>} : memref<80xi32, #tpu.memory_space<vmem>>, vector<16xi32>,
      %gather3A_397 = tpu.vector_load_idx %arg14[%get3A_394] : memref<10000xf32, #tpu.memory_space<vmem>>[vector<16xi32>], vector<16xf32>,
      %gather3A_398 = tpu.vector_load_idx %arg14[%get3A_396] : memref<10000xf32, #tpu.memory_space<vmem>>[vector<16xi32>], vector<16xf32>,
      %sub3A_399 = arith.subf %gather3A_397, %gather3A_398 : vector<16xf32>
      %gather3A_400 = tpu.vector_load_idx %arg15[%get3A_394] : memref<10000xf32, #tpu.memory_space<vmem>>[vector<16xi32>], vector<16xf32>,
      %gather3A_401 = tpu.vector_load_idx %arg15[%get3A_396] : memref<10000xf32, #tpu.memory_space<vmem>>[vector<16xi32>], vector<16xf32>,
      %sub3A_402 = arith.subf %gather3A_400, %gather3A_401 : vector<16xf32>
      %gather3A_403 = tpu.vector_load_idx %arg16[%get3A_394] : memref<10000xf32, #tpu.memory_space<vmem>>[vector<16xi32>], vector<16xf32>,
      %gather3A_404 = tpu.vector_load_idx %arg16[%get3A_396] : memref<10000xf32, #tpu.memory_space<vmem>>[vector<16xi32>], vector<16xf32>,
      %sub3A_405 = arith.subf %gather3A_403, %gather3A_404 : vector<16xf32>
      %mul3A_406 = arith.mulf %sub3A_399, %sub3A_399 : vector<16xf32>
      %mul3A_407 = arith.mulf %sub3A_402, %sub3A_402 : vector<16xf32>
      %add3A_408 = arith.addf %mul3A_406, %mul3A_407 : vector<16xf32>
      %mul3A_409 = arith.mulf %sub3A_405, %sub3A_405 : vector<16xf32>
      %add3A_410 = arith.addf %add3A_408, %mul3A_409 : vector<16xf32>
      %swap3A_411 = arith.constant 48 : index
      %swap3A_412 = tpu.vector_load %arg18[%swap3A_411] {strides = array<i32>} : memref<80xf32, #tpu.memory_space<vmem>>, vector<16xf32>,
      tpu.vector_store %arg18[%swap3A_411], %add3A_410 {strides = array<i32>} : memref<80xf32, #tpu.memory_space<vmem>>, vector<16xf32>,
      %get3A_413 = arith.constant 64 : index
      %get3A_414 = tpu.vector_load %arg20[%get3A_413] {strides = array<i32>} : memref<80xi32, #tpu.memory_space<vmem>>, vector<16xi32>,
      %get3A_415 = arith.constant 64 : index
      %get3A_416 = tpu.vector_load %arg22[%get3A_415] {strides = array<i32>} : memref<80xi32, #tpu.memory_space<vmem>>, vector<16xi32>,
      %gather3A_417 = tpu.vector_load_idx %arg14[%get3A_414] : memref<10000xf32, #tpu.memory_space<vmem>>[vector<16xi32>], vector<16xf32>,
      %gather3A_418 = tpu.vector_load_idx %arg14[%get3A_416] : memref<10000xf32, #tpu.memory_space<vmem>>[vector<16xi32>], vector<16xf32>,
      %sub3A_419 = arith.subf %gather3A_417, %gather3A_418 : vector<16xf32>
      %gather3A_420 = tpu.vector_load_idx %arg15[%get3A_414] : memref<10000xf32, #tpu.memory_space<vmem>>[vector<16xi32>], vector<16xf32>,
      %gather3A_421 = tpu.vector_load_idx %arg15[%get3A_416] : memref<10000xf32, #tpu.memory_space<vmem>>[vector<16xi32>], vector<16xf32>,
      %sub3A_422 = arith.subf %gather3A_420, %gather3A_421 : vector<16xf32>
      %gather3A_423 = tpu.vector_load_idx %arg16[%get3A_414] : memref<10000xf32, #tpu.memory_space<vmem>>[vector<16xi32>], vector<16xf32>,
      %gather3A_424 = tpu.vector_load_idx %arg16[%get3A_416] : memref<10000xf32, #tpu.memory_space<vmem>>[vector<16xi32>], vector<16xf32>,
      %sub3A_425 = arith.subf %gather3A_423, %gather3A_424 : vector<16xf32>
      %mul3A_426 = arith.mulf %sub3A_419, %sub3A_419 : vector<16xf32>
      %mul3A_427 = arith.mulf %sub3A_422, %sub3A_422 : vector<16xf32>
      %add3A_428 = arith.addf %mul3A_426, %mul3A_427 : vector<16xf32>
      %mul3A_429 = arith.mulf %sub3A_425, %sub3A_425 : vector<16xf32>
      %add3A_430 = arith.addf %add3A_428, %mul3A_429 : vector<16xf32>
      %swap3A_431 = arith.constant 64 : index
      %swap3A_432 = tpu.vector_load %arg18[%swap3A_431] {strides = array<i32>} : memref<80xf32, #tpu.memory_space<vmem>>, vector<16xf32>,
      tpu.vector_store %arg18[%swap3A_431], %add3A_430 {strides = array<i32>} : memref<80xf32, #tpu.memory_space<vmem>>, vector<16xf32>,
      %add3A_433 = arith.constant 1 : i32
      %add3A_434 = arith.addi %mul3A_178, %add3A_433 : i32
      %mul3A_435 = arith.constant 80 : i32
      %mul3A_436 = arith.muli %add3A_434, %mul3A_435 : i32
      %add3A_437 = arith.addi %mul3A_2, %mul3A_436 : i32
      %dma_start3A_438 = arith.constant 0 : i32
      %dma_start3A_439 = tpu.memref_slice %arg9[%add3A_437, %dma_start3A_438] : memref<320000x128xf32, #tpu.memory_space<hbm>> -> memref<80x128xf32, #tpu.memory_space<hbm>>
      %dma_start3A_440 = arith.constant 0 : i32
      %dma_start3A_441 = tpu.memref_slice %arg9[%add3A_437, %dma_start3A_440] : memref<320000x128xf32, #tpu.memory_space<hbm>> -> memref<80x128xf32, #tpu.memory_space<hbm>>
      tpu.enqueue_dma source(%arg24 : memref<80x128xf32, #tpu.memory_space<vmem>>) target(%dma_start3A_441 : memref<80x128xf32, #tpu.memory_space<hbm>>) target_semaphore(%arg32 : memref<!tpu.dma_semaphore, #tpu.memory_space<semaphore_mem>>)
      %dma_start3A_442 = arith.constant 0 : i32
      %dma_start3A_443 = tpu.memref_slice %arg10[%add3A_437, %dma_start3A_442] : memref<320000x128xf32, #tpu.memory_space<hbm>> -> memref<80x128xf32, #tpu.memory_space<hbm>>
      %dma_start3A_444 = arith.constant 0 : i32
      %dma_start3A_445 = tpu.memref_slice %arg10[%add3A_437, %dma_start3A_444] : memref<320000x128xf32, #tpu.memory_space<hbm>> -> memref<80x128xf32, #tpu.memory_space<hbm>>
      tpu.enqueue_dma source(%arg26 : memref<80x128xf32, #tpu.memory_space<vmem>>) target(%dma_start3A_445 : memref<80x128xf32, #tpu.memory_space<hbm>>) target_semaphore(%arg32 : memref<!tpu.dma_semaphore, #tpu.memory_space<semaphore_mem>>)
      %dma_start3A_446 = tpu.memref_slice %arg11[%add3A_437] : memref<320000xf32, #tpu.memory_space<hbm>> -> memref<80xf32, #tpu.memory_space<hbm>>
      %dma_start3A_447 = tpu.memref_slice %arg11[%add3A_437] : memref<320000xf32, #tpu.memory_space<hbm>> -> memref<80xf32, #tpu.memory_space<hbm>>
      tpu.enqueue_dma source(%arg18 : memref<80xf32, #tpu.memory_space<vmem>>) target(%dma_start3A_447 : memref<80xf32, #tpu.memory_space<hbm>>) target_semaphore(%arg32 : memref<!tpu.dma_semaphore, #tpu.memory_space<semaphore_mem>>)
      %add3A_448 = arith.constant 3 : i32
      %add3A_449 = arith.addi %mul3A_178, %add3A_448 : i32
      %min3A = arith.constant 124 : i32
      %min3A_450 = arith.minsi %add3A_449, %min3A : i32
      %mul3A_451 = arith.constant 80 : i32
      %mul3A_452 = arith.muli %min3A_450, %mul3A_451 : i32
      %add3A_453 = arith.addi %mul3A_2, %mul3A_452 : i32
      %dma_start3A_454 = tpu.memref_slice %arg4[%add3A_453] : memref<320000xi32, #tpu.memory_space<hbm>> -> memref<80xi32, #tpu.memory_space<hbm>>
      %dma_start3A_455 = tpu.memref_slice %arg4[%add3A_453] : memref<320000xi32, #tpu.memory_space<hbm>> -> memref<80xi32, #tpu.memory_space<hbm>>
      tpu.enqueue_dma source(%dma_start3A_455 : memref<80xi32, #tpu.memory_space<hbm>>) target(%arg20 : memref<80xi32, #tpu.memory_space<vmem>>) target_semaphore(%arg28 : memref<!tpu.dma_semaphore, #tpu.memory_space<semaphore_mem>>)
      %dma_start3A_456 = tpu.memref_slice %arg5[%add3A_453] : memref<320000xi32, #tpu.memory_space<hbm>> -> memref<80xi32, #tpu.memory_space<hbm>>
      %dma_start3A_457 = tpu.memref_slice %arg5[%add3A_453] : memref<320000xi32, #tpu.memory_space<hbm>> -> memref<80xi32, #tpu.memory_space<hbm>>
      tpu.enqueue_dma source(%dma_start3A_457 : memref<80xi32, #tpu.memory_space<hbm>>) target(%arg22 : memref<80xi32, #tpu.memory_space<vmem>>) target_semaphore(%arg28 : memref<!tpu.dma_semaphore, #tpu.memory_space<semaphore_mem>>)
      %dma_wait3A_458 = tpu.memref_slice %arg4[%mul3A_2] : memref<320000xi32, #tpu.memory_space<hbm>> -> memref<80xi32, #tpu.memory_space<hbm>>
      %dma_wait3A_459 = tpu.memref_slice %arg4[%mul3A_2] : memref<320000xi32, #tpu.memory_space<hbm>> -> memref<80xi32, #tpu.memory_space<hbm>>
      tpu.wait_dma2 semaphore(%arg27 : memref<!tpu.dma_semaphore, #tpu.memory_space<semaphore_mem>>) src(%dma_wait3A_459 : memref<80xi32, #tpu.memory_space<hbm>>) dst(%arg19 : memref<80xi32, #tpu.memory_space<vmem>>)
      %dma_wait3A_460 = tpu.memref_slice %arg5[%mul3A_2] : memref<320000xi32, #tpu.memory_space<hbm>> -> memref<80xi32, #tpu.memory_space<hbm>>
      %dma_wait3A_461 = tpu.memref_slice %arg5[%mul3A_2] : memref<320000xi32, #tpu.memory_space<hbm>> -> memref<80xi32, #tpu.memory_space<hbm>>
      tpu.wait_dma2 semaphore(%arg27 : memref<!tpu.dma_semaphore, #tpu.memory_space<semaphore_mem>>) src(%dma_wait3A_461 : memref<80xi32, #tpu.memory_space<hbm>>) dst(%arg21 : memref<80xi32, #tpu.memory_space<vmem>>)
      %dma_wait3A_462 = arith.constant 0 : i32
      %dma_wait3A_463 = tpu.memref_slice %arg9[%mul3A_2, %dma_wait3A_462] : memref<320000x128xf32, #tpu.memory_space<hbm>> -> memref<80x128xf32, #tpu.memory_space<hbm>>
      %dma_wait3A_464 = arith.constant 0 : i32
      %dma_wait3A_465 = tpu.memref_slice %arg9[%mul3A_2, %dma_wait3A_464] : memref<320000x128xf32, #tpu.memory_space<hbm>> -> memref<80x128xf32, #tpu.memory_space<hbm>>
      tpu.wait_dma2 semaphore(%arg31 : memref<!tpu.dma_semaphore, #tpu.memory_space<semaphore_mem>>) src(%arg23 : memref<80x128xf32, #tpu.memory_space<vmem>>) dst(%dma_wait3A_465 : memref<80x128xf32, #tpu.memory_space<hbm>>)
      %dma_wait3A_466 = arith.constant 0 : i32
      %dma_wait3A_467 = tpu.memref_slice %arg10[%mul3A_2, %dma_wait3A_466] : memref<320000x128xf32, #tpu.memory_space<hbm>> -> memref<80x128xf32, #tpu.memory_space<hbm>>
      %dma_wait3A_468 = arith.constant 0 : i32
      %dma_wait3A_469 = tpu.memref_slice %arg10[%mul3A_2, %dma_wait3A_468] : memref<320000x128xf32, #tpu.memory_space<hbm>> -> memref<80x128xf32, #tpu.memory_space<hbm>>
      tpu.wait_dma2 semaphore(%arg31 : memref<!tpu.dma_semaphore, #tpu.memory_space<semaphore_mem>>) src(%arg25 : memref<80x128xf32, #tpu.memory_space<vmem>>) dst(%dma_wait3A_469 : memref<80x128xf32, #tpu.memory_space<hbm>>)
      %dma_wait3A_470 = tpu.memref_slice %arg11[%mul3A_2] : memref<320000xf32, #tpu.memory_space<hbm>> -> memref<80xf32, #tpu.memory_space<hbm>>
      %dma_wait3A_471 = tpu.memref_slice %arg11[%mul3A_2] : memref<320000xf32, #tpu.memory_space<hbm>> -> memref<80xf32, #tpu.memory_space<hbm>>
      tpu.wait_dma2 semaphore(%arg31 : memref<!tpu.dma_semaphore, #tpu.memory_space<semaphore_mem>>) src(%arg17 : memref<80xf32, #tpu.memory_space<vmem>>) dst(%dma_wait3A_471 : memref<80xf32, #tpu.memory_space<hbm>>)
      %dma_start3A_472 = arith.constant 0 : i32
      %dma_start3A_473 = arith.constant 0 : i32
      %dma_start3A_474 = tpu.memref_slice %arg2[%dma_start3A_472, %dma_start3A_473] : memref<10000x128xf32, #tpu.memory_space<hbm>> -> memref<10000x128xf32, #tpu.memory_space<hbm>>
      tpu.enqueue_indirect_dma source(%dma_start3A_474 : memref<10000x128xf32, #tpu.memory_space<hbm>>) target(%arg23 : memref<80x128xf32, #tpu.memory_space<vmem>>) offsets(%arg19 : memref<80xi32, #tpu.memory_space<vmem>>) semaphore(%arg29 : memref<!tpu.dma_semaphore, #tpu.memory_space<semaphore_mem>>)
      %dma_start3A_475 = arith.constant 0 : i32
      %dma_start3A_476 = arith.constant 0 : i32
      %dma_start3A_477 = tpu.memref_slice %arg3[%dma_start3A_475, %dma_start3A_476] : memref<10000x128xf32, #tpu.memory_space<hbm>> -> memref<10000x128xf32, #tpu.memory_space<hbm>>
      tpu.enqueue_indirect_dma source(%dma_start3A_477 : memref<10000x128xf32, #tpu.memory_space<hbm>>) target(%arg25 : memref<80x128xf32, #tpu.memory_space<vmem>>) offsets(%arg21 : memref<80xi32, #tpu.memory_space<vmem>>) semaphore(%arg29 : memref<!tpu.dma_semaphore, #tpu.memory_space<semaphore_mem>>)
    }
    %scan3A_37 = arith.constant 62 : i32
    %dma_wait3A_38 = arith.constant 0 : i32
    %dma_wait3A_39 = arith.constant 0 : i32
    %dma_wait3A_40 = tpu.memref_slice %arg2[%dma_wait3A_38, %dma_wait3A_39] : memref<10000x128xf32, #tpu.memory_space<hbm>> -> memref<10000x128xf32, #tpu.memory_space<hbm>>
    tpu.wait_indirect_dma semaphore(%arg29 : memref<!tpu.dma_semaphore, #tpu.memory_space<semaphore_mem>>) src(%dma_wait3A_40 : memref<10000x128xf32, #tpu.memory_space<hbm>>) dst(%arg23 : memref<80x128xf32, #tpu.memory_space<vmem>>)
    %dma_wait3A_41 = arith.constant 0 : i32
    %dma_wait3A_42 = arith.constant 0 : i32
    %dma_wait3A_43 = tpu.memref_slice %arg3[%dma_wait3A_41, %dma_wait3A_42] : memref<10000x128xf32, #tpu.memory_space<hbm>> -> memref<10000x128xf32, #tpu.memory_space<hbm>>
    tpu.wait_indirect_dma semaphore(%arg29 : memref<!tpu.dma_semaphore, #tpu.memory_space<semaphore_mem>>) src(%dma_wait3A_43 : memref<10000x128xf32, #tpu.memory_space<hbm>>) dst(%arg25 : memref<80x128xf32, #tpu.memory_space<vmem>>)
    %get3A = arith.constant 0 : index
    %get3A_44 = tpu.vector_load %arg19[%get3A] {strides = array<i32>} : memref<80xi32, #tpu.memory_space<vmem>>, vector<16xi32>,
    %get3A_45 = arith.constant 0 : index
    %get3A_46 = tpu.vector_load %arg21[%get3A_45] {strides = array<i32>} : memref<80xi32, #tpu.memory_space<vmem>>, vector<16xi32>,
    %gather3A = tpu.vector_load_idx %arg14[%get3A_44] : memref<10000xf32, #tpu.memory_space<vmem>>[vector<16xi32>], vector<16xf32>,
    %gather3A_47 = tpu.vector_load_idx %arg14[%get3A_46] : memref<10000xf32, #tpu.memory_space<vmem>>[vector<16xi32>], vector<16xf32>,
    %sub3A = arith.subf %gather3A, %gather3A_47 : vector<16xf32>
    %gather3A_48 = tpu.vector_load_idx %arg15[%get3A_44] : memref<10000xf32, #tpu.memory_space<vmem>>[vector<16xi32>], vector<16xf32>,
    %gather3A_49 = tpu.vector_load_idx %arg15[%get3A_46] : memref<10000xf32, #tpu.memory_space<vmem>>[vector<16xi32>], vector<16xf32>,
    %sub3A_50 = arith.subf %gather3A_48, %gather3A_49 : vector<16xf32>
    %gather3A_51 = tpu.vector_load_idx %arg16[%get3A_44] : memref<10000xf32, #tpu.memory_space<vmem>>[vector<16xi32>], vector<16xf32>,
    %gather3A_52 = tpu.vector_load_idx %arg16[%get3A_46] : memref<10000xf32, #tpu.memory_space<vmem>>[vector<16xi32>], vector<16xf32>,
    %sub3A_53 = arith.subf %gather3A_51, %gather3A_52 : vector<16xf32>
    %mul3A_54 = arith.mulf %sub3A, %sub3A : vector<16xf32>
    %mul3A_55 = arith.mulf %sub3A_50, %sub3A_50 : vector<16xf32>
    %add3A_56 = arith.addf %mul3A_54, %mul3A_55 : vector<16xf32>
    %mul3A_57 = arith.mulf %sub3A_53, %sub3A_53 : vector<16xf32>
    %add3A_58 = arith.addf %add3A_56, %mul3A_57 : vector<16xf32>
    %swap3A = arith.constant 0 : index
    %swap3A_59 = tpu.vector_load %arg17[%swap3A] {strides = array<i32>} : memref<80xf32, #tpu.memory_space<vmem>>, vector<16xf32>,
    tpu.vector_store %arg17[%swap3A], %add3A_58 {strides = array<i32>} : memref<80xf32, #tpu.memory_space<vmem>>, vector<16xf32>,
    %get3A_60 = arith.constant 16 : index
    %get3A_61 = tpu.vector_load %arg19[%get3A_60] {strides = array<i32>} : memref<80xi32, #tpu.memory_space<vmem>>, vector<16xi32>,
    %get3A_62 = arith.constant 16 : index
    %get3A_63 = tpu.vector_load %arg21[%get3A_62] {strides = array<i32>} : memref<80xi32, #tpu.memory_space<vmem>>, vector<16xi32>,
    %gather3A_64 = tpu.vector_load_idx %arg14[%get3A_61] : memref<10000xf32, #tpu.memory_space<vmem>>[vector<16xi32>], vector<16xf32>,
    %gather3A_65 = tpu.vector_load_idx %arg14[%get3A_63] : memref<10000xf32, #tpu.memory_space<vmem>>[vector<16xi32>], vector<16xf32>,
    %sub3A_66 = arith.subf %gather3A_64, %gather3A_65 : vector<16xf32>
    %gather3A_67 = tpu.vector_load_idx %arg15[%get3A_61] : memref<10000xf32, #tpu.memory_space<vmem>>[vector<16xi32>], vector<16xf32>,
    %gather3A_68 = tpu.vector_load_idx %arg15[%get3A_63] : memref<10000xf32, #tpu.memory_space<vmem>>[vector<16xi32>], vector<16xf32>,
    %sub3A_69 = arith.subf %gather3A_67, %gather3A_68 : vector<16xf32>
    %gather3A_70 = tpu.vector_load_idx %arg16[%get3A_61] : memref<10000xf32, #tpu.memory_space<vmem>>[vector<16xi32>], vector<16xf32>,
    %gather3A_71 = tpu.vector_load_idx %arg16[%get3A_63] : memref<10000xf32, #tpu.memory_space<vmem>>[vector<16xi32>], vector<16xf32>,
    %sub3A_72 = arith.subf %gather3A_70, %gather3A_71 : vector<16xf32>
    %mul3A_73 = arith.mulf %sub3A_66, %sub3A_66 : vector<16xf32>
    %mul3A_74 = arith.mulf %sub3A_69, %sub3A_69 : vector<16xf32>
    %add3A_75 = arith.addf %mul3A_73, %mul3A_74 : vector<16xf32>
    %mul3A_76 = arith.mulf %sub3A_72, %sub3A_72 : vector<16xf32>
    %add3A_77 = arith.addf %add3A_75, %mul3A_76 : vector<16xf32>
    %swap3A_78 = arith.constant 16 : index
    %swap3A_79 = tpu.vector_load %arg17[%swap3A_78] {strides = array<i32>} : memref<80xf32, #tpu.memory_space<vmem>>, vector<16xf32>,
    tpu.vector_store %arg17[%swap3A_78], %add3A_77 {strides = array<i32>} : memref<80xf32, #tpu.memory_space<vmem>>, vector<16xf32>,
    %get3A_80 = arith.constant 32 : index
    %get3A_81 = tpu.vector_load %arg19[%get3A_80] {strides = array<i32>} : memref<80xi32, #tpu.memory_space<vmem>>, vector<16xi32>,
    %get3A_82 = arith.constant 32 : index
    %get3A_83 = tpu.vector_load %arg21[%get3A_82] {strides = array<i32>} : memref<80xi32, #tpu.memory_space<vmem>>, vector<16xi32>,
    %gather3A_84 = tpu.vector_load_idx %arg14[%get3A_81] : memref<10000xf32, #tpu.memory_space<vmem>>[vector<16xi32>], vector<16xf32>,
    %gather3A_85 = tpu.vector_load_idx %arg14[%get3A_83] : memref<10000xf32, #tpu.memory_space<vmem>>[vector<16xi32>], vector<16xf32>,
    %sub3A_86 = arith.subf %gather3A_84, %gather3A_85 : vector<16xf32>
    %gather3A_87 = tpu.vector_load_idx %arg15[%get3A_81] : memref<10000xf32, #tpu.memory_space<vmem>>[vector<16xi32>], vector<16xf32>,
    %gather3A_88 = tpu.vector_load_idx %arg15[%get3A_83] : memref<10000xf32, #tpu.memory_space<vmem>>[vector<16xi32>], vector<16xf32>,
    %sub3A_89 = arith.subf %gather3A_87, %gather3A_88 : vector<16xf32>
    %gather3A_90 = tpu.vector_load_idx %arg16[%get3A_81] : memref<10000xf32, #tpu.memory_space<vmem>>[vector<16xi32>], vector<16xf32>,
    %gather3A_91 = tpu.vector_load_idx %arg16[%get3A_83] : memref<10000xf32, #tpu.memory_space<vmem>>[vector<16xi32>], vector<16xf32>,
    %sub3A_92 = arith.subf %gather3A_90, %gather3A_91 : vector<16xf32>
    %mul3A_93 = arith.mulf %sub3A_86, %sub3A_86 : vector<16xf32>
    %mul3A_94 = arith.mulf %sub3A_89, %sub3A_89 : vector<16xf32>
    %add3A_95 = arith.addf %mul3A_93, %mul3A_94 : vector<16xf32>
    %mul3A_96 = arith.mulf %sub3A_92, %sub3A_92 : vector<16xf32>
    %add3A_97 = arith.addf %add3A_95, %mul3A_96 : vector<16xf32>
    %swap3A_98 = arith.constant 32 : index
    %swap3A_99 = tpu.vector_load %arg17[%swap3A_98] {strides = array<i32>} : memref<80xf32, #tpu.memory_space<vmem>>, vector<16xf32>,
    tpu.vector_store %arg17[%swap3A_98], %add3A_97 {strides = array<i32>} : memref<80xf32, #tpu.memory_space<vmem>>, vector<16xf32>,
    %get3A_100 = arith.constant 48 : index
    %get3A_101 = tpu.vector_load %arg19[%get3A_100] {strides = array<i32>} : memref<80xi32, #tpu.memory_space<vmem>>, vector<16xi32>,
    %get3A_102 = arith.constant 48 : index
    %get3A_103 = tpu.vector_load %arg21[%get3A_102] {strides = array<i32>} : memref<80xi32, #tpu.memory_space<vmem>>, vector<16xi32>,
    %gather3A_104 = tpu.vector_load_idx %arg14[%get3A_101] : memref<10000xf32, #tpu.memory_space<vmem>>[vector<16xi32>], vector<16xf32>,
    %gather3A_105 = tpu.vector_load_idx %arg14[%get3A_103] : memref<10000xf32, #tpu.memory_space<vmem>>[vector<16xi32>], vector<16xf32>,
    %sub3A_106 = arith.subf %gather3A_104, %gather3A_105 : vector<16xf32>
    %gather3A_107 = tpu.vector_load_idx %arg15[%get3A_101] : memref<10000xf32, #tpu.memory_space<vmem>>[vector<16xi32>], vector<16xf32>,
    %gather3A_108 = tpu.vector_load_idx %arg15[%get3A_103] : memref<10000xf32, #tpu.memory_space<vmem>>[vector<16xi32>], vector<16xf32>,
    %sub3A_109 = arith.subf %gather3A_107, %gather3A_108 : vector<16xf32>
    %gather3A_110 = tpu.vector_load_idx %arg16[%get3A_101] : memref<10000xf32, #tpu.memory_space<vmem>>[vector<16xi32>], vector<16xf32>,
    %gather3A_111 = tpu.vector_load_idx %arg16[%get3A_103] : memref<10000xf32, #tpu.memory_space<vmem>>[vector<16xi32>], vector<16xf32>,
    %sub3A_112 = arith.subf %gather3A_110, %gather3A_111 : vector<16xf32>
    %mul3A_113 = arith.mulf %sub3A_106, %sub3A_106 : vector<16xf32>
    %mul3A_114 = arith.mulf %sub3A_109, %sub3A_109 : vector<16xf32>
    %add3A_115 = arith.addf %mul3A_113, %mul3A_114 : vector<16xf32>
    %mul3A_116 = arith.mulf %sub3A_112, %sub3A_112 : vector<16xf32>
    %add3A_117 = arith.addf %add3A_115, %mul3A_116 : vector<16xf32>
    %swap3A_118 = arith.constant 48 : index
    %swap3A_119 = tpu.vector_load %arg17[%swap3A_118] {strides = array<i32>} : memref<80xf32, #tpu.memory_space<vmem>>, vector<16xf32>,
    tpu.vector_store %arg17[%swap3A_118], %add3A_117 {strides = array<i32>} : memref<80xf32, #tpu.memory_space<vmem>>, vector<16xf32>,
    %get3A_120 = arith.constant 64 : index
    %get3A_121 = tpu.vector_load %arg19[%get3A_120] {strides = array<i32>} : memref<80xi32, #tpu.memory_space<vmem>>, vector<16xi32>,
    %get3A_122 = arith.constant 64 : index
    %get3A_123 = tpu.vector_load %arg21[%get3A_122] {strides = array<i32>} : memref<80xi32, #tpu.memory_space<vmem>>, vector<16xi32>,
    %gather3A_124 = tpu.vector_load_idx %arg14[%get3A_121] : memref<10000xf32, #tpu.memory_space<vmem>>[vector<16xi32>], vector<16xf32>,
    %gather3A_125 = tpu.vector_load_idx %arg14[%get3A_123] : memref<10000xf32, #tpu.memory_space<vmem>>[vector<16xi32>], vector<16xf32>,
    %sub3A_126 = arith.subf %gather3A_124, %gather3A_125 : vector<16xf32>
    %gather3A_127 = tpu.vector_load_idx %arg15[%get3A_121] : memref<10000xf32, #tpu.memory_space<vmem>>[vector<16xi32>], vector<16xf32>,
    %gather3A_128 = tpu.vector_load_idx %arg15[%get3A_123] : memref<10000xf32, #tpu.memory_space<vmem>>[vector<16xi32>], vector<16xf32>,
    %sub3A_129 = arith.subf %gather3A_127, %gather3A_128 : vector<16xf32>
    %gather3A_130 = tpu.vector_load_idx %arg16[%get3A_121] : memref<10000xf32, #tpu.memory_space<vmem>>[vector<16xi32>], vector<16xf32>,
    %gather3A_131 = tpu.vector_load_idx %arg16[%get3A_123] : memref<10000xf32, #tpu.memory_space<vmem>>[vector<16xi32>], vector<16xf32>,
    %sub3A_132 = arith.subf %gather3A_130, %gather3A_131 : vector<16xf32>
    %mul3A_133 = arith.mulf %sub3A_126, %sub3A_126 : vector<16xf32>
    %mul3A_134 = arith.mulf %sub3A_129, %sub3A_129 : vector<16xf32>
    %add3A_135 = arith.addf %mul3A_133, %mul3A_134 : vector<16xf32>
    %mul3A_136 = arith.mulf %sub3A_132, %sub3A_132 : vector<16xf32>
    %add3A_137 = arith.addf %add3A_135, %mul3A_136 : vector<16xf32>
    %swap3A_138 = arith.constant 64 : index
    %swap3A_139 = tpu.vector_load %arg17[%swap3A_138] {strides = array<i32>} : memref<80xf32, #tpu.memory_space<vmem>>, vector<16xf32>,
    tpu.vector_store %arg17[%swap3A_138], %add3A_137 {strides = array<i32>} : memref<80xf32, #tpu.memory_space<vmem>>, vector<16xf32>,
    %add3A_140 = arith.constant 9920 : i32
    %add3A_141 = arith.addi %mul3A_2, %add3A_140 : i32
    %dma_start3A_142 = arith.constant 0 : i32
    %dma_start3A_143 = tpu.memref_slice %arg9[%add3A_141, %dma_start3A_142] : memref<320000x128xf32, #tpu.memory_space<hbm>> -> memref<80x128xf32, #tpu.memory_space<hbm>>
    %dma_start3A_144 = arith.constant 0 : i32
    %dma_start3A_145 = tpu.memref_slice %arg9[%add3A_141, %dma_start3A_144] : memref<320000x128xf32, #tpu.memory_space<hbm>> -> memref<80x128xf32, #tpu.memory_space<hbm>>
    tpu.enqueue_dma source(%arg23 : memref<80x128xf32, #tpu.memory_space<vmem>>) target(%dma_start3A_145 : memref<80x128xf32, #tpu.memory_space<hbm>>) target_semaphore(%arg31 : memref<!tpu.dma_semaphore, #tpu.memory_space<semaphore_mem>>)
    %dma_start3A_146 = arith.constant 0 : i32
    %dma_start3A_147 = tpu.memref_slice %arg10[%add3A_141, %dma_start3A_146] : memref<320000x128xf32, #tpu.memory_space<hbm>> -> memref<80x128xf32, #tpu.memory_space<hbm>>
    %dma_start3A_148 = arith.constant 0 : i32
    %dma_start3A_149 = tpu.memref_slice %arg10[%add3A_141, %dma_start3A_148] : memref<320000x128xf32, #tpu.memory_space<hbm>> -> memref<80x128xf32, #tpu.memory_space<hbm>>
    tpu.enqueue_dma source(%arg25 : memref<80x128xf32, #tpu.memory_space<vmem>>) target(%dma_start3A_149 : memref<80x128xf32, #tpu.memory_space<hbm>>) target_semaphore(%arg31 : memref<!tpu.dma_semaphore, #tpu.memory_space<semaphore_mem>>)
    %dma_start3A_150 = tpu.memref_slice %arg11[%add3A_141] : memref<320000xf32, #tpu.memory_space<hbm>> -> memref<80xf32, #tpu.memory_space<hbm>>
    %dma_start3A_151 = tpu.memref_slice %arg11[%add3A_141] : memref<320000xf32, #tpu.memory_space<hbm>> -> memref<80xf32, #tpu.memory_space<hbm>>
    tpu.enqueue_dma source(%arg17 : memref<80xf32, #tpu.memory_space<vmem>>) target(%dma_start3A_151 : memref<80xf32, #tpu.memory_space<hbm>>) target_semaphore(%arg31 : memref<!tpu.dma_semaphore, #tpu.memory_space<semaphore_mem>>)
    %dma_wait3A_152 = tpu.memref_slice %arg4[%mul3A_2] : memref<320000xi32, #tpu.memory_space<hbm>> -> memref<80xi32, #tpu.memory_space<hbm>>
    %dma_wait3A_153 = tpu.memref_slice %arg4[%mul3A_2] : memref<320000xi32, #tpu.memory_space<hbm>> -> memref<80xi32, #tpu.memory_space<hbm>>
    tpu.wait_dma2 semaphore(%arg28 : memref<!tpu.dma_semaphore, #tpu.memory_space<semaphore_mem>>) src(%dma_wait3A_153 : memref<80xi32, #tpu.memory_space<hbm>>) dst(%arg20 : memref<80xi32, #tpu.memory_space<vmem>>)
    %dma_wait3A_154 = tpu.memref_slice %arg5[%mul3A_2] : memref<320000xi32, #tpu.memory_space<hbm>> -> memref<80xi32, #tpu.memory_space<hbm>>
    %dma_wait3A_155 = tpu.memref_slice %arg5[%mul3A_2] : memref<320000xi32, #tpu.memory_space<hbm>> -> memref<80xi32, #tpu.memory_space<hbm>>
    tpu.wait_dma2 semaphore(%arg28 : memref<!tpu.dma_semaphore, #tpu.memory_space<semaphore_mem>>) src(%dma_wait3A_155 : memref<80xi32, #tpu.memory_space<hbm>>) dst(%arg22 : memref<80xi32, #tpu.memory_space<vmem>>)
    %dma_wait3A_156 = arith.constant 0 : i32
    %dma_wait3A_157 = tpu.memref_slice %arg9[%mul3A_2, %dma_wait3A_156] : memref<320000x128xf32, #tpu.memory_space<hbm>> -> memref<80x128xf32, #tpu.memory_space<hbm>>
    %dma_wait3A_158 = arith.constant 0 : i32
    %dma_wait3A_159 = tpu.memref_slice %arg9[%mul3A_2, %dma_wait3A_158] : memref<320000x128xf32, #tpu.memory_space<hbm>> -> memref<80x128xf32, #tpu.memory_space<hbm>>
    tpu.wait_dma2 semaphore(%arg31 : memref<!tpu.dma_semaphore, #tpu.memory_space<semaphore_mem>>) src(%arg23 : memref<80x128xf32, #tpu.memory_space<vmem>>) dst(%dma_wait3A_159 : memref<80x128xf32, #tpu.memory_space<hbm>>)
    %dma_wait3A_160 = arith.constant 0 : i32
    %dma_wait3A_161 = tpu.memref_slice %arg10[%mul3A_2, %dma_wait3A_160] : memref<320000x128xf32, #tpu.memory_space<hbm>> -> memref<80x128xf32, #tpu.memory_space<hbm>>
    %dma_wait3A_162 = arith.constant 0 : i32
    %dma_wait3A_163 = tpu.memref_slice %arg10[%mul3A_2, %dma_wait3A_162] : memref<320000x128xf32, #tpu.memory_space<hbm>> -> memref<80x128xf32, #tpu.memory_space<hbm>>
    tpu.wait_dma2 semaphore(%arg31 : memref<!tpu.dma_semaphore, #tpu.memory_space<semaphore_mem>>) src(%arg25 : memref<80x128xf32, #tpu.memory_space<vmem>>) dst(%dma_wait3A_163 : memref<80x128xf32, #tpu.memory_space<hbm>>)
    %dma_wait3A_164 = tpu.memref_slice %arg11[%mul3A_2] : memref<320000xf32, #tpu.memory_space<hbm>> -> memref<80xf32, #tpu.memory_space<hbm>>
    %dma_wait3A_165 = tpu.memref_slice %arg11[%mul3A_2] : memref<320000xf32, #tpu.memory_space<hbm>> -> memref<80xf32, #tpu.memory_space<hbm>>
    tpu.wait_dma2 semaphore(%arg31 : memref<!tpu.dma_semaphore, #tpu.memory_space<semaphore_mem>>) src(%arg17 : memref<80xf32, #tpu.memory_space<vmem>>) dst(%dma_wait3A_165 : memref<80xf32, #tpu.memory_space<hbm>>)
    %dma_wait3A_166 = arith.constant 0 : i32
    %dma_wait3A_167 = tpu.memref_slice %arg9[%mul3A_2, %dma_wait3A_166] : memref<320000x128xf32, #tpu.memory_space<hbm>> -> memref<80x128xf32, #tpu.memory_space<hbm>>
    %dma_wait3A_168 = arith.constant 0 : i32
    %dma_wait3A_169 = tpu.memref_slice %arg9[%mul3A_2, %dma_wait3A_168] : memref<320000x128xf32, #tpu.memory_space<hbm>> -> memref<80x128xf32, #tpu.memory_space<hbm>>
    tpu.wait_dma2 semaphore(%arg32 : memref<!tpu.dma_semaphore, #tpu.memory_space<semaphore_mem>>) src(%arg24 : memref<80x128xf32, #tpu.memory_space<vmem>>) dst(%dma_wait3A_169 : memref<80x128xf32, #tpu.memory_space<hbm>>)
    %dma_wait3A_170 = arith.constant 0 : i32
    %dma_wait3A_171 = tpu.memref_slice %arg10[%mul3A_2, %dma_wait3A_170] : memref<320000x128xf32, #tpu.memory_space<hbm>> -> memref<80x128xf32, #tpu.memory_space<hbm>>
    %dma_wait3A_172 = arith.constant 0 : i32
    %dma_wait3A_173 = tpu.memref_slice %arg10[%mul3A_2, %dma_wait3A_172] : memref<320000x128xf32, #tpu.memory_space<hbm>> -> memref<80x128xf32, #tpu.memory_space<hbm>>
    tpu.wait_dma2 semaphore(%arg32 : memref<!tpu.dma_semaphore, #tpu.memory_space<semaphore_mem>>) src(%arg26 : memref<80x128xf32, #tpu.memory_space<vmem>>) dst(%dma_wait3A_173 : memref<80x128xf32, #tpu.memory_space<hbm>>)
    %dma_wait3A_174 = tpu.memref_slice %arg11[%mul3A_2] : memref<320000xf32, #tpu.memory_space<hbm>> -> memref<80xf32, #tpu.memory_space<hbm>>
    %dma_wait3A_175 = tpu.memref_slice %arg11[%mul3A_2] : memref<320000xf32, #tpu.memory_space<hbm>> -> memref<80xf32, #tpu.memory_space<hbm>>
    tpu.wait_dma2 semaphore(%arg32 : memref<!tpu.dma_semaphore, #tpu.memory_space<semaphore_mem>>) src(%arg18 : memref<80xf32, #tpu.memory_space<vmem>>) dst(%dma_wait3A_175 : memref<80xf32, #tpu.memory_space<hbm>>)
    return
  }
}

module attributes {stable_mosaic.version = 14 : i64} {
  func.func @_pre_body(%arg0: i32, %arg1: memref<2000x128xf32, #tpu.memory_space<vmem>>, %arg2: memref<128x128xf32, #tpu.memory_space<vmem>>, %arg3: memref<128x128xf32, #tpu.memory_space<vmem>>, %arg4: memref<2000x128xf32, #tpu.memory_space<vmem>>, %arg5: memref<2000x128xf32, #tpu.memory_space<vmem>>) attributes {dimension_semantics = [#tpu.dimension_semantics<arbitrary>], iteration_bounds = array<i64: 5>, scalar_prefetch = 0 : i64, scratch_operands = 0 : i64, tpu.core_type = #tpu.core_type<tc>, window_params = [{transform_indices = @transform_0, window_bounds = array<i64: 2000, 128>}, {pipeline_mode = #tpu.pipeline_mode<synchronous>, transform_indices = @transform_1, window_bounds = array<i64: 128, 128>}, {pipeline_mode = #tpu.pipeline_mode<synchronous>, transform_indices = @transform_2, window_bounds = array<i64: 128, 128>}, {transform_indices = @transform_3, window_bounds = array<i64: 2000, 128>}, {transform_indices = @transform_4, window_bounds = array<i64: 2000, 128>}]} {
    %get3A = arith.constant 0 : index
    %get3A_0 = arith.constant 0 : index
    %get3A_1 = vector.load %arg1[%get3A, %get3A_0] : memref<2000x128xf32, #tpu.memory_space<vmem>>, vector<2000x128xf32>
    %get3A_2 = arith.constant 0 : index
    %get3A_3 = arith.constant 0 : index
    %get3A_4 = vector.load %arg2[%get3A_2, %get3A_3] : memref<128x128xf32, #tpu.memory_space<vmem>>, vector<128x128xf32>
    %dot_general3A = arith.constant dense<0.000000e+00> : vector<2000x128xf32>
    %dot_general3A_5 = tpu.matmul %get3A_1, %get3A_4, %dot_general3A {dimension_numbers = #tpu.dot_dimension_numbers<[1], [0], [0], [1], [0, 0, 1, 1], [], []>, transpose_lhs_hint = false} : vector<2000x128xf32>, vector<128x128xf32>, vector<2000x128xf32> -> vector<2000x128xf32>
    %swap3A = arith.constant 0 : index
    %swap3A_6 = arith.constant 0 : index
    %swap3A_7 = vector.load %arg4[%swap3A, %swap3A_6] : memref<2000x128xf32, #tpu.memory_space<vmem>>, vector<2000x128xf32>
    tpu.vector_store %arg4[%swap3A, %swap3A_6], %dot_general3A_5 {strides = array<i32>} : memref<2000x128xf32, #tpu.memory_space<vmem>>, vector<2000x128xf32>,
    %get3A_8 = arith.constant 0 : index
    %get3A_9 = arith.constant 0 : index
    %get3A_10 = vector.load %arg3[%get3A_8, %get3A_9] : memref<128x128xf32, #tpu.memory_space<vmem>>, vector<128x128xf32>
    %dot_general3A_11 = arith.constant dense<0.000000e+00> : vector<2000x128xf32>
    %dot_general3A_12 = tpu.matmul %get3A_1, %get3A_10, %dot_general3A_11 {dimension_numbers = #tpu.dot_dimension_numbers<[1], [0], [0], [1], [0, 0, 1, 1], [], []>, transpose_lhs_hint = false} : vector<2000x128xf32>, vector<128x128xf32>, vector<2000x128xf32> -> vector<2000x128xf32>
    %swap3A_13 = arith.constant 0 : index
    %swap3A_14 = arith.constant 0 : index
    %swap3A_15 = vector.load %arg5[%swap3A_13, %swap3A_14] : memref<2000x128xf32, #tpu.memory_space<vmem>>, vector<2000x128xf32>
    tpu.vector_store %arg5[%swap3A_13, %swap3A_14], %dot_general3A_12 {strides = array<i32>} : memref<2000x128xf32, #tpu.memory_space<vmem>>, vector<2000x128xf32>,
    return
  }
  func.func @transform_0(%arg0: i32) -> (i32, i32) {
    %c0_i32 = arith.constant 0 : i32
    %c0_i32_0 = arith.constant 0 : i32
    return %arg0, %c0_i32 : i32, i32
  }
  func.func @transform_1(%arg0: i32) -> (i32, i32) {
    %c0_i32 = arith.constant 0 : i32
    %c0_i32_0 = arith.constant 0 : i32
    %c0_i32_1 = arith.constant 0 : i32
    return %c0_i32, %c0_i32_0 : i32, i32
  }
  func.func @transform_2(%arg0: i32) -> (i32, i32) {
    %c0_i32 = arith.constant 0 : i32
    %c0_i32_0 = arith.constant 0 : i32
    %c0_i32_1 = arith.constant 0 : i32
    return %c0_i32, %c0_i32_0 : i32, i32
  }
  func.func @transform_3(%arg0: i32) -> (i32, i32) {
    %c0_i32 = arith.constant 0 : i32
    %c0_i32_0 = arith.constant 0 : i32
    return %arg0, %c0_i32 : i32, i32
  }
  func.func @transform_4(%arg0: i32) -> (i32, i32) {
    %c0_i32 = arith.constant 0 : i32
    %c0_i32_0 = arith.constant 0 : i32
    return %arg0, %c0_i32 : i32, i32
  }
}

module attributes {stable_mosaic.version = 14 : i64} {
  func.func @_edge_body(%arg0: i32, %arg1: memref<4000x128xf32, #tpu.memory_space<vmem>>, %arg2: memref<4000x128xf32, #tpu.memory_space<vmem>>, %arg3: memref<4000x1xf32, #tpu.memory_space<vmem>>, %arg4: memref<4000x16xf32, #tpu.memory_space<vmem>>, %arg5: memref<1x128xf32, #tpu.memory_space<vmem>>, %arg6: memref<16x128xf32, #tpu.memory_space<vmem>>, %arg7: memref<1x128xf32, #tpu.memory_space<vmem>>, %arg8: memref<128x128xf32, #tpu.memory_space<vmem>>, %arg9: memref<1x128xf32, #tpu.memory_space<vmem>>, %arg10: memref<4000x128xf32, #tpu.memory_space<vmem>>) attributes {dimension_semantics = [#tpu.dimension_semantics<arbitrary>], iteration_bounds = array<i64: 80>, scalar_prefetch = 0 : i64, scratch_operands = 0 : i64, tpu.core_type = #tpu.core_type<tc>, window_params = [{transform_indices = @transform_0, window_bounds = array<i64: 4000, 128>}, {transform_indices = @transform_1, window_bounds = array<i64: 4000, 128>}, {transform_indices = @transform_2, window_bounds = array<i64: 4000, 1>}, {transform_indices = @transform_3, window_bounds = array<i64: 4000, 16>}, {pipeline_mode = #tpu.pipeline_mode<synchronous>, transform_indices = @transform_4, window_bounds = array<i64: 1, 128>}, {pipeline_mode = #tpu.pipeline_mode<synchronous>, transform_indices = @transform_5, window_bounds = array<i64: 16, 128>}, {pipeline_mode = #tpu.pipeline_mode<synchronous>, transform_indices = @transform_6, window_bounds = array<i64: 1, 128>}, {pipeline_mode = #tpu.pipeline_mode<synchronous>, transform_indices = @transform_7, window_bounds = array<i64: 128, 128>}, {pipeline_mode = #tpu.pipeline_mode<synchronous>, transform_indices = @transform_8, window_bounds = array<i64: 1, 128>}, {transform_indices = @transform_9, window_bounds = array<i64: 4000, 128>}]} {
    %get3A = arith.constant 0 : index
    %get3A_0 = arith.constant 0 : index
    %get3A_1 = vector.load %arg1[%get3A, %get3A_0] : memref<4000x128xf32, #tpu.memory_space<vmem>>, vector<4000x128xf32>
    %get3A_2 = arith.constant 0 : index
    %get3A_3 = arith.constant 0 : index
    %get3A_4 = vector.load %arg2[%get3A_2, %get3A_3] : memref<4000x128xf32, #tpu.memory_space<vmem>>, vector<4000x128xf32>
    %add3A = arith.addf %get3A_1, %get3A_4 : vector<4000x128xf32>
    %get3A_5 = arith.constant 0 : index
    %get3A_6 = arith.constant 0 : index
    %get3A_7 = vector.load %arg3[%get3A_5, %get3A_6] : memref<4000x1xf32, #tpu.memory_space<vmem>>, vector<4000x1xf32>
    %get3A_8 = arith.constant 0 : index
    %get3A_9 = arith.constant 0 : index
    %get3A_10 = vector.load %arg5[%get3A_8, %get3A_9] : memref<1x128xf32, #tpu.memory_space<vmem>>, vector<1x128xf32>
    %mul3A = vector.broadcast %get3A_7 : vector<4000x1xf32> to vector<4000x128xf32>
    %mul3A_11 = vector.broadcast %get3A_10 : vector<1x128xf32> to vector<4000x128xf32>
    %mul3A_12 = arith.mulf %mul3A, %mul3A_11 : vector<4000x128xf32>
    %add3A_13 = arith.addf %add3A, %mul3A_12 : vector<4000x128xf32>
    %get3A_14 = arith.constant 0 : index
    %get3A_15 = arith.constant 0 : index
    %get3A_16 = vector.load %arg4[%get3A_14, %get3A_15] : memref<4000x16xf32, #tpu.memory_space<vmem>>, vector<4000x16xf32>
    %get3A_17 = arith.constant 0 : index
    %get3A_18 = arith.constant 0 : index
    %get3A_19 = vector.load %arg6[%get3A_17, %get3A_18] : memref<16x128xf32, #tpu.memory_space<vmem>>, vector<16x128xf32>
    %dot_general3A = arith.constant dense<0.000000e+00> : vector<4000x128xf32>
    %dot_general3A_20 = tpu.matmul %get3A_16, %get3A_19, %dot_general3A {dimension_numbers = #tpu.dot_dimension_numbers<[1], [0], [0], [1], [0, 0, 1, 1], [], []>, transpose_lhs_hint = false} : vector<4000x16xf32>, vector<16x128xf32>, vector<4000x128xf32> -> vector<4000x128xf32>
    %add3A_21 = arith.addf %add3A_13, %dot_general3A_20 : vector<4000x128xf32>
    %get3A_22 = arith.constant 0 : index
    %get3A_23 = arith.constant 0 : index
    %get3A_24 = vector.load %arg7[%get3A_22, %get3A_23] : memref<1x128xf32, #tpu.memory_space<vmem>>, vector<1x128xf32>
    %add3A_25 = vector.broadcast %get3A_24 : vector<1x128xf32> to vector<4000x128xf32>
    %add3A_26 = arith.addf %add3A_21, %add3A_25 : vector<4000x128xf32>
    %max3A = arith.constant 0.000000e+00 : f32
    %max3A_27 = vector.broadcast %max3A : f32 to vector<4000x128xf32>
    %max3A_28 = arith.maximumf %add3A_26, %max3A_27 : vector<4000x128xf32>
    %get3A_29 = arith.constant 0 : index
    %get3A_30 = arith.constant 0 : index
    %get3A_31 = vector.load %arg8[%get3A_29, %get3A_30] : memref<128x128xf32, #tpu.memory_space<vmem>>, vector<128x128xf32>
    %dot_general3A_32 = arith.constant dense<0.000000e+00> : vector<4000x128xf32>
    %dot_general3A_33 = tpu.matmul %max3A_28, %get3A_31, %dot_general3A_32 {dimension_numbers = #tpu.dot_dimension_numbers<[1], [0], [0], [1], [0, 0, 1, 1], [], []>, transpose_lhs_hint = false} : vector<4000x128xf32>, vector<128x128xf32>, vector<4000x128xf32> -> vector<4000x128xf32>
    %get3A_34 = arith.constant 0 : index
    %get3A_35 = arith.constant 0 : index
    %get3A_36 = vector.load %arg9[%get3A_34, %get3A_35] : memref<1x128xf32, #tpu.memory_space<vmem>>, vector<1x128xf32>
    %add3A_37 = vector.broadcast %get3A_36 : vector<1x128xf32> to vector<4000x128xf32>
    %add3A_38 = arith.addf %dot_general3A_33, %add3A_37 : vector<4000x128xf32>
    %max3A_39 = arith.constant 0.000000e+00 : f32
    %max3A_40 = vector.broadcast %max3A_39 : f32 to vector<4000x128xf32>
    %max3A_41 = arith.maximumf %add3A_38, %max3A_40 : vector<4000x128xf32>
    %swap3A = arith.constant 0 : index
    %swap3A_42 = arith.constant 0 : index
    %swap3A_43 = vector.load %arg10[%swap3A, %swap3A_42] : memref<4000x128xf32, #tpu.memory_space<vmem>>, vector<4000x128xf32>
    tpu.vector_store %arg10[%swap3A, %swap3A_42], %max3A_41 {strides = array<i32>} : memref<4000x128xf32, #tpu.memory_space<vmem>>, vector<4000x128xf32>,
    return
  }
  func.func @transform_0(%arg0: i32) -> (i32, i32) {
    %c0_i32 = arith.constant 0 : i32
    %c0_i32_0 = arith.constant 0 : i32
    return %arg0, %c0_i32 : i32, i32
  }
  func.func @transform_1(%arg0: i32) -> (i32, i32) {
    %c0_i32 = arith.constant 0 : i32
    %c0_i32_0 = arith.constant 0 : i32
    return %arg0, %c0_i32 : i32, i32
  }
  func.func @transform_2(%arg0: i32) -> (i32, i32) {
    %c0_i32 = arith.constant 0 : i32
    %c0_i32_0 = arith.constant 0 : i32
    return %arg0, %c0_i32 : i32, i32
  }
  func.func @transform_3(%arg0: i32) -> (i32, i32) {
    %c0_i32 = arith.constant 0 : i32
    %c0_i32_0 = arith.constant 0 : i32
    return %arg0, %c0_i32 : i32, i32
  }
  func.func @transform_4(%arg0: i32) -> (i32, i32) {
    %c0_i32 = arith.constant 0 : i32
    %c0_i32_0 = arith.constant 0 : i32
    %c0_i32_1 = arith.constant 0 : i32
    return %c0_i32, %c0_i32_0 : i32, i32
  }
  func.func @transform_5(%arg0: i32) -> (i32, i32) {
    %c0_i32 = arith.constant 0 : i32
    %c0_i32_0 = arith.constant 0 : i32
    %c0_i32_1 = arith.constant 0 : i32
    return %c0_i32, %c0_i32_0 : i32, i32
  }
  func.func @transform_6(%arg0: i32) -> (i32, i32) {
    %c0_i32 = arith.constant 0 : i32
    %c0_i32_0 = arith.constant 0 : i32
    %c0_i32_1 = arith.constant 0 : i32
    return %c0_i32, %c0_i32_0 : i32, i32
  }
  func.func @transform_7(%arg0: i32) -> (i32, i32) {
    %c0_i32 = arith.constant 0 : i32
    %c0_i32_0 = arith.constant 0 : i32
    %c0_i32_1 = arith.constant 0 : i32
    return %c0_i32, %c0_i32_0 : i32, i32
  }
  func.func @transform_8(%arg0: i32) -> (i32, i32) {
    %c0_i32 = arith.constant 0 : i32
    %c0_i32_0 = arith.constant 0 : i32
    %c0_i32_1 = arith.constant 0 : i32
    return %c0_i32, %c0_i32_0 : i32, i32
  }
  func.func @transform_9(%arg0: i32) -> (i32, i32) {
    %c0_i32 = arith.constant 0 : i32
    %c0_i32_0 = arith.constant 0 : i32
    return %arg0, %c0_i32 : i32, i32
  }
}

module attributes {stable_mosaic.version = 14 : i64} {
  func.func @_node_body(%arg0: i32, %arg1: memref<2000x128xf32, #tpu.memory_space<vmem>>, %arg2: memref<2x2000x128xf32, #tpu.memory_space<vmem>>, %arg3: memref<128x128xf32, #tpu.memory_space<vmem>>, %arg4: memref<128x128xf32, #tpu.memory_space<vmem>>, %arg5: memref<1x128xf32, #tpu.memory_space<vmem>>, %arg6: memref<128x128xf32, #tpu.memory_space<vmem>>, %arg7: memref<1x128xf32, #tpu.memory_space<vmem>>, %arg8: memref<2000x128xf32, #tpu.memory_space<vmem>>) attributes {dimension_semantics = [#tpu.dimension_semantics<arbitrary>], iteration_bounds = array<i64: 5>, scalar_prefetch = 0 : i64, scratch_operands = 0 : i64, tpu.core_type = #tpu.core_type<tc>, window_params = [{transform_indices = @transform_0, window_bounds = array<i64: 2000, 128>}, {transform_indices = @transform_1, window_bounds = array<i64: 2, 2000, 128>}, {pipeline_mode = #tpu.pipeline_mode<synchronous>, transform_indices = @transform_2, window_bounds = array<i64: 128, 128>}, {pipeline_mode = #tpu.pipeline_mode<synchronous>, transform_indices = @transform_3, window_bounds = array<i64: 128, 128>}, {pipeline_mode = #tpu.pipeline_mode<synchronous>, transform_indices = @transform_4, window_bounds = array<i64: 1, 128>}, {pipeline_mode = #tpu.pipeline_mode<synchronous>, transform_indices = @transform_5, window_bounds = array<i64: 128, 128>}, {pipeline_mode = #tpu.pipeline_mode<synchronous>, transform_indices = @transform_6, window_bounds = array<i64: 1, 128>}, {transform_indices = @transform_7, window_bounds = array<i64: 2000, 128>}]} {
    %get3A = arith.constant 0 : index
    %get3A_0 = arith.constant 0 : index
    %get3A_1 = arith.constant 0 : index
    %get3A_2 = vector.load %arg2[%get3A, %get3A_0, %get3A_1] : memref<2x2000x128xf32, #tpu.memory_space<vmem>>, vector<1x2000x128xf32>
    %get3A_3 = vector.shape_cast %get3A_2 : vector<1x2000x128xf32> to vector<2000x128xf32>
    %get3A_4 = arith.constant 1 : index
    %get3A_5 = arith.constant 0 : index
    %get3A_6 = arith.constant 0 : index
    %get3A_7 = vector.load %arg2[%get3A_4, %get3A_5, %get3A_6] : memref<2x2000x128xf32, #tpu.memory_space<vmem>>, vector<1x2000x128xf32>
    %get3A_8 = vector.shape_cast %get3A_7 : vector<1x2000x128xf32> to vector<2000x128xf32>
    %add3A = arith.addf %get3A_3, %get3A_8 : vector<2000x128xf32>
    %get3A_9 = arith.constant 0 : index
    %get3A_10 = arith.constant 0 : index
    %get3A_11 = vector.load %arg1[%get3A_9, %get3A_10] : memref<2000x128xf32, #tpu.memory_space<vmem>>, vector<2000x128xf32>
    %get3A_12 = arith.constant 0 : index
    %get3A_13 = arith.constant 0 : index
    %get3A_14 = vector.load %arg3[%get3A_12, %get3A_13] : memref<128x128xf32, #tpu.memory_space<vmem>>, vector<128x128xf32>
    %dot_general3A = arith.constant dense<0.000000e+00> : vector<2000x128xf32>
    %dot_general3A_15 = tpu.matmul %get3A_11, %get3A_14, %dot_general3A {dimension_numbers = #tpu.dot_dimension_numbers<[1], [0], [0], [1], [0, 0, 1, 1], [], []>, transpose_lhs_hint = false} : vector<2000x128xf32>, vector<128x128xf32>, vector<2000x128xf32> -> vector<2000x128xf32>
    %get3A_16 = arith.constant 0 : index
    %get3A_17 = arith.constant 0 : index
    %get3A_18 = vector.load %arg4[%get3A_16, %get3A_17] : memref<128x128xf32, #tpu.memory_space<vmem>>, vector<128x128xf32>
    %dot_general3A_19 = arith.constant dense<0.000000e+00> : vector<2000x128xf32>
    %dot_general3A_20 = tpu.matmul %add3A, %get3A_18, %dot_general3A_19 {dimension_numbers = #tpu.dot_dimension_numbers<[1], [0], [0], [1], [0, 0, 1, 1], [], []>, transpose_lhs_hint = false} : vector<2000x128xf32>, vector<128x128xf32>, vector<2000x128xf32> -> vector<2000x128xf32>
    %add3A_21 = arith.addf %dot_general3A_15, %dot_general3A_20 : vector<2000x128xf32>
    %get3A_22 = arith.constant 0 : index
    %get3A_23 = arith.constant 0 : index
    %get3A_24 = vector.load %arg5[%get3A_22, %get3A_23] : memref<1x128xf32, #tpu.memory_space<vmem>>, vector<1x128xf32>
    %add3A_25 = vector.broadcast %get3A_24 : vector<1x128xf32> to vector<2000x128xf32>
    %add3A_26 = arith.addf %add3A_21, %add3A_25 : vector<2000x128xf32>
    %max3A = arith.constant 0.000000e+00 : f32
    %max3A_27 = vector.broadcast %max3A : f32 to vector<2000x128xf32>
    %max3A_28 = arith.maximumf %add3A_26, %max3A_27 : vector<2000x128xf32>
    %get3A_29 = arith.constant 0 : index
    %get3A_30 = arith.constant 0 : index
    %get3A_31 = vector.load %arg6[%get3A_29, %get3A_30] : memref<128x128xf32, #tpu.memory_space<vmem>>, vector<128x128xf32>
    %dot_general3A_32 = arith.constant dense<0.000000e+00> : vector<2000x128xf32>
    %dot_general3A_33 = tpu.matmul %max3A_28, %get3A_31, %dot_general3A_32 {dimension_numbers = #tpu.dot_dimension_numbers<[1], [0], [0], [1], [0, 0, 1, 1], [], []>, transpose_lhs_hint = false} : vector<2000x128xf32>, vector<128x128xf32>, vector<2000x128xf32> -> vector<2000x128xf32>
    %get3A_34 = arith.constant 0 : index
    %get3A_35 = arith.constant 0 : index
    %get3A_36 = vector.load %arg7[%get3A_34, %get3A_35] : memref<1x128xf32, #tpu.memory_space<vmem>>, vector<1x128xf32>
    %add3A_37 = vector.broadcast %get3A_36 : vector<1x128xf32> to vector<2000x128xf32>
    %add3A_38 = arith.addf %dot_general3A_33, %add3A_37 : vector<2000x128xf32>
    %swap3A = arith.constant 0 : index
    %swap3A_39 = arith.constant 0 : index
    %swap3A_40 = vector.load %arg8[%swap3A, %swap3A_39] : memref<2000x128xf32, #tpu.memory_space<vmem>>, vector<2000x128xf32>
    tpu.vector_store %arg8[%swap3A, %swap3A_39], %add3A_38 {strides = array<i32>} : memref<2000x128xf32, #tpu.memory_space<vmem>>, vector<2000x128xf32>,
    return
  }
  func.func @transform_0(%arg0: i32) -> (i32, i32) {
    %c0_i32 = arith.constant 0 : i32
    %c0_i32_0 = arith.constant 0 : i32
    return %arg0, %c0_i32 : i32, i32
  }
  func.func @transform_1(%arg0: i32) -> (i32, i32, i32) {
    %c0_i32 = arith.constant 0 : i32
    %c0_i32_0 = arith.constant 0 : i32
    %c0_i32_1 = arith.constant 0 : i32
    return %c0_i32, %arg0, %c0_i32_0 : i32, i32, i32
  }
  func.func @transform_2(%arg0: i32) -> (i32, i32) {
    %c0_i32 = arith.constant 0 : i32
    %c0_i32_0 = arith.constant 0 : i32
    %c0_i32_1 = arith.constant 0 : i32
    return %c0_i32, %c0_i32_0 : i32, i32
  }
  func.func @transform_3(%arg0: i32) -> (i32, i32) {
    %c0_i32 = arith.constant 0 : i32
    %c0_i32_0 = arith.constant 0 : i32
    %c0_i32_1 = arith.constant 0 : i32
    return %c0_i32, %c0_i32_0 : i32, i32
  }
  func.func @transform_4(%arg0: i32) -> (i32, i32) {
    %c0_i32 = arith.constant 0 : i32
    %c0_i32_0 = arith.constant 0 : i32
    %c0_i32_1 = arith.constant 0 : i32
    return %c0_i32, %c0_i32_0 : i32, i32
  }
  func.func @transform_5(%arg0: i32) -> (i32, i32) {
    %c0_i32 = arith.constant 0 : i32
    %c0_i32_0 = arith.constant 0 : i32
    %c0_i32_1 = arith.constant 0 : i32
    return %c0_i32, %c0_i32_0 : i32, i32
  }
  func.func @transform_6(%arg0: i32) -> (i32, i32) {
    %c0_i32 = arith.constant 0 : i32
    %c0_i32_0 = arith.constant 0 : i32
    %c0_i32_1 = arith.constant 0 : i32
    return %c0_i32, %c0_i32_0 : i32, i32
  }
  func.func @transform_7(%arg0: i32) -> (i32, i32) {
    %c0_i32 = arith.constant 0 : i32
    %c0_i32_0 = arith.constant 0 : i32
    return %arg0, %c0_i32 : i32, i32
  }
}

</mosaic_0001>

<sc_bundles>
// kernel: kernel.10.cloned.1.call-start
scs
__scs_entry_jumppad:
0x0: {  	(pc) =	sbr.rel $0x88, $3  }
0x1: {  	(tag) =	ssettag $0x0;
	lr =	simm.s32 $0x1  }
0x2: {  	[smem:$0x3F95] =	sst lr;
	_ =	strace $0xD0000000  }
0x3: {  	_ = 	snop  }
0x4: {  	_ = 	snop  }
0x5: {  	_ = 	snop  }
0x6: {  	_ = 	snop  }
0x7: {  	_ = 	snop  }
__scs_overlays_trampoline_lowered:
0x8: {  	[smem:$0x3FA4] =	sst s0  }
0x9: {  	[smem:$0x3FA5] =	sst s1  }
0xa: {  	[smem:$0x3FA6] =	sst s2  }
0xb: {  	[smem:$0x3FA7] =	sst s3  }
0xc: {  	[smem:$0x3FA8] =	sst s4  }
0xd: {  	[smem:$0x3FA9] =	sst s5  }
0xe: {  	[smem:$0x3FAA] =	sst s6  }
0xf: {  	[smem:$0x3FAB] =	sst s7  }
0x10: {  	[smem:$0x3FAC] =	sst s8  }
0x11: {  	[smem:$0x3FAD] =	sst s9;
	s0 =	simm.s32 @!p0 $0x0  }
0x12: {  	s1 =	sld [smem:$0x3F93];
	s0 =	simm.s32 @p0 $0x1  }
0x13: {  	[smem:$0x3FAE] =	sst s0;
	s0 =	simm.s32 @!p1 $0x0  }
0x14: {  	s2 =	sld [smem:$0x3F92];
	s0 =	simm.s32 @p1 $0x1  }
0x15: {  	[smem:$0x3FAF] =	sst s0;
	s0 =	simm.s32 @!p2 $0x0  }
0x16: {  	s3 =	sld [smem:$0x3FDB];
	s0 =	simm.s32 @p2 $0x1  }
0x17: {  	s4 =	simm.s32 $0x1BF5;
	[smem:$0x3FB1] =	sst s0  }
0x18: {  	s0 =	sld [smem:$0x3F94];
	_ =	swait.ge [sflag:s4], $0x0  }
0x19: {  	s7 =	sld [smem:$0x3F95]  }
0x1a: {  	s8 =	sadd.s32 $0xFFFFE003, lr  }
0x1b: {  	s9 =	sadd.s32 $0xFFFFFEF7, lr;
	s5 =	simm.s32 $0xFFFFFFFF;
	p2 =	slt.u32 s8, $0xFFFFF086  }
0x1c: {  	p1 =	slt.u32 s9, $0xF7A;
	s5 =	simm.s32 @!p2 $0x0  }
0x1d: {  	s5 =	simm.s32 @p1 $0x1;
	p0 =	seq.s32 s7, s2  }
0x1e: {  	s7 =	smul.u32 @!p0 $0xF7A, s2;
	p2 =	seq.s32 @!p0 s5, $0x0  }
0x1f: {  	s9 =	smul.u32 $0xF7A, s1;
	s8 =	simm.s32 @!p0 $0x1BF5;
	p2 =	por !p2, p0  }
0x20: {  	[sflag:s8] =	ssyncset.s32 @!p0 $0xFFFFF086;
	s6 =	sadd.s32 @!p0 s3, s7;
	s7 =	simm.s32 @!p0 $0x108  }
0x21: {  	s3 =	sadd.s32 s3, s9;
	s6 =	sadd.s32 @!p0 $0x88, s6;
	s7 =	simm.s32 @p2 $0x1082  }
0x22: {  	[simem:s7], [sflag:s8] =	dma.local @!p0 [hbm:s6], $0xF7A  }
0x23: {  	s9 =	sor.u32 $0xD0000000, s2;
	s6 =	simm.s32 $0x108;
	_ =	swait.ge @!p0 [sflag:s8], $0x0  }
0x24: {  	s3 =	sadd.s32 $0x88, s3;
	s6 =	simm.s32 @!p1 $0x1082;
	[sflag:s4] =	ssyncset.s32 $0xFFFFF086  }
0x25: {  	[simem:s6], [sflag:s4] =	dma.local [hbm:s3], $0xF7A  }
0x26: {  	[smem:$0x3F95] =	sst s1;
	(tag) =	ssettag s2;
	_ =	strace s9  }
0x27: {  	s1 =	sld [smem:$0x3FA5]  }
0x28: {  	s2 =	sld [smem:$0x3FA6]  }
0x29: {  	s4 =	sld [smem:$0x3FA8]  }
0x2a: {  	p0 =	seq.s32 s5, $0x0;
	s5 =	sld [smem:$0x3FA9]  }
0x2b: {  	s6 =	sld [smem:$0x3FAA]  }
0x2c: {  	s7 =	sld [smem:$0x3FAB]  }
0x2d: {  	s3 =	simm.s32 $0x108;
	s8 =	sld [smem:$0x3FAC]  }
0x2e: {  	s3 =	simm.s32 @!p0 $0x1082;
	s9 =	sld [smem:$0x3FAD]  }
0x2f: {  	lr =	sadd.s32 s0, s3;
	s0 =	sld [smem:$0x3FA4]  }
0x30: {  	s3 =	sld [smem:$0x3FA7]  }
0x31: {  	[smem:$0x3FB0] =	sst s10  }
0x32: {  	s10 =	sld [smem:$0x3FAE];
	_ =	sdelay $0x3  }
0x33: {  	p0 =	seq.s32 s10, $0x1;
	s10 =	sld [smem:$0x3FB0];
	_ =	sdelay $0x3  }
0x34: {  	[smem:$0x3FB0] =	sst s10  }
0x35: {  	s10 =	sld [smem:$0x3FAF];
	_ =	sdelay $0x3  }
0x36: {  	p1 =	seq.s32 s10, $0x1;
	s10 =	sld [smem:$0x3FB0];
	_ =	sdelay $0x3  }
0x37: {  	[smem:$0x3FB0] =	sst s10  }
0x38: {  	s10 =	sld [smem:$0x3FB1]  }
0x39: {  	_ = 	snop;
	(pc) =	sbr.ind lr, $3  }
0x3a: {  	_ = 	snop  }
0x3b: {  	_ = 	snop  }
0x3c: {  	p2 =	seq.s32 s10, $0x1;
	s10 =	sld [smem:$0x3FB0]  }
0x3d: {  	_ =	shalt  }
0x3e: {  	_ =	shalt  }
0x3f: {  	_ =	shalt  }
0x40: {  	_ =	shalt  }
0x41: {  	_ =	shalt  }
0x42: {  	_ =	shalt  }
0x43: {  	_ =	shalt  }
0x44: {  	_ =	shalt  }
0x45: {  	_ =	shalt  }
0x46: {  	_ =	shalt  }
0x47: {  	_ =	shalt  }
0x48: {  	_ =	shalt  }
0x49: {  	_ =	shalt  }
0x4a: {  	_ =	shalt  }
0x4b: {  	_ =	shalt  }
0x4c: {  	_ =	shalt  }
0x4d: {  	_ =	shalt  }
0x4e: {  	_ =	shalt  }
0x4f: {  	_ =	shalt  }
0x50: {  	_ =	shalt  }
0x51: {  	_ =	shalt  }
0x52: {  	_ =	shalt  }
0x53: {  	_ =	shalt  }
0x54: {  	_ =	shalt  }
0x55: {  	_ =	shalt  }
0x56: {  	_ =	shalt  }
0x57: {  	_ =	shalt  }
0x58: {  	_ =	shalt  }
0x59: {  	_ =	shalt  }
0x5a: {  	_ =	shalt  }
0x5b: {  	_ =	shalt  }
0x5c: {  	_ =	shalt  }
0x5d: {  	_ =	shalt  }
0x5e: {  	_ =	shalt  }
0x5f: {  	_ =	shalt  }
0x60: {  	_ =	shalt  }
0x61: {  	_ =	shalt  }
0x62: {  	_ =	shalt  }
0x63: {  	_ =	shalt  }
0x64: {  	_ =	shalt  }
0x65: {  	_ =	shalt  }
0x66: {  	_ =	shalt  }
0x67: {  	_ =	shalt  }
0x68: {  	_ =	shalt  }
0x69: {  	_ =	shalt  }
0x6a: {  	_ =	shalt  }
0x6b: {  	_ =	shalt  }
0x6c: {  	_ =	shalt  }
0x6d: {  	_ =	shalt  }
0x6e: {  	_ =	shalt  }
0x6f: {  	_ =	shalt  }
0x70: {  	_ =	shalt  }
0x71: {  	_ =	shalt  }
0x72: {  	_ =	shalt  }
0x73: {  	_ =	shalt  }
0x74: {  	_ =	shalt  }
0x75: {  	_ =	shalt  }
0x76: {  	_ =	shalt  }
0x77: {  	_ =	shalt  }
0x78: {  	_ =	shalt  }
0x79: {  	_ =	shalt  }
0x7a: {  	_ =	shalt  }
0x7b: {  	_ =	shalt  }
0x7c: {  	_ =	shalt  }
0x7d: {  	_ =	shalt  }
0x7e: {  	_ =	shalt  }
0x7f: {  	_ =	shalt  }
0x80: {  	_ =	shalt  }
0x81: {  	_ =	shalt  }
0x82: {  	_ =	shalt  }
0x83: {  	_ =	shalt  }
0x84: {  	_ =	shalt  }
0x85: {  	_ =	shalt  }
0x86: {  	_ =	shalt  }
0x87: {  	_ =	shalt  }
.Lfunc_end0:
.L_simem_size_0:
called_computation.1_lowered:
.L_overlay_start_0:
0x88: {  	s2 =	sld [smem:$0x3FD9]  }
0x89: {  	s3 =	sld [smem:$0x3FFE];
	_ =	sdelay $0x1  }
0x8a: {  	s1 =	srdreg.scid  }
0x8b: {  	s0 =	sand.u32 $0x1, s1  }
0x8c: {  	s17 =	sshll.u32 s0, $0xA;
	s2 =	sadd.s32 s3, s2  }
0x8d: {  	s2 =	sadd.s32 s2, s17  }
0x8e: {  	[smem:$0x3FBC] =	sst s2  }
0x8f: {  	_ = 	snop  }
0x90: {  	s2 =	sld [smem:$0x3FD0];
	(tm) =	ssettm $0x1  }
0x91: {  	s18 =	sld [smem:$0x3FFB];
	_ =	sdelay $0x3  }
0x92: {  	_ =	strace s18  }
0x93: {  	s3 =	sld [smem:$0x3FFC];
	_ =	sdelay $0x3  }
0x94: {  	_ =	strace s3  }
0x95: {  	s3 =	sld [smem:$0x3FFD];
	_ =	sdelay $0x3  }
0x96: {  	_ =	strace s3  }
0x97: {  	_ =	strace $0x8FFFFFFF  }
0x98: {  	s19 =	sld [smem:$0x3FDB];
	_ =	sdelay $0x1  }
0x99: {  	s4 =	simm.s32 $_scs_section_size  }
0x9a: {  	s5 =	simm.s32 $_size__tile_overlayer_lowered;
	s6 =	simm.s32 $_tile_overlayer_lowered  }
0x9b: {  	s22 =	simm.s32 $0x1BFF;
	s21 =	sshll.u32 s6, $0x1;
	s3 =	sadd.s32 s4, s19  }
0x9c: {  	s7 =	simm.s32 $0x0;
	s20 =	sshll.u32 s5, $0x1;
	s5 =	sadd.s32 s21, s3  }
0x9d: {  	[timem:s7], [sflag:s22] =	dma.local [hbm:s5], s20  }
0x9e: {  	_ =	swait.ge [sflag:s22], s20  }
0x9f: {  	s4 =	ssub.s32 $0x0, s20;
	[sflag:s22] =	ssyncset.done $0x0  }
0xa0: {  	[sflag:s22] =	ssyncadd.s32 s4;
	_ =	sdelay $0x1  }
0xa1: {  	s23 =	simm.s32 $0x1B8B  }
0xa2: {  	_ =	swait.ge [sflag:s23], $0x1  }
0xa3: {  	[sflag:s23] =	ssyncset.done $0x0  }
0xa4: {  	s25 =	simm.s32 $0x1B8E;
	s24 =	sld [smem:$0x3FFE];
	[sflag:s23] =	ssyncadd.s32 $0xFFFFFFFF  }
0xa5: {  	s26 =	simm.s32 $execute0_lowered;
	[smem:$0x3FD2] =	sst s25  }
0xa6: {  	s5 =	sshll.u32 s26, $0x1;
	_ =	strace $0x80000049;
	[dreg:$0x1] =	wrdreg $0xFFFFFFFF  }
0xa7: {  	s28 =	simm.s32 $_size_execute0_lowered;
	s3 =	sadd.s32 s3, s5;
	[dreg:$0x0] =	wrdreg $0x0  }
0xa8: {  	s5 =	sshll.u32 s28, $0x1;
	[dreg:$0x2] =	wrdreg s3  }
0xa9: {  	[dreg:$0x3] =	wrdreg s5  }
0xaa: {  	[dreg:$0x4] =	wrdreg $0xC0  }
0xab: {  	_ =	task [dreg:s7], $0x5FFFF  }
0xac: {  	[dreg:$0x1] =	wrdreg $0xFFFFFFFF  }
0xad: {  	[dreg:$0x0] =	wrdreg $0x60  }
0xae: {  	[dreg:$0x2] =	wrdreg s24  }
0xaf: {  	[dreg:$0x3] =	wrdreg s2  }
0xb0: {  	[dreg:$0x4] =	wrdreg $0x0  }
0xb1: {  	[dreg:$0x5] =	wrdreg $0x9  }
0xb2: {  	_ =	task.clear_ibuf [dreg:s7], $0x6FFFF;
	_ =	strace $0x90000049  }
0xb3: {  	s29 =	simm.s32 $0x9;
	_ =	strace $0x8000004B  }
0xb4: {  	_ =	swait.ge [sflag:s29], $0x1  }
0xb5: {  	[sflag:s29] =	ssyncadd.s32 $0xFFFFFFFF  }
0xb6: {  	_ =	strace $0x9000004B  }
0xb7: {  	_ =	sfence  }
0xb8: {  	s30 =	sld [smem:$0x0];
	_ =	sdelay $0x2  }
0xb9: {  	s31 =	sshll.u32 s1, $0xD;
	s1 =	sshrl.u32 s1, $0x2  }
0xba: {  	s3 =	sand.u32 $0x4000, s31;
	s1 =	sadd.s32 s1, s30  }
0xbb: {  	s0 =	sor.u32 s3, s0;
	s1 =	sshll.u32 s1, $0x11  }
0xbc: {  	s0 =	sor.u32 s1, s0  }
0xbd: {  	s0 =	sadd.s32 $0x8F2B, s0  }
0xbe: {  	[sflag:s0] =	ssyncadd.remote.s32 $0x1  }
0xbf: {  	_ =	sfence.sel $0xFFFF  }
0xc0: {  	[dreg:$0x0] =	wrdreg $0xFFFFFFFF;
	(pc) =	sbr.abs _section_cstart, $3  }
0xc1: {  	[dreg:$0x1] =	wrdreg $0xFFFFFFFF  }
0xc2: {  	_ =	task.clear_ibuf [dreg:s7], $0x2FFFF;
	_ =	strace $0x9FFFFFFF  }
0xc3: {  	(tm) =	ssettm $0x7FFFFFFF  }
tec
execute0_lowered:
.L_overlay_start_1:
0x0: {  	(tag) =	ssettag $0x1  }
0x1: {  	s0 =	rddreg [dreg:$0x0]  }
0x2: {  	s2 =	rddreg [dreg:$0x2];
	s13 =	stileid.u32  }
0x3: {  	s4 =	simm.s32 $0x0;
	s1 =	srdreg.scid;
	s7 =	smul.u32 $0x13C00, s13  }
0x4: {  	s28 =	simm.s32 $0x7;
	s29 =	simm.s32 $0x1DD00;
	s8 =	smul.u32 $0x4F000, s13  }
0x5: {  	s30 =	simm.s32 $0x2;
	s1 =	sand.u32 $0x1, s1;
	s17 =	smul.u32 $0x4E20, s13  }
0x6: {  	s31 =	simm.s32 $0x8;
	[smem:$0x7FF] =	sst s4;
	s3 =	smul.u32 $0x13C000, s1  }
0x7: {  	s5 =	sadd.s32 $0x13D1200, s0;
	s24 =	sshll.u32 s13, $0x1;
	s20 =	smul.u32 $0x2710, s1  }
0x8: {  	s9 =	ssub.s32 $0x2, s1;
	s10 =	sor.u32 s1, s24;
	s1 =	smul.u32 $0x27100, s1  }
0x9: {  	s6 =	sadd.s32 $0xCA00, s0;
	_ =	strace $0x8000004A;
	s11 =	smul.u32 $0x2710, s10  }
0xa: {  	s25 =	sshrl.u32 s9, $0x1;
	s8 =	sshrl.u32 s8, $0x2;
	s14 =	smul.u32 $0x27100, s10  }
0xb: {  	s10 =	simm.s32 $0x1DE00;
	s3 =	sadd.s32 s7, s3;
	s26 =	ssub.s32 s9, s25  }
0xc: {  	s7 =	sadd.s32 s8, s2;
	s3 =	sshrl.u32 s3, $0x3;
	s12 =	sshrl.u32 s11, $0x3  }
0xd: {  	s15 =	sadd.s32 $0x50, s11;
	s9 =	sadd.s32 s5, s14;
	s19 =	sadd.s32 $0x190, s11  }
0xe: {  	s11 =	simm.s32 $0x0;
	s0 =	sadd.s32 s3, s0;
	[dreg:$0x7] =	wrdreg s9  }
0xf: {  	s8 =	sadd.s32 s6, s12;
	s16 =	sshrl.u32 s15, $0x3;
	[dreg:$0x4] =	wrdreg s19  }
0x10: {  	s12 =	smul.u32 $0x4E200, s13;
	s3 =	smax.u32 s26, $0x1;
	[dreg:$0x6] =	wrdreg s8  }
0x11: {  	s18 =	sshll.u32 s15, $0x4;
	s8 =	sadd.s32 s6, s16;
	[dreg:$0xb] =	wrdreg s3  }
0x12: {  	s19 =	simm.s32 $0x1DC00;
	s9 =	sadd.s32 s5, s18;
	[dreg:$0x8] =	wrdreg s8  }
0x13: {  	s0 =	sadd.s32 $0x16800, s0;
	s18 =	simm.s32 $0x9;
	[dreg:$0x9] =	wrdreg s9  }
0x14: {  	s3 =	simm.s32 $0x3;
	[dreg:$0xa] =	wrdreg s0;
	s21 =	sadd.s32 s12, s5  }
0x15: {  	s8 =	sadd.s32 s20, s17;
	s20 =	simm.s32 $0x13C00;
	s9 =	simm.s32 $0x6  }
0x16: {  	s0 =	sadd.s32 s1, s21;
	s22 =	sadd.s32 $0xF0, s8;
	s24 =	sadd.s32 $0xA0, s8  }
0x17: {  	s25 =	sadd.s32 $0x140, s8;
	s21 =	simm.s32 $0x1DC80;
	s1 =	simm.s32 $0x5  }
0x18: {  	s8 =	simm.s32 $0x4;
	[dreg:$0x5] =	wrdreg s0;
	s23 =	sshrl.u32 s22, $0x3  }
0x19: {  	[dreg:$0xc] =	wrdreg s25;
	s26 =	sshrl.u32 s24, $0x3;
	s22 =	simm.s32 $0x16400  }
0x1a: {  	s24 =	simm.s32 $0x1B400;
	s25 =	simm.s32 $0x1;
	s0 =	sadd.s32 s23, s6  }
0x1b: {  	s23 =	simm.s32 $0x18C00;
	[dreg:$0xd] =	wrdreg s0;
	s0 =	sadd.s32 s26, s6  }
0x1c: {  	v0 =	vimm.f32 $0.0e+00;
	s26 =	simm.s32 $0x50;
	[dreg:$0xe] =	wrdreg s0;
	s0 =	simm.s32 $0x1DD80  }
.LBB2_1:
0x1d: {  	[tilespmem:$0x1DE00] =	vst v0  }
0x1e: {  	[tilespmem:$0x1DE10] =	vst v0  }
0x1f: {  	[tilespmem:$0x1DE20] =	vst v0  }
0x20: {  	[tilespmem:$0x1DE30] =	vst v0  }
0x21: {  	[tilespmem:$0x1DE40] =	vst v0  }
0x22: {  	[tilespmem:$0x1DE50] =	vst v0  }
0x23: {  	[tilespmem:$0x1DE60] =	vst v0  }
0x24: {  	[tilespmem:$0x1DE70] =	vst v0  }
0x25: {  	[tilespmem:$0x1DE80] =	vst v0  }
0x26: {  	[tilespmem:$0x1DE90] =	vst v0  }
0x27: {  	[tilespmem:$0x1DEA0] =	vst v0  }
0x28: {  	[tilespmem:$0x1DEB0] =	vst v0  }
0x29: {  	[tilespmem:$0x1DEC0] =	vst v0  }
0x2a: {  	[tilespmem:$0x1DED0] =	vst v0  }
0x2b: {  	[tilespmem:$0x1DEE0] =	vst v0  }
0x2c: {  	[tilespmem:$0x1DEF0] =	vst v0  }
0x2d: {  	[tilespmem:$0x1DF00] =	vst v0  }
0x2e: {  	[tilespmem:$0x1DF10] =	vst v0  }
0x2f: {  	[tilespmem:$0x1DF20] =	vst v0  }
0x30: {  	[tilespmem:$0x1DF30] =	vst v0  }
0x31: {  	[tilespmem:$0x1DF40] =	vst v0  }
0x32: {  	[tilespmem:$0x1DF50] =	vst v0  }
0x33: {  	[tilespmem:$0x1DF60] =	vst v0  }
0x34: {  	[tilespmem:$0x1DF70] =	vst v0  }
0x35: {  	[tilespmem:$0x1DF80] =	vst v0  }
0x36: {  	[tilespmem:$0x1DF90] =	vst v0  }
0x37: {  	[tilespmem:$0x1DFA0] =	vst v0  }
0x38: {  	[tilespmem:$0x1DFB0] =	vst v0  }
0x39: {  	[tilespmem:$0x1DFC0] =	vst v0  }
0x3a: {  	[tilespmem:$0x1DFD0] =	vst v0  }
0x3b: {  	[tilespmem:$0x1DFE0] =	vst v0  }
0x3c: {  	[tilespmem:$0x1DFF0] =	vst v0  }
0x3d: {  	[tilespmem:$0x1E000] =	vst v0  }
0x3e: {  	[tilespmem:$0x1E010] =	vst v0  }
0x3f: {  	[tilespmem:$0x1E020] =	vst v0  }
0x40: {  	[tilespmem:$0x1E030] =	vst v0  }
0x41: {  	[tilespmem:$0x1E040] =	vst v0  }
0x42: {  	[tilespmem:$0x1E050] =	vst v0  }
0x43: {  	[tilespmem:$0x1E060] =	vst v0  }
0x44: {  	[tilespmem:$0x1E070] =	vst v0  }
0x45: {  	[tilespmem:$0x1E080] =	vst v0  }
0x46: {  	[tilespmem:$0x1E090] =	vst v0  }
0x47: {  	[tilespmem:$0x1E0A0] =	vst v0  }
0x48: {  	[tilespmem:$0x1E0B0] =	vst v0  }
0x49: {  	[tilespmem:$0x1E0C0] =	vst v0  }
0x4a: {  	[tilespmem:$0x1E0D0] =	vst v0  }
0x4b: {  	[tilespmem:$0x1E0E0] =	vst v0  }
0x4c: {  	[tilespmem:$0x1E0F0] =	vst v0  }
0x4d: {  	[tilespmem:$0x1E100] =	vst v0  }
0x4e: {  	[tilespmem:$0x1E110] =	vst v0  }
0x4f: {  	[tilespmem:$0x1E120] =	vst v0  }
0x50: {  	[tilespmem:$0x1E130] =	vst v0  }
0x51: {  	[tilespmem:$0x1E140] =	vst v0  }
0x52: {  	[tilespmem:$0x1E150] =	vst v0  }
0x53: {  	[tilespmem:$0x1E160] =	vst v0  }
0x54: {  	[tilespmem:$0x1E170] =	vst v0  }
0x55: {  	[tilespmem:$0x1E180] =	vst v0  }
0x56: {  	[tilespmem:$0x1E190] =	vst v0  }
0x57: {  	[tilespmem:$0x1E1A0] =	vst v0  }
0x58: {  	[tilespmem:$0x1E1B0] =	vst v0  }
0x59: {  	[tilespmem:$0x1E1C0] =	vst v0  }
0x5a: {  	[tilespmem:$0x1E1D0] =	vst v0  }
0x5b: {  	[tilespmem:$0x1E1E0] =	vst v0  }
0x5c: {  	[dreg:$0xf] =	wrdreg s11;
	[tilespmem:$0x1E1F0] =	vst v0;
	s17 =	sadd.s32 $0x0, s7  }
0x5d: {  	[spmem:s17] =	stream.linear.scatter [tilespmem:s10], [sflag:$0x9], $0x400, $0x38;
	[tilespmem:$0x1E200] =	vst v63  }
0x5e: {  	s11 =	simm.s32 $0x1000;
	_ =	swait.ge [sflag:s18], $0x400  }
.LBB2_2:
0x5f: {  	s12 =	sshra.s32 s11, $0x2;
	[sflag:s18] =	ssyncset.done $0x0;
	p0 =	sne.s32 s11, $0x4E000  }
.Ltmp0:
0x60: {  	s12 =	sadd.s32 s12, s7;
	[sflag:s18] =	ssyncadd.s32 $0xFFFFFC00;
	(pc) =	sbr.rel @p0 .LBB2_2-.Ltmp0, $3  }
0x61: {  	[spmem:s12] =	stream.linear.scatter [tilespmem:s10], [sflag:$0x9], $0x400, $0x38;
	[tilespmem:$0x1E200] =	vst v63  }
0x62: {  	s11 =	sadd.s32 $0x1000, s11;
	_ =	sdelay $0x1  }
0x63: {  	_ =	swait.ge [sflag:s18], $0x400  }
0x64: {  	[sflag:s18] =	ssyncset.done $0x0  }
0x65: {  	[sflag:s18] =	ssyncadd.s32 $0xFFFFFC00  }
0x66: {  	[bflag:$0x0] =	sbarrier.arrive $0xFFFF  }
0x67: {  	s11 =	simm.s32 $0x0;
	s10 =	rddreg [dreg:$0x6]  }
0x68: {  	[tilespmem:s19], [sflag:$0x1] =	stream.linear.gather [hbm4b:s10+s11], $0x50, $0x38;
	[tilespmem:$0x1E200] =	vst v63  }
0x69: {  	s12 =	rddreg [dreg:$0x7]  }
0x6a: {  	[tilespmem:s20], [sflag:$0x1] =	stream.linear.gather [hbm4b:s12+s11], $0x2800, $0x38;
	[tilespmem:$0x1E200] =	vst v63  }
0x6b: {  	s13 =	rddreg [dreg:$0x8]  }
0x6c: {  	[tilespmem:s21], [sflag:$0x2] =	stream.linear.gather [hbm4b:s13+s11], $0x50, $0x38;
	[tilespmem:$0x1E200] =	vst v63  }
0x6d: {  	s14 =	rddreg [dreg:$0x9]  }
0x6e: {  	[tilespmem:s22], [sflag:$0x2] =	stream.linear.gather [hbm4b:s14+s11], $0x2800, $0x38;
	[tilespmem:$0x1E200] =	vst v63  }
0x6f: {  	s15 =	rddreg [dreg:$0x1]  }
0x70: {  	[hbm4b:s15+s11] =	stream.linear.scatter [tilespmem:s23], [sflag:$0x7], $0x2800, $0x38;
	[tilespmem:$0x1E200] =	vst v63  }
0x71: {  	_ = 	snop  }
0x72: {  	[hbm4b:s15+s11] =	stream.linear.scatter [tilespmem:s24], [sflag:$0x8], $0x2800, $0x38;
	[tilespmem:$0x1E200] =	vst v63  }
0x73: {  	_ =	swait.ge [sflag:s25], $0x50  }
0x74: {  	[sflag:s25] =	ssyncset.done $0x0  }
0x75: {  	[sflag:s25] =	ssyncadd.s32 $0xFFFFFFB0  }
0x76: {  	_ =	swait.ge [sflag:s25], $0x2800  }
0x77: {  	[sflag:s25] =	ssyncset.done $0x0  }
0x78: {  	[sflag:s25] =	ssyncadd.s32 $0xFFFFD800  }
0x79: {  	[spmem:s2] =	stream.indirect.scatter.add.f32 [tilespmem:s20], [sflag:$0x5], $0x80, s19, s26, $0xb8;
	[tilespmem:$0x1E200] =	vst v63  }
0x7a: {  	_ =	swait.ge [sflag:s28], $0x2800  }
0x7b: {  	[sflag:s28] =	ssyncset.done $0x0;
	s12 =	rddreg [dreg:$0x5]  }
0x7c: {  	s10 =	rddreg [dreg:$0xe];
	[sflag:s28] =	ssyncadd.s32 $0xFFFFD800;
	s12 =	sadd.s32 $0x0, s12  }
0x7d: {  	[tilespmem:s29], [sflag:$0x3] =	stream.linear.gather [hbm4b:s10+s4], $0x50, $0x38;
	[tilespmem:$0x1E200] =	vst v63  }
0x7e: {  	s13 =	sadd.s32 $0xA00, s12  }
0x7f: {  	[tilespmem:s23], [sflag:$0x3] =	stream.linear.gather [hbm4b:s13+s4], $0x2800, $0x38;
	[tilespmem:$0x1E200] =	vst v63  }
0x80: {  	_ =	swait.ge [sflag:s30], $0x50  }
0x81: {  	[sflag:s30] =	ssyncset.done $0x0  }
0x82: {  	[sflag:s30] =	ssyncadd.s32 $0xFFFFFFB0  }
0x83: {  	_ =	swait.ge [sflag:s30], $0x2800  }
0x84: {  	[sflag:s30] =	ssyncset.done $0x0  }
0x85: {  	[sflag:s30] =	ssyncadd.s32 $0xFFFFD800  }
0x86: {  	[spmem:s2] =	stream.indirect.scatter.add.f32 [tilespmem:s22], [sflag:$0x6], $0x80, s21, s26, $0xb8;
	[tilespmem:$0x1E200] =	vst v63  }
0x87: {  	_ =	swait.ge [sflag:s31], $0x2800  }
0x88: {  	[sflag:s31] =	ssyncset.done $0x0  }
0x89: {  	s15 =	rddreg [dreg:$0xd];
	[sflag:s31] =	ssyncadd.s32 $0xFFFFD800  }
0x8a: {  	[tilespmem:s0], [sflag:$0x4] =	stream.linear.gather [hbm4b:s15+s4], $0x50, $0x38;
	[tilespmem:$0x1E200] =	vst v63  }
0x8b: {  	s16 =	sadd.s32 $0xF00, s12  }
0x8c: {  	[tilespmem:s24], [sflag:$0x4] =	stream.linear.gather [hbm4b:s16+s4], $0x2800, $0x38;
	[tilespmem:$0x1E200] =	vst v63  }
0x8d: {  	_ =	swait.ge [sflag:s3], $0x50  }
0x8e: {  	[sflag:s3] =	ssyncset.done $0x0  }
0x8f: {  	[sflag:s3] =	ssyncadd.s32 $0xFFFFFFB0  }
0x90: {  	_ =	swait.ge [sflag:s3], $0x2800  }
0x91: {  	[sflag:s3] =	ssyncset.done $0x0  }
0x92: {  	[sflag:s3] =	ssyncadd.s32 $0xFFFFD800  }
0x93: {  	[spmem:s2] =	stream.indirect.scatter.add.f32 [tilespmem:s23], [sflag:$0x7], $0x80, s29, s26, $0xb8;
	[tilespmem:$0x1E200] =	vst v63  }
0x94: {  	_ =	swait.ge [sflag:s1], $0x2800  }
0x95: {  	s14 =	rddreg [dreg:$0xc]  }
0x96: {  	[sflag:s1] =	ssyncset.done $0x0;
	s17 =	sshrl.u32 s14, $0x3  }
0x97: {  	[sflag:s1] =	ssyncadd.s32 $0xFFFFD800;
	s13 =	sadd.s32 s6, s17  }
0x98: {  	[tilespmem:s19], [sflag:$0x1] =	stream.linear.gather [hbm4b:s13+s4], $0x50, $0x38;
	[tilespmem:$0x1E200] =	vst v63  }
0x99: {  	s12 =	sadd.s32 $0x1400, s12  }
0x9a: {  	[tilespmem:s20], [sflag:$0x1] =	stream.linear.gather [hbm4b:s12+s4], $0x2800, $0x38;
	[tilespmem:$0x1E200] =	vst v63  }
0x9b: {  	_ =	swait.ge [sflag:s8], $0x50  }
0x9c: {  	[sflag:s8] =	ssyncset.done $0x0  }
0x9d: {  	[sflag:s8] =	ssyncadd.s32 $0xFFFFFFB0  }
0x9e: {  	_ =	swait.ge [sflag:s8], $0x2800  }
0x9f: {  	[sflag:s8] =	ssyncset.done $0x0  }
0xa0: {  	s13 =	smin.u32 s11, $0x77;
	[sflag:s8] =	ssyncadd.s32 $0xFFFFD800  }
0xa1: {  	[spmem:s2] =	stream.indirect.scatter.add.f32 [tilespmem:s24], [sflag:$0x8], $0x80, s0, s26, $0xb8;
	[tilespmem:$0x1E200] =	vst v63  }
0xa2: {  	s12 =	smul.u32 $0x50, s13;
	_ =	swait.ge [sflag:s9], $0x2800  }
0xa3: {  	s16 =	rddreg [dreg:$0x4]  }
0xa4: {  	s12 =	sadd.s32 s12, s16  }
0xa5: {  	[sflag:s9] =	ssyncset.done $0x0;
	s13 =	sshrl.u32 s12, $0x3  }
0xa6: {  	[sflag:s9] =	ssyncadd.s32 $0xFFFFD800;
	s17 =	sshll.u32 s12, $0x4;
	s13 =	sadd.s32 s6, s13  }
0xa7: {  	[tilespmem:s21], [sflag:$0x2] =	stream.linear.gather [hbm4b:s13+s4], $0x50, $0x38;
	[tilespmem:$0x1E200] =	vst v63  }
0xa8: {  	s12 =	simm.s32 $0x1400;
	s16 =	sadd.s32 s5, s17;
	s13 =	sadd.s32 $0x28, s10  }
.LBB2_4:
0xa9: {  	[tilespmem:s22], [sflag:$0x2] =	stream.linear.gather [hbm4b:s16+s4], $0x2800, $0x38;
	[tilespmem:$0x1E200] =	vst v63  }
0xaa: {  	_ =	swait.ge [sflag:s25], $0x50  }
0xab: {  	[sflag:s25] =	ssyncset.done $0x0  }
0xac: {  	[sflag:s25] =	ssyncadd.s32 $0xFFFFFFB0  }
0xad: {  	_ =	swait.ge [sflag:s25], $0x2800  }
0xae: {  	[sflag:s25] =	ssyncset.done $0x0  }
0xaf: {  	[sflag:s25] =	ssyncadd.s32 $0xFFFFD800  }
0xb0: {  	[spmem:s2] =	stream.indirect.scatter.add.f32 [tilespmem:s20], [sflag:$0x5], $0x80, s19, s26, $0xb8;
	[tilespmem:$0x1E200] =	vst v63  }
0xb1: {  	_ =	swait.ge [sflag:s28], $0x2800  }
0xb2: {  	s10 =	smov.u32 s12;
	[sflag:s28] =	ssyncset.done $0x0;
	s17 =	rddreg [dreg:$0x5]  }
0xb3: {  	[sflag:s28] =	ssyncadd.s32 $0xFFFFD800;
	s10 =	sadd.s32 s10, s17  }
0xb4: {  	[tilespmem:s29], [sflag:$0x3] =	stream.linear.gather [hbm4b:s13+s4], $0x50, $0x38;
	[tilespmem:$0x1E200] =	vst v63  }
0xb5: {  	s16 =	sadd.s32 $0xA00, s10  }
0xb6: {  	[tilespmem:s23], [sflag:$0x3] =	stream.linear.gather [hbm4b:s16+s4], $0x2800, $0x38;
	[tilespmem:$0x1E200] =	vst v63  }
0xb7: {  	_ =	swait.ge [sflag:s30], $0x50  }
0xb8: {  	[sflag:s30] =	ssyncset.done $0x0  }
0xb9: {  	[sflag:s30] =	ssyncadd.s32 $0xFFFFFFB0  }
0xba: {  	_ =	swait.ge [sflag:s30], $0x2800  }
0xbb: {  	[sflag:s30] =	ssyncset.done $0x0  }
0xbc: {  	[sflag:s30] =	ssyncadd.s32 $0xFFFFD800  }
0xbd: {  	[spmem:s2] =	stream.indirect.scatter.add.f32 [tilespmem:s22], [sflag:$0x6], $0x80, s21, s26, $0xb8;
	[tilespmem:$0x1E200] =	vst v63  }
0xbe: {  	_ =	swait.ge [sflag:s31], $0x2800  }
0xbf: {  	[sflag:s31] =	ssyncset.done $0x0  }
0xc0: {  	s15 =	sadd.s32 $0x28, s15;
	[sflag:s31] =	ssyncadd.s32 $0xFFFFD800  }
0xc1: {  	[tilespmem:s0], [sflag:$0x4] =	stream.linear.gather [hbm4b:s15+s4], $0x50, $0x38;
	[tilespmem:$0x1E200] =	vst v63  }
0xc2: {  	s17 =	sadd.s32 $0xF00, s10  }
0xc3: {  	[tilespmem:s24], [sflag:$0x4] =	stream.linear.gather [hbm4b:s17+s4], $0x2800, $0x38;
	[tilespmem:$0x1E200] =	vst v63  }
0xc4: {  	_ =	swait.ge [sflag:s3], $0x50  }
0xc5: {  	[sflag:s3] =	ssyncset.done $0x0  }
0xc6: {  	[sflag:s3] =	ssyncadd.s32 $0xFFFFFFB0  }
0xc7: {  	_ =	swait.ge [sflag:s3], $0x2800  }
0xc8: {  	[sflag:s3] =	ssyncset.done $0x0  }
0xc9: {  	[sflag:s3] =	ssyncadd.s32 $0xFFFFD800  }
0xca: {  	[spmem:s2] =	stream.indirect.scatter.add.f32 [tilespmem:s23], [sflag:$0x7], $0x80, s29, s26, $0xb8;
	[tilespmem:$0x1E200] =	vst v63  }
0xcb: {  	s14 =	sadd.s32 $0x140, s14;
	_ =	swait.ge [sflag:s1], $0x2800  }
0xcc: {  	s17 =	sshrl.u32 s14, $0x3;
	[sflag:s1] =	ssyncset.done $0x0  }
0xcd: {  	s16 =	sadd.s32 s6, s17;
	[sflag:s1] =	ssyncadd.s32 $0xFFFFD800  }
0xce: {  	[tilespmem:s19], [sflag:$0x1] =	stream.linear.gather [hbm4b:s16+s4], $0x50, $0x38;
	[tilespmem:$0x1E200] =	vst v63  }
0xcf: {  	s10 =	sadd.s32 $0x1400, s10  }
0xd0: {  	[tilespmem:s20], [sflag:$0x1] =	stream.linear.gather [hbm4b:s10+s4], $0x2800, $0x38;
	[tilespmem:$0x1E200] =	vst v63  }
0xd1: {  	_ =	swait.ge [sflag:s8], $0x50  }
0xd2: {  	[sflag:s8] =	ssyncset.done $0x0  }
0xd3: {  	[sflag:s8] =	ssyncadd.s32 $0xFFFFFFB0  }
0xd4: {  	_ =	swait.ge [sflag:s8], $0x2800  }
0xd5: {  	s11 =	sadd.s32 $0x4, s11;
	[sflag:s8] =	ssyncset.done $0x0  }
0xd6: {  	s16 =	smin.u32 s11, $0x77;
	[sflag:s8] =	ssyncadd.s32 $0xFFFFD800  }
0xd7: {  	[spmem:s2] =	stream.indirect.scatter.add.f32 [tilespmem:s24], [sflag:$0x8], $0x80, s0, s26, $0xb8;
	[tilespmem:$0x1E200] =	vst v63  }
0xd8: {  	p0 =	sne.s32 s12, $0x25800;
	s10 =	smul.u32 $0x50, s16;
	_ =	swait.ge [sflag:s9], $0x2800  }
.Ltmp1:
0xd9: {  	s17 =	rddreg [dreg:$0x4];
	(pc) =	sbr.rel @p0 .LBB2_4-.Ltmp1, $4  }
0xda: {  	s12 =	sadd.s32 $0x1400, s12;
	s13 =	sadd.s32 $0x28, s13;
	s10 =	sadd.s32 s10, s17  }
0xdb: {  	[sflag:s9] =	ssyncset.done $0x0;
	s16 =	sshrl.u32 s10, $0x3;
	s10 =	sshll.u32 s10, $0x4  }
0xdc: {  	[sflag:s9] =	ssyncadd.s32 $0xFFFFD800;
	s17 =	sadd.s32 s6, s16;
	s16 =	sadd.s32 s5, s10  }
0xdd: {  	[tilespmem:s21], [sflag:$0x2] =	stream.linear.gather [hbm4b:s17+s4], $0x50, $0x38;
	[tilespmem:$0x1E200] =	vst v63  }
0xde: {  	[tilespmem:s22], [sflag:$0x2] =	stream.linear.gather [hbm4b:s16+s4], $0x2800, $0x38;
	[tilespmem:$0x1E200] =	vst v63  }
0xdf: {  	_ =	swait.ge [sflag:s25], $0x50  }
0xe0: {  	[sflag:s25] =	ssyncset.done $0x0  }
0xe1: {  	[sflag:s25] =	ssyncadd.s32 $0xFFFFFFB0  }
0xe2: {  	_ =	swait.ge [sflag:s25], $0x2800  }
0xe3: {  	[sflag:s25] =	ssyncset.done $0x0  }
0xe4: {  	[sflag:s25] =	ssyncadd.s32 $0xFFFFD800  }
0xe5: {  	[spmem:s2] =	stream.indirect.scatter.add.f32 [tilespmem:s20], [sflag:$0x5], $0x80, s19, s26, $0xb8;
	[tilespmem:$0x1E200] =	vst v63  }
0xe6: {  	_ =	swait.ge [sflag:s30], $0x50  }
0xe7: {  	[sflag:s30] =	ssyncset.done $0x0  }
0xe8: {  	[sflag:s30] =	ssyncadd.s32 $0xFFFFFFB0  }
0xe9: {  	_ =	swait.ge [sflag:s30], $0x2800  }
0xea: {  	[sflag:s30] =	ssyncset.done $0x0  }
0xeb: {  	[sflag:s30] =	ssyncadd.s32 $0xFFFFD800  }
0xec: {  	_ =	swait.ge [sflag:s28], $0x2800  }
0xed: {  	[sflag:s28] =	ssyncset.done $0x0  }
0xee: {  	[sflag:s28] =	ssyncadd.s32 $0xFFFFD800  }
0xef: {  	_ =	swait.ge [sflag:s31], $0x2800  }
0xf0: {  	[sflag:s31] =	ssyncset.done $0x0  }
0xf1: {  	[sflag:s31] =	ssyncadd.s32 $0xFFFFD800  }
0xf2: {  	_ =	swait.ge [sflag:s1], $0x2800  }
0xf3: {  	[sflag:s1] =	ssyncset.done $0x0  }
0xf4: {  	s10 =	stileid.u32;
	[sflag:s1] =	ssyncadd.s32 $0xFFFFD800  }
0xf5: {  	s10 =	sshll.u32 s10, $0x6;
	[bflag:$0x0] =	sbarrier.arrive $0xFFFF  }
0xf6: {  	s11 =	sshrl.u32 s7, $0x3;
	s10 =	sor.u32 $0x1C09, s10;
	s12 =	rddreg [dreg:$0xa]  }
0xf7: {  	[hbm:s12], [sflag:s10] =	dma.local [spmem:s11], $0x2780  }
0xf8: {  	_ =	swait.ge [sflag:s18], $0x2780  }
0xf9: {  	s16 =	rddreg [dreg:$0xf]  }
0xfa: {  	s17 =	rddreg [dreg:$0xb];
	s11 =	sadd.s32 $0x1, s16  }
0xfb: {  	p0 =	sne.s32 s11, s17  }
.Ltmp2:
0xfc: {  	_ = 	snop;
	(pc) =	sbr.rel @p0 .LBB2_1-.Ltmp2, $3  }
0xfd: {  	_ =	sdelay $0x1  }
0xfe: {  	[sflag:s18] =	ssyncset.done $0x0  }
0xff: {  	s10 =	simm.s32 $0x1DE00;
	[sflag:s18] =	ssyncadd.s32 $0xFFFFD880  }
0x100: {  	_ =	sfence.sel $0x180000  }
0x101: {  	[bflag:$0x0] =	sbarrier.arrive $0xFFFF  }
0x102: {  	_ =	strace $0x9000004A  }
0x103: {  	s0 =	stileid.u32;
	[bflag:$0x2] =	sbarrier.arrive $0xFFFF  }
0x104: {  	p0 =	sne.s32 s0, $0x0;
	s0 =	rddreg [dreg:$0x3]  }
0x105: {  	s0 =	sadd.s32 @!p0 $0x100000, s0  }
0x106: {  	[sflag:s0] =	ssyncadd.tile.s32 @!p0 $0x1;
	_ =	shalt  }
.Lfunc_end2:
_tile_overlayer_lowered:
.L_overlay_start_2:
0x107: {  	(tag) =	ssettag $0x2  }
0x108: {  	s0 =	rddreg [dreg:$0x0];
	s2 =	stileid.u32  }
0x109: {  	s1 =	rddreg [dreg:$0x1];
	p0 =	sne.s32 s2, $0x0  }
0x10a: {  	s3 =	rddreg [dreg:$0x2];
	[bflag:$0x3] =	sbarrier.arrive $0xFFFF;
	s2 =	simm.s32 @!p0 $0x1C09  }
0x10b: {  	[timem:s3], [sflag:s2] =	dma.local @!p0 [hbm:s0], s1  }
0x10c: {  	s0 =	simm.s32 @!p0 $0x9  }
0x10d: {  	_ =	swait.ge @!p0 [sflag:s0], s1  }
0x10e: {  	s1 =	ssub.s32 @!p0 $0x0, s1;
	[sflag:s0] =	ssyncset.done @!p0 $0x0  }
0x10f: {  	[sflag:s0] =	ssyncadd.s32 @!p0 s1  }
0x110: {  	[bflag:$0x3] =	sbarrier.arrive $0xFFFF  }
0x111: {  	_ =	shalt  }

// kernel: kernel.7.cloned.1.call-start
scs
__scs_entry_jumppad:
0x0: {  	(pc) =	sbr.rel $0x88, $3  }
0x1: {  	(tag) =	ssettag $0x0;
	lr =	simm.s32 $0x1  }
0x2: {  	[smem:$0x3F95] =	sst lr;
	_ =	strace $0xD0000000  }
0x3: {  	_ = 	snop  }
0x4: {  	_ = 	snop  }
0x5: {  	_ = 	snop  }
0x6: {  	_ = 	snop  }
0x7: {  	_ = 	snop  }
__scs_overlays_trampoline_lowered:
0x8: {  	[smem:$0x3FA4] =	sst s0  }
0x9: {  	[smem:$0x3FA5] =	sst s1  }
0xa: {  	[smem:$0x3FA6] =	sst s2  }
0xb: {  	[smem:$0x3FA7] =	sst s3  }
0xc: {  	[smem:$0x3FA8] =	sst s4  }
0xd: {  	[smem:$0x3FA9] =	sst s5  }
0xe: {  	[smem:$0x3FAA] =	sst s6  }
0xf: {  	[smem:$0x3FAB] =	sst s7  }
0x10: {  	[smem:$0x3FAC] =	sst s8  }
0x11: {  	[smem:$0x3FAD] =	sst s9;
	s0 =	simm.s32 @!p0 $0x0  }
0x12: {  	s1 =	sld [smem:$0x3F93];
	s0 =	simm.s32 @p0 $0x1  }
0x13: {  	[smem:$0x3FAE] =	sst s0;
	s0 =	simm.s32 @!p1 $0x0  }
0x14: {  	s2 =	sld [smem:$0x3F92];
	s0 =	simm.s32 @p1 $0x1  }
0x15: {  	[smem:$0x3FAF] =	sst s0;
	s0 =	simm.s32 @!p2 $0x0  }
0x16: {  	s3 =	sld [smem:$0x3FDB];
	s0 =	simm.s32 @p2 $0x1  }
0x17: {  	s4 =	simm.s32 $0x1BF5;
	[smem:$0x3FB1] =	sst s0  }
0x18: {  	s0 =	sld [smem:$0x3F94];
	_ =	swait.ge [sflag:s4], $0x0  }
0x19: {  	s7 =	sld [smem:$0x3F95]  }
0x1a: {  	s8 =	sadd.s32 $0xFFFFE003, lr  }
0x1b: {  	s9 =	sadd.s32 $0xFFFFFEF7, lr;
	s5 =	simm.s32 $0xFFFFFFFF;
	p2 =	slt.u32 s8, $0xFFFFF086  }
0x1c: {  	p1 =	slt.u32 s9, $0xF7A;
	s5 =	simm.s32 @!p2 $0x0  }
0x1d: {  	s5 =	simm.s32 @p1 $0x1;
	p0 =	seq.s32 s7, s2  }
0x1e: {  	s7 =	smul.u32 @!p0 $0xF7A, s2;
	p2 =	seq.s32 @!p0 s5, $0x0  }
0x1f: {  	s9 =	smul.u32 $0xF7A, s1;
	s8 =	simm.s32 @!p0 $0x1BF5;
	p2 =	por !p2, p0  }
0x20: {  	[sflag:s8] =	ssyncset.s32 @!p0 $0xFFFFF086;
	s6 =	sadd.s32 @!p0 s3, s7;
	s7 =	simm.s32 @!p0 $0x108  }
0x21: {  	s3 =	sadd.s32 s3, s9;
	s6 =	sadd.s32 @!p0 $0x88, s6;
	s7 =	simm.s32 @p2 $0x1082  }
0x22: {  	[simem:s7], [sflag:s8] =	dma.local @!p0 [hbm:s6], $0xF7A  }
0x23: {  	s9 =	sor.u32 $0xD0000000, s2;
	s6 =	simm.s32 $0x108;
	_ =	swait.ge @!p0 [sflag:s8], $0x0  }
0x24: {  	s3 =	sadd.s32 $0x88, s3;
	s6 =	simm.s32 @!p1 $0x1082;
	[sflag:s4] =	ssyncset.s32 $0xFFFFF086  }
0x25: {  	[simem:s6], [sflag:s4] =	dma.local [hbm:s3], $0xF7A  }
0x26: {  	[smem:$0x3F95] =	sst s1;
	(tag) =	ssettag s2;
	_ =	strace s9  }
0x27: {  	s1 =	sld [smem:$0x3FA5]  }
0x28: {  	s2 =	sld [smem:$0x3FA6]  }
0x29: {  	s4 =	sld [smem:$0x3FA8]  }
0x2a: {  	p0 =	seq.s32 s5, $0x0;
	s5 =	sld [smem:$0x3FA9]  }
0x2b: {  	s6 =	sld [smem:$0x3FAA]  }
0x2c: {  	s7 =	sld [smem:$0x3FAB]  }
0x2d: {  	s3 =	simm.s32 $0x108;
	s8 =	sld [smem:$0x3FAC]  }
0x2e: {  	s3 =	simm.s32 @!p0 $0x1082;
	s9 =	sld [smem:$0x3FAD]  }
0x2f: {  	lr =	sadd.s32 s0, s3;
	s0 =	sld [smem:$0x3FA4]  }
0x30: {  	s3 =	sld [smem:$0x3FA7]  }
0x31: {  	[smem:$0x3FB0] =	sst s10  }
0x32: {  	s10 =	sld [smem:$0x3FAE];
	_ =	sdelay $0x3  }
0x33: {  	p0 =	seq.s32 s10, $0x1;
	s10 =	sld [smem:$0x3FB0];
	_ =	sdelay $0x3  }
0x34: {  	[smem:$0x3FB0] =	sst s10  }
0x35: {  	s10 =	sld [smem:$0x3FAF];
	_ =	sdelay $0x3  }
0x36: {  	p1 =	seq.s32 s10, $0x1;
	s10 =	sld [smem:$0x3FB0];
	_ =	sdelay $0x3  }
0x37: {  	[smem:$0x3FB0] =	sst s10  }
0x38: {  	s10 =	sld [smem:$0x3FB1]  }
0x39: {  	_ = 	snop;
	(pc) =	sbr.ind lr, $3  }
0x3a: {  	_ = 	snop  }
0x3b: {  	_ = 	snop  }
0x3c: {  	p2 =	seq.s32 s10, $0x1;
	s10 =	sld [smem:$0x3FB0]  }
0x3d: {  	_ =	shalt  }
0x3e: {  	_ =	shalt  }
0x3f: {  	_ =	shalt  }
0x40: {  	_ =	shalt  }
0x41: {  	_ =	shalt  }
0x42: {  	_ =	shalt  }
0x43: {  	_ =	shalt  }
0x44: {  	_ =	shalt  }
0x45: {  	_ =	shalt  }
0x46: {  	_ =	shalt  }
0x47: {  	_ =	shalt  }
0x48: {  	_ =	shalt  }
0x49: {  	_ =	shalt  }
0x4a: {  	_ =	shalt  }
0x4b: {  	_ =	shalt  }
0x4c: {  	_ =	shalt  }
0x4d: {  	_ =	shalt  }
0x4e: {  	_ =	shalt  }
0x4f: {  	_ =	shalt  }
0x50: {  	_ =	shalt  }
0x51: {  	_ =	shalt  }
0x52: {  	_ =	shalt  }
0x53: {  	_ =	shalt  }
0x54: {  	_ =	shalt  }
0x55: {  	_ =	shalt  }
0x56: {  	_ =	shalt  }
0x57: {  	_ =	shalt  }
0x58: {  	_ =	shalt  }
0x59: {  	_ =	shalt  }
0x5a: {  	_ =	shalt  }
0x5b: {  	_ =	shalt  }
0x5c: {  	_ =	shalt  }
0x5d: {  	_ =	shalt  }
0x5e: {  	_ =	shalt  }
0x5f: {  	_ =	shalt  }
0x60: {  	_ =	shalt  }
0x61: {  	_ =	shalt  }
0x62: {  	_ =	shalt  }
0x63: {  	_ =	shalt  }
0x64: {  	_ =	shalt  }
0x65: {  	_ =	shalt  }
0x66: {  	_ =	shalt  }
0x67: {  	_ =	shalt  }
0x68: {  	_ =	shalt  }
0x69: {  	_ =	shalt  }
0x6a: {  	_ =	shalt  }
0x6b: {  	_ =	shalt  }
0x6c: {  	_ =	shalt  }
0x6d: {  	_ =	shalt  }
0x6e: {  	_ =	shalt  }
0x6f: {  	_ =	shalt  }
0x70: {  	_ =	shalt  }
0x71: {  	_ =	shalt  }
0x72: {  	_ =	shalt  }
0x73: {  	_ =	shalt  }
0x74: {  	_ =	shalt  }
0x75: {  	_ =	shalt  }
0x76: {  	_ =	shalt  }
0x77: {  	_ =	shalt  }
0x78: {  	_ =	shalt  }
0x79: {  	_ =	shalt  }
0x7a: {  	_ =	shalt  }
0x7b: {  	_ =	shalt  }
0x7c: {  	_ =	shalt  }
0x7d: {  	_ =	shalt  }
0x7e: {  	_ =	shalt  }
0x7f: {  	_ =	shalt  }
0x80: {  	_ =	shalt  }
0x81: {  	_ =	shalt  }
0x82: {  	_ =	shalt  }
0x83: {  	_ =	shalt  }
0x84: {  	_ =	shalt  }
0x85: {  	_ =	shalt  }
0x86: {  	_ =	shalt  }
0x87: {  	_ =	shalt  }
.Lfunc_end0:
.L_simem_size_0:
called_computation_lowered:
.L_overlay_start_0:
0x88: {  	s2 =	sld [smem:$0x3FD9]  }
0x89: {  	s3 =	sld [smem:$0x3FFE];
	_ =	sdelay $0x1  }
0x8a: {  	s1 =	srdreg.scid  }
0x8b: {  	s0 =	sand.u32 $0x1, s1  }
0x8c: {  	s17 =	sshll.u32 s0, $0xA;
	s2 =	sadd.s32 s3, s2  }
0x8d: {  	s2 =	sadd.s32 s2, s17  }
0x8e: {  	[smem:$0x3FBC] =	sst s2  }
0x8f: {  	_ = 	snop  }
0x90: {  	s2 =	sld [smem:$0x3FD0];
	(tm) =	ssettm $0x1  }
0x91: {  	s18 =	sld [smem:$0x3FFB];
	_ =	sdelay $0x3  }
0x92: {  	_ =	strace s18  }
0x93: {  	s3 =	sld [smem:$0x3FFC];
	_ =	sdelay $0x3  }
0x94: {  	_ =	strace s3  }
0x95: {  	s3 =	sld [smem:$0x3FFD];
	_ =	sdelay $0x3  }
0x96: {  	_ =	strace s3  }
0x97: {  	_ =	strace $0x8FFFFFFF  }
0x98: {  	s19 =	sld [smem:$0x3FDB];
	_ =	sdelay $0x1  }
0x99: {  	s4 =	simm.s32 $_scs_section_size  }
0x9a: {  	s5 =	simm.s32 $_size__tile_overlayer_lowered;
	s6 =	simm.s32 $_tile_overlayer_lowered  }
0x9b: {  	s22 =	simm.s32 $0x1BFF;
	s21 =	sshll.u32 s6, $0x1;
	s3 =	sadd.s32 s4, s19  }
0x9c: {  	s7 =	simm.s32 $0x0;
	s20 =	sshll.u32 s5, $0x1;
	s5 =	sadd.s32 s21, s3  }
0x9d: {  	[timem:s7], [sflag:s22] =	dma.local [hbm:s5], s20  }
0x9e: {  	_ =	swait.ge [sflag:s22], s20  }
0x9f: {  	s4 =	ssub.s32 $0x0, s20;
	[sflag:s22] =	ssyncset.done $0x0  }
0xa0: {  	[sflag:s22] =	ssyncadd.s32 s4;
	_ =	sdelay $0x1  }
0xa1: {  	s23 =	simm.s32 $0x1B8B  }
0xa2: {  	_ =	swait.ge [sflag:s23], $0x1  }
0xa3: {  	[sflag:s23] =	ssyncset.done $0x0  }
0xa4: {  	s25 =	simm.s32 $0x1B8E;
	s24 =	sld [smem:$0x3FFE];
	[sflag:s23] =	ssyncadd.s32 $0xFFFFFFFF  }
0xa5: {  	s26 =	simm.s32 $execute0_lowered;
	[smem:$0x3FD2] =	sst s25  }
0xa6: {  	s5 =	sshll.u32 s26, $0x1;
	_ =	strace $0x80000046;
	[dreg:$0x1] =	wrdreg $0xFFFFFFFF  }
0xa7: {  	s28 =	simm.s32 $_size_execute0_lowered;
	s3 =	sadd.s32 s3, s5;
	[dreg:$0x0] =	wrdreg $0x0  }
0xa8: {  	s5 =	sshll.u32 s28, $0x1;
	[dreg:$0x2] =	wrdreg s3  }
0xa9: {  	[dreg:$0x3] =	wrdreg s5  }
0xaa: {  	[dreg:$0x4] =	wrdreg $0xC0  }
0xab: {  	_ =	task [dreg:s7], $0x5FFFF  }
0xac: {  	[dreg:$0x1] =	wrdreg $0xFFFFFFFF  }
0xad: {  	[dreg:$0x0] =	wrdreg $0x60  }
0xae: {  	[dreg:$0x2] =	wrdreg s2  }
0xaf: {  	[dreg:$0x3] =	wrdreg s24  }
0xb0: {  	[dreg:$0x4] =	wrdreg $0x9  }
0xb1: {  	_ =	task.clear_ibuf [dreg:s7], $0x5FFFF;
	_ =	strace $0x90000046  }
0xb2: {  	s29 =	simm.s32 $0x9;
	_ =	strace $0x80000048  }
0xb3: {  	_ =	swait.ge [sflag:s29], $0x1  }
0xb4: {  	[sflag:s29] =	ssyncadd.s32 $0xFFFFFFFF  }
0xb5: {  	_ =	strace $0x90000048  }
0xb6: {  	_ =	sfence  }
0xb7: {  	s30 =	sld [smem:$0x0];
	_ =	sdelay $0x2  }
0xb8: {  	s31 =	sshll.u32 s1, $0xD;
	s1 =	sshrl.u32 s1, $0x2  }
0xb9: {  	s3 =	sand.u32 $0x4000, s31;
	s1 =	sadd.s32 s1, s30  }
0xba: {  	s0 =	sor.u32 s3, s0;
	s1 =	sshll.u32 s1, $0x11  }
0xbb: {  	s0 =	sor.u32 s1, s0  }
0xbc: {  	s0 =	sadd.s32 $0x8F2B, s0  }
0xbd: {  	[sflag:s0] =	ssyncadd.remote.s32 $0x1  }
0xbe: {  	_ =	sfence.sel $0xFFFF  }
0xbf: {  	[dreg:$0x0] =	wrdreg $0xFFFFFFFF;
	(pc) =	sbr.abs _section_cstart, $3  }
0xc0: {  	[dreg:$0x1] =	wrdreg $0xFFFFFFFF  }
0xc1: {  	_ =	task.clear_ibuf [dreg:s7], $0x2FFFF;
	_ =	strace $0x9FFFFFFF  }
0xc2: {  	(tm) =	ssettm $0x7FFFFFFF  }
0xc3: {  	_ =	shalt  }
tec
execute0_lowered:
.L_overlay_start_1:
0x0: {  	(tag) =	ssettag $0x1  }
0x1: {  	s1 =	rddreg [dreg:$0x0]  }
0x2: {  	s0 =	rddreg [dreg:$0x1]  }
0x3: {  	s2 =	simm.s32 $0x0;
	s3 =	srdreg.scid;
	s15 =	stileid.u32  }
0x4: {  	s28 =	simm.s32 $0x7880;
	s29 =	simm.s32 $0x7800;
	s30 =	simm.s32 $0x7900  }
0x5: {  	s31 =	simm.s32 $0x7980;
	[smem:$0x7FF] =	sst s2;
	s4 =	sadd.s32 $0x17A00, s0  }
0x6: {  	s5 =	sadd.s32 $0xCA00, s0;
	s6 =	sadd.s32 $0x2C00, s0;
	s3 =	sand.u32 $0x1, s3  }
0x7: {  	s7 =	sshll.u32 s15, $0x1;
	s8 =	sadd.s32 $0x17400, s0;
	s16 =	sadd.s32 $0x16E00, s0  }
0x8: {  	s17 =	sadd.s32 $0x16800, s0;
	s18 =	sadd.s32 $0x49200, s0;
	s9 =	sadd.s32 $0x52B200, s0  }
0x9: {  	s10 =	sadd.s32 $0x3F400, s0;
	_ =	strace $0x80000047;
	[dreg:$0x6] =	wrdreg s8  }
0xa: {  	s12 =	sadd.s32 $0x3EC00, s0;
	s14 =	smul.u32 $0x4E200, s15;
	[dreg:$0x7] =	wrdreg s16  }
0xb: {  	s0 =	sadd.s32 $0x3F200, s0;
	[dreg:$0x8] =	wrdreg s17;
	s16 =	smul.u32 $0x27100, s3  }
0xc: {  	s7 =	sor.u32 s3, s7;
	[dreg:$0x9] =	wrdreg s12;
	s17 =	smul.u32 $0x4E20, s15  }
0xd: {  	s11 =	ssub.s32 $0x2, s3;
	[dreg:$0xa] =	wrdreg s0;
	s3 =	smul.u32 $0x2710, s3  }
0xe: {  	s15 =	simm.s32 $0x2;
	s7 =	smul.u32 $0x2710, s7;
	s19 =	sshrl.u32 s11, $0x1  }
0xf: {  	s8 =	sadd.s32 s14, s18;
	s20 =	ssub.s32 s11, s19;
	s3 =	sadd.s32 s3, s17  }
0x10: {  	s17 =	simm.s32 $0x3;
	s13 =	sshrl.u32 s7, $0x3;
	s24 =	sadd.s32 $0x26C0, s7  }
0x11: {  	s7 =	sadd.s32 $0xF0, s7;
	s0 =	smax.u32 s20, $0x1;
	s20 =	sadd.s32 s16, s8  }
0x12: {  	s8 =	simm.s32 $0xF180;
	s21 =	sadd.s32 s5, s13;
	[dreg:$0x3] =	wrdreg s7  }
0x13: {  	s22 =	sadd.s32 s6, s13;
	s23 =	sadd.s32 $0xA, s13;
	[dreg:$0x12] =	wrdreg s0  }
0x14: {  	s25 =	sshll.u32 s24, $0x4;
	s12 =	sshrl.u32 s24, $0x3;
	[dreg:$0x4] =	wrdreg s20  }
0x15: {  	s24 =	sshrl.u32 s3, $0x3;
	s7 =	simm.s32 $0xA180;
	[dreg:$0xb] =	wrdreg s21  }
0x16: {  	[dreg:$0xc] =	wrdreg s22;
	s26 =	sadd.s32 s18, s25;
	s13 =	sadd.s32 s9, s25  }
0x17: {  	s9 =	sadd.s32 s14, s9;
	s18 =	sadd.s32 s5, s23;
	[dreg:$0xd] =	wrdreg s26  }
0x18: {  	s11 =	sadd.s32 s6, s23;
	s19 =	sadd.s32 s10, s12;
	[dreg:$0xe] =	wrdreg s13  }
0x19: {  	s22 =	sadd.s32 $0x50, s3;
	s25 =	sadd.s32 $0xA0, s3;
	[dreg:$0xf] =	wrdreg s18  }
0x1a: {  	s12 =	simm.s32 $0x1;
	s14 =	simm.s32 $0x50;
	[dreg:$0x10] =	wrdreg s11  }
0x1b: {  	[dreg:$0x11] =	wrdreg s19;
	s21 =	sadd.s32 s16, s9;
	s23 =	sshrl.u32 s22, $0x3  }
0x1c: {  	[dreg:$0x14] =	wrdreg s25;
	s26 =	sadd.s32 s24, s10;
	s24 =	simm.s32 $0x2780  }
0x1d: {  	s25 =	simm.s32 $0x4F00;
	s19 =	simm.s32 $0x7700;
	s13 =	simm.s32 $0x5  }
0x1e: {  	s16 =	simm.s32 $0x6;
	s18 =	simm.s32 $0x4;
	[dreg:$0x5] =	wrdreg s21  }
0x1f: {  	s9 =	simm.s32 $0x0;
	s0 =	sadd.s32 s23, s10;
	[dreg:$0x15] =	wrdreg s26  }
0x20: {  	s26 =	simm.s32 $0x7780;
	[dreg:$0x13] =	wrdreg s0;
	s0 =	simm.s32 $0xC980  }
.LBB2_1:
0x21: {  	[dreg:$0x16] =	wrdreg s9  }
0x22: {  	s3 =	rddreg [dreg:$0x6];
	s21 =	simm.s32 $0x7  }
0x23: {  	[tilespmem:s2], [sflag:$0x7] =	stream.linear.gather [hbm4b:s3+s2], $0x2780, $0x38;
	[tilespmem:$0x11980] =	vst v63  }
0x24: {  	_ =	swait.ge [sflag:s21], $0x2780  }
0x25: {  	[sflag:s21] =	ssyncset.done $0x0  }
0x26: {  	s22 =	rddreg [dreg:$0x7];
	[sflag:s21] =	ssyncadd.s32 $0xFFFFD880  }
0x27: {  	[tilespmem:s24], [sflag:$0x7] =	stream.linear.gather [hbm4b:s22+s2], $0x2780, $0x38;
	[tilespmem:$0x11980] =	vst v63  }
0x28: {  	_ =	swait.ge [sflag:s21], $0x2780  }
0x29: {  	[sflag:s21] =	ssyncset.done $0x0  }
0x2a: {  	s23 =	rddreg [dreg:$0x8];
	[sflag:s21] =	ssyncadd.s32 $0xFFFFD880  }
0x2b: {  	[tilespmem:s25], [sflag:$0x7] =	stream.linear.gather [hbm4b:s23+s2], $0x2780, $0x38;
	[tilespmem:$0x11980] =	vst v63  }
0x2c: {  	_ =	swait.ge [sflag:s21], $0x2780  }
0x2d: {  	[sflag:s21] =	ssyncset.done $0x0  }
0x2e: {  	s10 =	rddreg [dreg:$0xb];
	[sflag:s21] =	ssyncadd.s32 $0xFFFFD880  }
0x2f: {  	[tilespmem:s26], [sflag:$0x1] =	stream.linear.gather [hbm4b:s10+s2], $0x50, $0x38;
	[tilespmem:$0x11980] =	vst v63  }
0x30: {  	s11 =	rddreg [dreg:$0xc]  }
0x31: {  	[tilespmem:s28], [sflag:$0x1] =	stream.linear.gather [hbm4b:s11+s2], $0x50, $0x38;
	[tilespmem:$0x11980] =	vst v63  }
0x32: {  	s20 =	rddreg [dreg:$0xf]  }
0x33: {  	[tilespmem:s29], [sflag:$0x2] =	stream.linear.gather [hbm4b:s20+s2], $0x50, $0x38;
	[tilespmem:$0x11980] =	vst v63  }
0x34: {  	s21 =	rddreg [dreg:$0x10]  }
0x35: {  	[tilespmem:s30], [sflag:$0x2] =	stream.linear.gather [hbm4b:s21+s2], $0x50, $0x38;
	[tilespmem:$0x11980] =	vst v63  }
0x36: {  	s22 =	rddreg [dreg:$0x9]  }
0x37: {  	[hbm4b:s22+s2] =	stream.linear.scatter [tilespmem:s31], [sflag:$0x5], $0x2800, $0x38;
	[tilespmem:$0x11980] =	vst v63  }
0x38: {  	_ = 	snop  }
0x39: {  	[hbm4b:s22+s2] =	stream.linear.scatter [tilespmem:s0], [sflag:$0x5], $0x2800, $0x38;
	[tilespmem:$0x11980] =	vst v63  }
0x3a: {  	s23 =	rddreg [dreg:$0xa];
	s10 =	simm.s32 $0x7680  }
0x3b: {  	[hbm4b:s23+s2] =	stream.linear.scatter [tilespmem:s10], [sflag:$0x5], $0x80, $0x38;
	[tilespmem:$0x11980] =	vst v63  }
0x3c: {  	_ = 	snop  }
0x3d: {  	[hbm4b:s22+s2] =	stream.linear.scatter [tilespmem:s7], [sflag:$0x6], $0x2800, $0x38;
	[tilespmem:$0x11980] =	vst v63  }
0x3e: {  	_ = 	snop  }
0x3f: {  	[hbm4b:s22+s2] =	stream.linear.scatter [tilespmem:s8], [sflag:$0x6], $0x2800, $0x38;
	[tilespmem:$0x11980] =	vst v63  }
0x40: {  	_ = 	snop  }
0x41: {  	[hbm4b:s23+s2] =	stream.linear.scatter [tilespmem:s19], [sflag:$0x6], $0x80, $0x38;
	[tilespmem:$0x11980] =	vst v63  }
0x42: {  	_ =	swait.ge [sflag:s12], $0x50  }
0x43: {  	[sflag:s12] =	ssyncset.done $0x0  }
0x44: {  	[sflag:s12] =	ssyncadd.s32 $0xFFFFFFB0  }
0x45: {  	_ =	swait.ge [sflag:s12], $0x50  }
0x46: {  	[sflag:s12] =	ssyncset.done $0x0  }
0x47: {  	[sflag:s12] =	ssyncadd.s32 $0xFFFFFFB0  }
0x48: {  	_ =	swait.ge [sflag:s13], $0x2800  }
0x49: {  	[sflag:s13] =	ssyncset.done $0x0  }
0x4a: {  	[sflag:s13] =	ssyncadd.s32 $0xFFFFD800  }
0x4b: {  	_ =	swait.ge [sflag:s13], $0x2800  }
0x4c: {  	[sflag:s13] =	ssyncset.done $0x0  }
0x4d: {  	[sflag:s13] =	ssyncadd.s32 $0xFFFFD800  }
0x4e: {  	_ =	swait.ge [sflag:s13], $0x50  }
0x4f: {  	[sflag:s13] =	ssyncset.done $0x0;
	s22 =	rddreg [dreg:$0x15]  }
0x50: {  	s21 =	rddreg [dreg:$0x14];
	[sflag:s13] =	ssyncadd.s32 $0xFFFFFFB0  }
0x51: {  	[tilespmem:s31], [sflag:$0x3] =	stream.indirect.gather [hbm4b:s1+s14], $0x80, s26, s14, $0xb8;
	[tilespmem:$0x11980] =	vst v63  }
0x52: {  	s20 =	simm.s32 $0x0;
	s10 =	simm.s32 $0x0;
	s11 =	rddreg [dreg:$0x13]  }
0x53: {  	[tilespmem:s0], [sflag:$0x3] =	stream.indirect.gather [hbm4b:s4+s14], $0x80, s28, s14, $0xb8;
	[tilespmem:$0x11980] =	vst v63  }
.LBB2_2:
0x54: {  	_ =	swait.ge [sflag:s15], $0x50  }
0x55: {  	[sflag:s15] =	ssyncset.done $0x0  }
0x56: {  	[sflag:s15] =	ssyncadd.s32 $0xFFFFFFB0  }
0x57: {  	_ =	swait.ge [sflag:s15], $0x50  }
0x58: {  	[sflag:s15] =	ssyncset.done $0x0  }
0x59: {  	[sflag:s15] =	ssyncadd.s32 $0xFFFFFFB0  }
0x5a: {  	_ =	swait.ge [sflag:s16], $0x2800  }
0x5b: {  	[sflag:s16] =	ssyncset.done $0x0  }
0x5c: {  	[sflag:s16] =	ssyncadd.s32 $0xFFFFD800  }
0x5d: {  	_ =	swait.ge [sflag:s16], $0x2800  }
0x5e: {  	[sflag:s16] =	ssyncset.done $0x0  }
0x5f: {  	[sflag:s16] =	ssyncadd.s32 $0xFFFFD800  }
0x60: {  	_ =	swait.ge [sflag:s16], $0x50  }
0x61: {  	[sflag:s16] =	ssyncset.done $0x0  }
0x62: {  	[sflag:s16] =	ssyncadd.s32 $0xFFFFFFB0  }
0x63: {  	[tilespmem:s7], [sflag:$0x4] =	stream.indirect.gather [hbm4b:s1+s14], $0x80, s29, s14, $0xb8;
	[tilespmem:$0x11980] =	vst v63  }
0x64: {  	_ = 	snop  }
0x65: {  	[tilespmem:s8], [sflag:$0x4] =	stream.indirect.gather [hbm4b:s4+s14], $0x80, s30, s14, $0xb8;
	[tilespmem:$0x11980] =	vst v63  }
0x66: {  	_ =	swait.ge [sflag:s17], $0x2800  }
0x67: {  	[sflag:s17] =	ssyncset.done $0x0  }
0x68: {  	[sflag:s17] =	ssyncadd.s32 $0xFFFFD800  }
0x69: {  	_ =	swait.ge [sflag:s17], $0x2800  }
0x6a: {  	[sflag:s17] =	ssyncset.done $0x0  }
0x6b: {  	[sflag:s17] =	ssyncadd.s32 $0xFFFFD800  }
0x6c: {  	v0 =	vld [tilespmem:$0x7780]  }
0x6d: {  	v1 =	vld [tilespmem:$0x7880];
	_ =	sdelay $0x6  }
0x6e: {  	v2 =	vld.idx.msk [tilespmem:v0+s2+$0x0], $0xffff  }
0x6f: {  	v3 =	vld.idx.msk [tilespmem:v1+s2+$0x0], $0xffff  }
0x70: {  	v4 =	vld.idx.msk [tilespmem:v0+s24+$0x0], $0xffff  }
0x71: {  	v5 =	vld.idx.msk [tilespmem:v1+s24+$0x0], $0xffff  }
0x72: {  	v0 =	vld.idx.msk [tilespmem:v0+s25+$0x0], $0xffff  }
0x73: {  	v1 =	vld.idx.msk [tilespmem:v1+s25+$0x0], $0xffff;
	_ =	sdelay $0x2  }
0x74: {  	v2 =	vsub.f32 v2, v3;
	v53 =	vsub.f32 v4, v5  }
0x75: {  	v54 =	vld [tilespmem:$0x7790]  }
0x76: {  	v57 =	vld [tilespmem:$0x7890];
	v0 =	vsub.f32 v0, v1;
	v55 =	vmul.f32 v2, v2;
	v56 =	vmul.f32 v53, v53;
	_ =	sdelay $0x1  }
0x77: {  	v0 =	vmul.f32 v0, v0;
	v1 =	vadd.f32 v56, v55;
	_ =	sdelay $0x1  }
0x78: {  	v0 =	vadd.f32 v0, v1;
	_ =	sdelay $0x1  }
0x79: {  	[tilespmem:$0x7680] =	vst v0  }
0x7a: {  	v0 =	vld.idx.msk [tilespmem:v54+s2+$0x0], $0xffff  }
0x7b: {  	v58 =	vld.idx.msk [tilespmem:v57+s2+$0x0], $0xffff  }
0x7c: {  	v59 =	vld.idx.msk [tilespmem:v54+s24+$0x0], $0xffff  }
0x7d: {  	v60 =	vld.idx.msk [tilespmem:v57+s24+$0x0], $0xffff  }
0x7e: {  	v4 =	vld.idx.msk [tilespmem:v54+s25+$0x0], $0xffff  }
0x7f: {  	v3 =	vld.idx.msk [tilespmem:v57+s25+$0x0], $0xffff;
	_ =	sdelay $0x2  }
0x80: {  	v0 =	vsub.f32 v0, v58;
	v61 =	vsub.f32 v59, v60  }
0x81: {  	v62 =	vld [tilespmem:$0x77A0]  }
0x82: {  	v63 =	vld [tilespmem:$0x78A0];
	v3 =	vsub.f32 v4, v3;
	v0 =	vmul.f32 v0, v0;
	v1 =	vmul.f32 v61, v61;
	_ =	sdelay $0x1  }
0x83: {  	v7 =	vmul.f32 v3, v3;
	v0 =	vadd.f32 v1, v0;
	_ =	sdelay $0x1  }
0x84: {  	v0 =	vadd.f32 v7, v0;
	_ =	sdelay $0x1  }
0x85: {  	[tilespmem:$0x7690] =	vst v0  }
0x86: {  	v0 =	vld.idx.msk [tilespmem:v62+s2+$0x0], $0xffff  }
0x87: {  	v8 =	vld.idx.msk [tilespmem:v63+s2+$0x0], $0xffff  }
0x88: {  	v9 =	vld.idx.msk [tilespmem:v62+s24+$0x0], $0xffff  }
0x89: {  	v10 =	vld.idx.msk [tilespmem:v63+s24+$0x0], $0xffff  }
0x8a: {  	v2 =	vld.idx.msk [tilespmem:v62+s25+$0x0], $0xffff  }
0x8b: {  	v4 =	vld.idx.msk [tilespmem:v63+s25+$0x0], $0xffff;
	_ =	sdelay $0x2  }
0x8c: {  	v0 =	vsub.f32 v0, v8;
	v11 =	vsub.f32 v9, v10  }
0x8d: {  	v12 =	vld [tilespmem:$0x77B0]  }
0x8e: {  	v13 =	vld [tilespmem:$0x78B0];
	v2 =	vsub.f32 v2, v4;
	v0 =	vmul.f32 v0, v0;
	v1 =	vmul.f32 v11, v11;
	_ =	sdelay $0x1  }
0x8f: {  	v14 =	vmul.f32 v2, v2;
	v0 =	vadd.f32 v1, v0;
	_ =	sdelay $0x1  }
0x90: {  	v0 =	vadd.f32 v14, v0;
	_ =	sdelay $0x1  }
0x91: {  	[tilespmem:$0x76A0] =	vst v0  }
0x92: {  	v0 =	vld.idx.msk [tilespmem:v12+s2+$0x0], $0xffff  }
0x93: {  	v15 =	vld.idx.msk [tilespmem:v13+s2+$0x0], $0xffff  }
0x94: {  	v16 =	vld.idx.msk [tilespmem:v12+s24+$0x0], $0xffff  }
0x95: {  	v17 =	vld.idx.msk [tilespmem:v13+s24+$0x0], $0xffff  }
0x96: {  	v3 =	vld.idx.msk [tilespmem:v12+s25+$0x0], $0xffff  }
0x97: {  	v4 =	vld.idx.msk [tilespmem:v13+s25+$0x0], $0xffff;
	_ =	sdelay $0x2  }
0x98: {  	v0 =	vsub.f32 v0, v15;
	v18 =	vsub.f32 v16, v17  }
0x99: {  	v19 =	vld [tilespmem:$0x77C0]  }
0x9a: {  	v20 =	vld [tilespmem:$0x78C0];
	v3 =	vsub.f32 v3, v4;
	v0 =	vmul.f32 v0, v0;
	v1 =	vmul.f32 v18, v18;
	_ =	sdelay $0x1  }
0x9b: {  	v21 =	vmul.f32 v3, v3;
	v0 =	vadd.f32 v1, v0;
	_ =	sdelay $0x1  }
0x9c: {  	v0 =	vadd.f32 v21, v0;
	_ =	sdelay $0x1  }
0x9d: {  	[tilespmem:$0x76B0] =	vst v0  }
0x9e: {  	v0 =	vld.idx.msk [tilespmem:v19+s2+$0x0], $0xffff  }
0x9f: {  	v22 =	vld.idx.msk [tilespmem:v20+s2+$0x0], $0xffff  }
0xa0: {  	v23 =	vld.idx.msk [tilespmem:v19+s24+$0x0], $0xffff  }
0xa1: {  	v24 =	vld.idx.msk [tilespmem:v20+s24+$0x0], $0xffff  }
0xa2: {  	v2 =	vld.idx.msk [tilespmem:v19+s25+$0x0], $0xffff  }
0xa3: {  	v4 =	vld.idx.msk [tilespmem:v20+s25+$0x0], $0xffff;
	_ =	sdelay $0x2  }
0xa4: {  	v0 =	vsub.f32 v0, v22;
	v25 =	vsub.f32 v23, v24;
	_ =	sdelay $0x1  }
0xa5: {  	v2 =	vsub.f32 v2, v4;
	v0 =	vmul.f32 v0, v0;
	v1 =	vmul.f32 v25, v25;
	_ =	sdelay $0x1  }
0xa6: {  	v26 =	vmul.f32 v2, v2;
	v0 =	vadd.f32 v1, v0;
	_ =	sdelay $0x1  }
0xa7: {  	v0 =	vadd.f32 v26, v0  }
0xa8: {  	s19 =	rddreg [dreg:$0x4]  }
0xa9: {  	s9 =	rddreg [dreg:$0x5];
	s23 =	sadd.s32 s10, s19;
	[tilespmem:$0x76C0] =	vst v0  }
0xaa: {  	[hbm4b:s23+s2] =	stream.linear.scatter [tilespmem:s31], [sflag:$0x5], $0x2800, $0x38;
	[tilespmem:$0x11980] =	vst v63  }
0xab: {  	s19 =	sadd.s32 s10, s9  }
0xac: {  	[hbm4b:s19+s2] =	stream.linear.scatter [tilespmem:s0], [sflag:$0x5], $0x2800, $0x38;
	[tilespmem:$0x11980] =	vst v63  }
0xad: {  	s3 =	simm.s32 $0x7680;
	s9 =	sshrl.u32 s21, $0x3  }
0xae: {  	[hbm4b:s22+s2] =	stream.linear.scatter [tilespmem:s3], [sflag:$0x5], $0x50, $0x38;
	[tilespmem:$0x11980] =	vst v63  }
0xaf: {  	s3 =	sadd.s32 s5, s9  }
0xb0: {  	[tilespmem:s26], [sflag:$0x1] =	stream.linear.gather [hbm4b:s3+s2], $0x50, $0x38;
	[tilespmem:$0x11980] =	vst v63  }
0xb1: {  	s9 =	sadd.s32 s6, s9  }
0xb2: {  	[tilespmem:s28], [sflag:$0x1] =	stream.linear.gather [hbm4b:s9+s2], $0x50, $0x38;
	[tilespmem:$0x11980] =	vst v63  }
0xb3: {  	_ =	swait.ge [sflag:s18], $0x2800  }
0xb4: {  	[sflag:s18] =	ssyncset.done $0x0  }
0xb5: {  	[sflag:s18] =	ssyncadd.s32 $0xFFFFD800  }
0xb6: {  	_ =	swait.ge [sflag:s18], $0x2800  }
0xb7: {  	[sflag:s18] =	ssyncset.done $0x0  }
0xb8: {  	[sflag:s18] =	ssyncadd.s32 $0xFFFFD800  }
0xb9: {  	v27 =	vld [tilespmem:$0x7800]  }
0xba: {  	v28 =	vld [tilespmem:$0x7900];
	_ =	sdelay $0x6  }
0xbb: {  	v29 =	vld.idx.msk [tilespmem:v27+s2+$0x0], $0xffff  }
0xbc: {  	v30 =	vld.idx.msk [tilespmem:v28+s2+$0x0], $0xffff  }
0xbd: {  	v31 =	vld.idx.msk [tilespmem:v27+s24+$0x0], $0xffff  }
0xbe: {  	v32 =	vld.idx.msk [tilespmem:v28+s24+$0x0], $0xffff  }
0xbf: {  	v0 =	vld.idx.msk [tilespmem:v27+s25+$0x0], $0xffff  }
0xc0: {  	v1 =	vld.idx.msk [tilespmem:v28+s25+$0x0], $0xffff;
	_ =	sdelay $0x2  }
0xc1: {  	v2 =	vsub.f32 v29, v30;
	v33 =	vsub.f32 v31, v32  }
0xc2: {  	v34 =	vld [tilespmem:$0x7810]  }
0xc3: {  	v37 =	vld [tilespmem:$0x7910];
	v0 =	vsub.f32 v0, v1;
	v35 =	vmul.f32 v2, v2;
	v36 =	vmul.f32 v33, v33;
	_ =	sdelay $0x1  }
0xc4: {  	v0 =	vmul.f32 v0, v0;
	v1 =	vadd.f32 v36, v35;
	_ =	sdelay $0x1  }
0xc5: {  	v0 =	vadd.f32 v0, v1;
	_ =	sdelay $0x1  }
0xc6: {  	[tilespmem:$0x7700] =	vst v0  }
0xc7: {  	v0 =	vld.idx.msk [tilespmem:v34+s2+$0x0], $0xffff  }
0xc8: {  	v38 =	vld.idx.msk [tilespmem:v37+s2+$0x0], $0xffff  }
0xc9: {  	v39 =	vld.idx.msk [tilespmem:v34+s24+$0x0], $0xffff  }
0xca: {  	v40 =	vld.idx.msk [tilespmem:v37+s24+$0x0], $0xffff  }
0xcb: {  	v4 =	vld.idx.msk [tilespmem:v34+s25+$0x0], $0xffff  }
0xcc: {  	v3 =	vld.idx.msk [tilespmem:v37+s25+$0x0], $0xffff;
	_ =	sdelay $0x2  }
0xcd: {  	v0 =	vsub.f32 v0, v38;
	v41 =	vsub.f32 v39, v40  }
0xce: {  	v42 =	vld [tilespmem:$0x7820]  }
0xcf: {  	v43 =	vld [tilespmem:$0x7920];
	v3 =	vsub.f32 v4, v3;
	v0 =	vmul.f32 v0, v0;
	v1 =	vmul.f32 v41, v41;
	_ =	sdelay $0x1  }
0xd0: {  	v44 =	vmul.f32 v3, v3;
	v0 =	vadd.f32 v1, v0;
	_ =	sdelay $0x1  }
0xd1: {  	v0 =	vadd.f32 v44, v0;
	_ =	sdelay $0x1  }
0xd2: {  	[tilespmem:$0x7710] =	vst v0  }
0xd3: {  	v0 =	vld.idx.msk [tilespmem:v42+s2+$0x0], $0xffff  }
0xd4: {  	v45 =	vld.idx.msk [tilespmem:v43+s2+$0x0], $0xffff  }
0xd5: {  	v46 =	vld.idx.msk [tilespmem:v42+s24+$0x0], $0xffff  }
0xd6: {  	v47 =	vld.idx.msk [tilespmem:v43+s24+$0x0], $0xffff  }
0xd7: {  	v2 =	vld.idx.msk [tilespmem:v42+s25+$0x0], $0xffff  }
0xd8: {  	v4 =	vld.idx.msk [tilespmem:v43+s25+$0x0], $0xffff;
	_ =	sdelay $0x2  }
0xd9: {  	v0 =	vsub.f32 v0, v45;
	v48 =	vsub.f32 v46, v47  }
0xda: {  	v49 =	vld [tilespmem:$0x7830]  }
0xdb: {  	v50 =	vld [tilespmem:$0x7930];
	v2 =	vsub.f32 v2, v4;
	v0 =	vmul.f32 v0, v0;
	v1 =	vmul.f32 v48, v48;
	_ =	sdelay $0x1  }
0xdc: {  	v51 =	vmul.f32 v2, v2;
	v0 =	vadd.f32 v1, v0;
	_ =	sdelay $0x1  }
0xdd: {  	v0 =	vadd.f32 v51, v0;
	_ =	sdelay $0x1  }
0xde: {  	[tilespmem:$0x7720] =	vst v0  }
0xdf: {  	v0 =	vld.idx.msk [tilespmem:v49+s2+$0x0], $0xffff  }
0xe0: {  	v52 =	vld.idx.msk [tilespmem:v50+s2+$0x0], $0xffff  }
0xe1: {  	v53 =	vld.idx.msk [tilespmem:v49+s24+$0x0], $0xffff  }
0xe2: {  	v54 =	vld.idx.msk [tilespmem:v50+s24+$0x0], $0xffff  }
0xe3: {  	v3 =	vld.idx.msk [tilespmem:v49+s25+$0x0], $0xffff  }
0xe4: {  	v4 =	vld.idx.msk [tilespmem:v50+s25+$0x0], $0xffff;
	_ =	sdelay $0x2  }
0xe5: {  	v0 =	vsub.f32 v0, v52;
	v55 =	vsub.f32 v53, v54  }
0xe6: {  	v56 =	vld [tilespmem:$0x7840]  }
0xe7: {  	v57 =	vld [tilespmem:$0x7940];
	v3 =	vsub.f32 v3, v4;
	v0 =	vmul.f32 v0, v0;
	v1 =	vmul.f32 v55, v55;
	_ =	sdelay $0x1  }
0xe8: {  	v58 =	vmul.f32 v3, v3;
	v0 =	vadd.f32 v1, v0;
	_ =	sdelay $0x1  }
0xe9: {  	v0 =	vadd.f32 v58, v0;
	_ =	sdelay $0x1  }
0xea: {  	[tilespmem:$0x7730] =	vst v0  }
0xeb: {  	v0 =	vld.idx.msk [tilespmem:v56+s2+$0x0], $0xffff  }
0xec: {  	v59 =	vld.idx.msk [tilespmem:v57+s2+$0x0], $0xffff  }
0xed: {  	v60 =	vld.idx.msk [tilespmem:v56+s24+$0x0], $0xffff  }
0xee: {  	v61 =	vld.idx.msk [tilespmem:v57+s24+$0x0], $0xffff  }
0xef: {  	v2 =	vld.idx.msk [tilespmem:v56+s25+$0x0], $0xffff  }
0xf0: {  	v4 =	vld.idx.msk [tilespmem:v57+s25+$0x0], $0xffff;
	_ =	sdelay $0x2  }
0xf1: {  	v0 =	vsub.f32 v0, v59;
	v62 =	vsub.f32 v60, v61;
	_ =	sdelay $0x1  }
0xf2: {  	v2 =	vsub.f32 v2, v4;
	v0 =	vmul.f32 v0, v0;
	v1 =	vmul.f32 v62, v62;
	_ =	sdelay $0x1  }
0xf3: {  	v63 =	vmul.f32 v2, v2;
	v0 =	vadd.f32 v1, v0;
	_ =	sdelay $0x1  }
0xf4: {  	v0 =	vadd.f32 v63, v0;
	_ =	sdelay $0x1  }
0xf5: {  	s9 =	sadd.s32 $0x500, s23;
	[tilespmem:$0x7740] =	vst v0  }
0xf6: {  	[hbm4b:s9+s2] =	stream.linear.scatter [tilespmem:s7], [sflag:$0x6], $0x2800, $0x38;
	[tilespmem:$0x11980] =	vst v63  }
0xf7: {  	s9 =	smin.u32 s20, $0x79  }
0xf8: {  	s23 =	sadd.s32 $0x500, s19;
	s3 =	smul.u32 $0x50, s9  }
0xf9: {  	[hbm4b:s23+s2] =	stream.linear.scatter [tilespmem:s8], [sflag:$0x6], $0x2800, $0x38;
	[tilespmem:$0x11980] =	vst v63  }
0xfa: {  	s23 =	rddreg [dreg:$0x3]  }
0xfb: {  	s19 =	simm.s32 $0x7700;
	s3 =	sadd.s32 s3, s23  }
0xfc: {  	[hbm4b:s11+s2] =	stream.linear.scatter [tilespmem:s19], [sflag:$0x6], $0x50, $0x38;
	[tilespmem:$0x11980] =	vst v63  }
0xfd: {  	s3 =	sshrl.u32 s3, $0x3  }
0xfe: {  	s23 =	sadd.s32 s5, s3  }
0xff: {  	[tilespmem:s29], [sflag:$0x2] =	stream.linear.gather [hbm4b:s23+s2], $0x50, $0x38;
	[tilespmem:$0x11980] =	vst v63  }
0x100: {  	s3 =	sadd.s32 s6, s3  }
0x101: {  	[tilespmem:s30], [sflag:$0x2] =	stream.linear.gather [hbm4b:s3+s2], $0x50, $0x38;
	[tilespmem:$0x11980] =	vst v63  }
0x102: {  	_ =	swait.ge [sflag:s12], $0x50  }
0x103: {  	[sflag:s12] =	ssyncset.done $0x0  }
0x104: {  	[sflag:s12] =	ssyncadd.s32 $0xFFFFFFB0  }
0x105: {  	_ =	swait.ge [sflag:s12], $0x50  }
0x106: {  	[sflag:s12] =	ssyncset.done $0x0  }
0x107: {  	[sflag:s12] =	ssyncadd.s32 $0xFFFFFFB0  }
0x108: {  	_ =	swait.ge [sflag:s13], $0x2800  }
0x109: {  	[sflag:s13] =	ssyncset.done $0x0  }
0x10a: {  	[sflag:s13] =	ssyncadd.s32 $0xFFFFD800  }
0x10b: {  	_ =	swait.ge [sflag:s13], $0x2800  }
0x10c: {  	[sflag:s13] =	ssyncset.done $0x0  }
0x10d: {  	[sflag:s13] =	ssyncadd.s32 $0xFFFFD800  }
0x10e: {  	p0 =	sne.s32 s10, $0x26200;
	_ =	swait.ge [sflag:s13], $0x50  }
.Ltmp0:
0x10f: {  	[sflag:s13] =	ssyncset.done $0x0;
	(pc) =	sbr.rel @p0 .LBB2_2-.Ltmp0, $4  }
0x110: {  	s21 =	sadd.s32 $0xA0, s21;
	s10 =	sadd.s32 $0xA00, s10;
	[sflag:s13] =	ssyncadd.s32 $0xFFFFFFB0  }
0x111: {  	[tilespmem:s31], [sflag:$0x3] =	stream.indirect.gather [hbm4b:s1+s14], $0x80, s26, s14, $0xb8;
	[tilespmem:$0x11980] =	vst v63  }
0x112: {  	s22 =	sadd.s32 $0x14, s22;
	s20 =	sadd.s32 $0x2, s20;
	s11 =	sadd.s32 $0x14, s11  }
0x113: {  	[tilespmem:s0], [sflag:$0x3] =	stream.indirect.gather [hbm4b:s4+s14], $0x80, s28, s14, $0xb8;
	[tilespmem:$0x11980] =	vst v63  }
0x114: {  	_ =	swait.ge [sflag:s17], $0x2800  }
0x115: {  	[sflag:s17] =	ssyncset.done $0x0  }
0x116: {  	[sflag:s17] =	ssyncadd.s32 $0xFFFFD800  }
0x117: {  	_ =	swait.ge [sflag:s17], $0x2800  }
0x118: {  	[sflag:s17] =	ssyncset.done $0x0  }
0x119: {  	[sflag:s17] =	ssyncadd.s32 $0xFFFFD800  }
0x11a: {  	v0 =	vld [tilespmem:$0x7780]  }
0x11b: {  	v1 =	vld [tilespmem:$0x7880];
	_ =	sdelay $0x6  }
0x11c: {  	v2 =	vld.idx.msk [tilespmem:v0+s2+$0x0], $0xffff  }
0x11d: {  	v3 =	vld.idx.msk [tilespmem:v1+s2+$0x0], $0xffff  }
0x11e: {  	v4 =	vld.idx.msk [tilespmem:v0+s24+$0x0], $0xffff  }
0x11f: {  	v5 =	vld.idx.msk [tilespmem:v1+s24+$0x0], $0xffff  }
0x120: {  	v0 =	vld.idx.msk [tilespmem:v0+s25+$0x0], $0xffff  }
0x121: {  	v1 =	vld.idx.msk [tilespmem:v1+s25+$0x0], $0xffff;
	_ =	sdelay $0x2  }
0x122: {  	v2 =	vsub.f32 v2, v3;
	v33 =	vsub.f32 v4, v5  }
0x123: {  	v34 =	vld [tilespmem:$0x7790]  }
0x124: {  	v37 =	vld [tilespmem:$0x7890];
	v0 =	vsub.f32 v0, v1;
	v35 =	vmul.f32 v2, v2;
	v36 =	vmul.f32 v33, v33;
	_ =	sdelay $0x1  }
0x125: {  	v0 =	vmul.f32 v0, v0;
	v1 =	vadd.f32 v36, v35;
	_ =	sdelay $0x1  }
0x126: {  	v0 =	vadd.f32 v0, v1;
	_ =	sdelay $0x1  }
0x127: {  	[tilespmem:$0x7680] =	vst v0  }
0x128: {  	v0 =	vld.idx.msk [tilespmem:v34+s2+$0x0], $0xffff  }
0x129: {  	v38 =	vld.idx.msk [tilespmem:v37+s2+$0x0], $0xffff  }
0x12a: {  	v39 =	vld.idx.msk [tilespmem:v34+s24+$0x0], $0xffff  }
0x12b: {  	v40 =	vld.idx.msk [tilespmem:v37+s24+$0x0], $0xffff  }
0x12c: {  	v4 =	vld.idx.msk [tilespmem:v34+s25+$0x0], $0xffff  }
0x12d: {  	v3 =	vld.idx.msk [tilespmem:v37+s25+$0x0], $0xffff;
	_ =	sdelay $0x2  }
0x12e: {  	v0 =	vsub.f32 v0, v38;
	v41 =	vsub.f32 v39, v40  }
0x12f: {  	v42 =	vld [tilespmem:$0x77A0]  }
0x130: {  	v43 =	vld [tilespmem:$0x78A0];
	v3 =	vsub.f32 v4, v3;
	v0 =	vmul.f32 v0, v0;
	v1 =	vmul.f32 v41, v41;
	_ =	sdelay $0x1  }
0x131: {  	v44 =	vmul.f32 v3, v3;
	v0 =	vadd.f32 v1, v0;
	_ =	sdelay $0x1  }
0x132: {  	v0 =	vadd.f32 v44, v0;
	_ =	sdelay $0x1  }
0x133: {  	[tilespmem:$0x7690] =	vst v0  }
0x134: {  	v0 =	vld.idx.msk [tilespmem:v42+s2+$0x0], $0xffff  }
0x135: {  	v45 =	vld.idx.msk [tilespmem:v43+s2+$0x0], $0xffff  }
0x136: {  	v46 =	vld.idx.msk [tilespmem:v42+s24+$0x0], $0xffff  }
0x137: {  	v47 =	vld.idx.msk [tilespmem:v43+s24+$0x0], $0xffff  }
0x138: {  	v2 =	vld.idx.msk [tilespmem:v42+s25+$0x0], $0xffff  }
0x139: {  	v4 =	vld.idx.msk [tilespmem:v43+s25+$0x0], $0xffff;
	_ =	sdelay $0x2  }
0x13a: {  	v0 =	vsub.f32 v0, v45;
	v48 =	vsub.f32 v46, v47  }
0x13b: {  	v49 =	vld [tilespmem:$0x77B0]  }
0x13c: {  	v50 =	vld [tilespmem:$0x78B0];
	v2 =	vsub.f32 v2, v4;
	v0 =	vmul.f32 v0, v0;
	v1 =	vmul.f32 v48, v48;
	_ =	sdelay $0x1  }
0x13d: {  	v51 =	vmul.f32 v2, v2;
	v0 =	vadd.f32 v1, v0;
	_ =	sdelay $0x1  }
0x13e: {  	v0 =	vadd.f32 v51, v0;
	_ =	sdelay $0x1  }
0x13f: {  	[tilespmem:$0x76A0] =	vst v0  }
0x140: {  	v0 =	vld.idx.msk [tilespmem:v49+s2+$0x0], $0xffff  }
0x141: {  	v52 =	vld.idx.msk [tilespmem:v50+s2+$0x0], $0xffff  }
0x142: {  	v53 =	vld.idx.msk [tilespmem:v49+s24+$0x0], $0xffff  }
0x143: {  	v54 =	vld.idx.msk [tilespmem:v50+s24+$0x0], $0xffff  }
0x144: {  	v3 =	vld.idx.msk [tilespmem:v49+s25+$0x0], $0xffff  }
0x145: {  	v4 =	vld.idx.msk [tilespmem:v50+s25+$0x0], $0xffff;
	_ =	sdelay $0x2  }
0x146: {  	v0 =	vsub.f32 v0, v52;
	v55 =	vsub.f32 v53, v54  }
0x147: {  	v56 =	vld [tilespmem:$0x77C0]  }
0x148: {  	v57 =	vld [tilespmem:$0x78C0];
	v3 =	vsub.f32 v3, v4;
	v0 =	vmul.f32 v0, v0;
	v1 =	vmul.f32 v55, v55;
	_ =	sdelay $0x1  }
0x149: {  	v58 =	vmul.f32 v3, v3;
	v0 =	vadd.f32 v1, v0;
	_ =	sdelay $0x1  }
0x14a: {  	v0 =	vadd.f32 v58, v0;
	_ =	sdelay $0x1  }
0x14b: {  	[tilespmem:$0x76B0] =	vst v0  }
0x14c: {  	v0 =	vld.idx.msk [tilespmem:v56+s2+$0x0], $0xffff  }
0x14d: {  	v59 =	vld.idx.msk [tilespmem:v57+s2+$0x0], $0xffff  }
0x14e: {  	v60 =	vld.idx.msk [tilespmem:v56+s24+$0x0], $0xffff  }
0x14f: {  	v61 =	vld.idx.msk [tilespmem:v57+s24+$0x0], $0xffff  }
0x150: {  	v2 =	vld.idx.msk [tilespmem:v56+s25+$0x0], $0xffff  }
0x151: {  	v4 =	vld.idx.msk [tilespmem:v57+s25+$0x0], $0xffff;
	_ =	sdelay $0x2  }
0x152: {  	v0 =	vsub.f32 v0, v59;
	v62 =	vsub.f32 v60, v61;
	_ =	sdelay $0x1  }
0x153: {  	v2 =	vsub.f32 v2, v4;
	v0 =	vmul.f32 v0, v0;
	v1 =	vmul.f32 v62, v62;
	_ =	sdelay $0x1  }
0x154: {  	v63 =	vmul.f32 v2, v2;
	v0 =	vadd.f32 v1, v0;
	_ =	sdelay $0x1  }
0x155: {  	v0 =	vadd.f32 v63, v0;
	_ =	sdelay $0x1  }
0x156: {  	s3 =	rddreg [dreg:$0xd];
	[tilespmem:$0x76C0] =	vst v0  }
0x157: {  	[hbm4b:s3+s2] =	stream.linear.scatter [tilespmem:s31], [sflag:$0x5], $0x2800, $0x38;
	[tilespmem:$0x11980] =	vst v63  }
0x158: {  	s20 =	rddreg [dreg:$0xe]  }
0x159: {  	[hbm4b:s20+s2] =	stream.linear.scatter [tilespmem:s0], [sflag:$0x5], $0x2800, $0x38;
	[tilespmem:$0x11980] =	vst v63  }
0x15a: {  	s9 =	simm.s32 $0x7680;
	s21 =	rddreg [dreg:$0x11]  }
0x15b: {  	[hbm4b:s21+s2] =	stream.linear.scatter [tilespmem:s9], [sflag:$0x5], $0x50, $0x38;
	[tilespmem:$0x11980] =	vst v63  }
0x15c: {  	_ =	swait.ge [sflag:s15], $0x50  }
0x15d: {  	[sflag:s15] =	ssyncset.done $0x0  }
0x15e: {  	[sflag:s15] =	ssyncadd.s32 $0xFFFFFFB0  }
0x15f: {  	_ =	swait.ge [sflag:s15], $0x50  }
0x160: {  	[sflag:s15] =	ssyncset.done $0x0  }
0x161: {  	[sflag:s15] =	ssyncadd.s32 $0xFFFFFFB0  }
0x162: {  	_ =	swait.ge [sflag:s13], $0x2800  }
0x163: {  	[sflag:s13] =	ssyncset.done $0x0  }
0x164: {  	[sflag:s13] =	ssyncadd.s32 $0xFFFFD800  }
0x165: {  	_ =	swait.ge [sflag:s13], $0x2800  }
0x166: {  	[sflag:s13] =	ssyncset.done $0x0  }
0x167: {  	[sflag:s13] =	ssyncadd.s32 $0xFFFFD800  }
0x168: {  	_ =	swait.ge [sflag:s13], $0x50  }
0x169: {  	[sflag:s13] =	ssyncset.done $0x0  }
0x16a: {  	[sflag:s13] =	ssyncadd.s32 $0xFFFFFFB0  }
0x16b: {  	_ =	swait.ge [sflag:s16], $0x2800  }
0x16c: {  	[sflag:s16] =	ssyncset.done $0x0  }
0x16d: {  	[sflag:s16] =	ssyncadd.s32 $0xFFFFD800  }
0x16e: {  	_ =	swait.ge [sflag:s16], $0x2800  }
0x16f: {  	[sflag:s16] =	ssyncset.done $0x0  }
0x170: {  	[sflag:s16] =	ssyncadd.s32 $0xFFFFD800  }
0x171: {  	_ =	swait.ge [sflag:s16], $0x50  }
0x172: {  	s22 =	rddreg [dreg:$0x16]  }
0x173: {  	s23 =	rddreg [dreg:$0x12];
	s9 =	sadd.s32 $0x1, s22  }
0x174: {  	p0 =	sne.s32 s9, s23  }
.Ltmp1:
0x175: {  	_ = 	snop;
	(pc) =	sbr.rel @p0 .LBB2_1-.Ltmp1, $3  }
0x176: {  	_ =	sdelay $0x1  }
0x177: {  	[sflag:s16] =	ssyncset.done $0x0  }
0x178: {  	[sflag:s16] =	ssyncadd.s32 $0xFFFFFFB0  }
0x179: {  	_ =	sfence.sel $0x180000  }
0x17a: {  	[bflag:$0x0] =	sbarrier.arrive $0xFFFF  }
0x17b: {  	_ =	strace $0x90000047  }
0x17c: {  	s0 =	stileid.u32;
	[bflag:$0x2] =	sbarrier.arrive $0xFFFF  }
0x17d: {  	p0 =	sne.s32 s0, $0x0;
	s0 =	rddreg [dreg:$0x2]  }
0x17e: {  	s0 =	sadd.s32 @!p0 $0x100000, s0  }
0x17f: {  	[sflag:s0] =	ssyncadd.tile.s32 @!p0 $0x1;
	_ =	shalt  }
.Lfunc_end2:
_tile_overlayer_lowered:
.L_overlay_start_2:
0x180: {  	(tag) =	ssettag $0x2  }
0x181: {  	s0 =	rddreg [dreg:$0x0];
	s2 =	stileid.u32  }
0x182: {  	s1 =	rddreg [dreg:$0x1];
	p0 =	sne.s32 s2, $0x0  }
0x183: {  	s3 =	rddreg [dreg:$0x2];
	[bflag:$0x3] =	sbarrier.arrive $0xFFFF;
	s2 =	simm.s32 @!p0 $0x1C07  }
0x184: {  	[timem:s3], [sflag:s2] =	dma.local @!p0 [hbm:s0], s1  }
0x185: {  	s0 =	simm.s32 @!p0 $0x7  }
0x186: {  	_ =	swait.ge @!p0 [sflag:s0], s1  }
0x187: {  	s1 =	ssub.s32 @!p0 $0x0, s1;
	[sflag:s0] =	ssyncset.done @!p0 $0x0  }
0x188: {  	[sflag:s0] =	ssyncadd.s32 @!p0 s1  }
0x189: {  	[bflag:$0x3] =	sbarrier.arrive $0xFFFF  }
0x18a: {  	_ =	shalt  }

</sc_bundles>
